<compile_context>
chip_gen: v7x
topology: tpu7x:2x2x1
jax: 0.10.2.dev20260603
libtpu: 0.0.44.dev20260713+nightly
codegen_flags: <defaults>
</compile_context>

<pallas_src>
import functools

import jax
import jax.numpy as jnp
from jax import lax
from jax.experimental import pallas as pl
from jax.experimental.pallas import tpu as pltpu
from jax.experimental.pallas import tpu_sc as plsc

D_MODEL = 768
NUM_EXPERTS = 64
INV_TEMPERATURE = 10.0
BLOCK_T = 4096
LANES = 16
N_TILES = 32
N_CHAINS = 4


def _logits_body(x_ref, w_ref, b_ref, logits_ref):
    acc = lax.dot_general(
        x_ref[...], w_ref[...], (((1,), (1,)), ((), ())),
        preferred_element_type=jnp.float32,
    )
    logits_ref[...] = (acc + b_ref[...]) * INV_TEMPERATURE


def _tc_logits(x, W, b2d):
    n = x.shape[0]
    bt = min(BLOCK_T, n)
    return pl.pallas_call(
        _logits_body,
        grid=(n // bt,),
        in_specs=[
            pl.BlockSpec((bt, D_MODEL), lambda i: (i, 0)),
            pl.BlockSpec((NUM_EXPERTS, D_MODEL), lambda i: (0, 0)),
            pl.BlockSpec((1, NUM_EXPERTS), lambda i: (0, 0)),
        ],
        out_specs=pl.BlockSpec((bt, NUM_EXPERTS), lambda i: (i, 0)),
        out_shape=jax.ShapeDtypeStruct((n, NUM_EXPERTS), jnp.float32),
    )(x, W, b2d)


def _merge_top2(a, b):
    am1, ai1, am2, ai2 = a
    bm1, bi1, bm2, bi2 = b
    b_gt = bm1 > am1
    m1 = jnp.where(b_gt, bm1, am1)
    i1 = jnp.where(b_gt, bi1, ai1)
    lm = jnp.where(b_gt, am1, bm1)
    li = jnp.where(b_gt, ai1, bi1)
    c_gt = bm2 > am2
    cm = jnp.where(c_gt, bm2, am2)
    ci = jnp.where(c_gt, bi2, ai2)
    swap = (cm > lm) | ((cm == lm) & (ci < li))
    m2 = jnp.where(swap, cm, lm)
    i2 = jnp.where(swap, ci, li)
    return m1, i1, m2, i2


@functools.lru_cache(maxsize=None)
def _make_sc_topk(n_tokens):
    per_tile = n_tokens // N_TILES
    tb = min(512, per_tile)
    n_blk = per_tile // tb
    n_grp = tb // LANES
    per_chain = NUM_EXPERTS // N_CHAINS
    mesh = plsc.VectorSubcoreMesh(core_axis_name="c", subcore_axis_name="s")

    @functools.partial(
        pl.kernel,
        mesh=mesh,
        out_type=[
            jax.ShapeDtypeStruct((2 * n_tokens,), jnp.float32),
            jax.ShapeDtypeStruct((2 * n_tokens,), jnp.int32),
        ],
        scratch_types=[
            pltpu.VMEM((tb * NUM_EXPERTS,), jnp.float32),
            pltpu.VMEM((2 * tb,), jnp.float32),
            pltpu.VMEM((2 * tb,), jnp.int32),
        ],
        compiler_params=pltpu.CompilerParams(needs_layout_passes=False),
    )
    def sc_topk(logits_hbm, probs_hbm, idx_hbm, in_v, pout_v, iout_v):
        wid = lax.axis_index("s") * 2 + lax.axis_index("c")
        tile_base = wid * per_tile
        lane = lax.broadcasted_iota(jnp.int32, (LANES,), 0)
        for blk in range(n_blk):
            b0 = tile_base + blk * tb
            pltpu.sync_copy(
                logits_hbm.at[pl.ds(b0 * NUM_EXPERTS, tb * NUM_EXPERTS)], in_v
            )

            def group(g, carry):
                rows = g * LANES + lane
                row_base = rows * NUM_EXPERTS
                neg = jnp.full((LANES,), -jnp.inf, jnp.float32)
                zero = jnp.zeros((LANES,), jnp.int32)
                chains = []
                for c in range(N_CHAINS):
                    m1, i1, m2, i2 = neg, zero, neg, zero
                    for k in range(per_chain):
                        e = c * per_chain + k
                        col = jnp.full((LANES,), e, jnp.int32)
                        v = plsc.load_gather(in_v, [row_base + col])
                        gt1 = v > m1
                        gt2 = v > m2
                        i2 = jnp.where(gt1, i1, jnp.where(gt2, col, i2))
                        m2 = jnp.maximum(m2, jnp.minimum(m1, v))
                        i1 = jnp.where(gt1, col, i1)
                        m1 = jnp.maximum(m1, v)
                    chains.append((m1, i1, m2, i2))
                ab = _merge_top2(chains[0], chains[1])
                cd = _merge_top2(chains[2], chains[3])
                m1, i1, m2, i2 = _merge_top2(ab, cd)
                p1 = 1.0 / (1.0 + jnp.exp(m2 - m1))
                even = 2 * rows
                odd = even + 1
                plsc.store_scatter(pout_v, [even], p1)
                plsc.store_scatter(pout_v, [odd], 1.0 - p1)
                plsc.store_scatter(iout_v, [even], i1)
                plsc.store_scatter(iout_v, [odd], i2)
                return carry

            lax.fori_loop(0, n_grp, group, 0)
            pltpu.sync_copy(pout_v, probs_hbm.at[pl.ds(2 * b0, 2 * tb)])
            pltpu.sync_copy(iout_v, idx_hbm.at[pl.ds(2 * b0, 2 * tb)])

    return sc_topk


@jax.jit
def kernel(x, W, b):
    n_tokens = x.shape[0]
    b2d = b.reshape(1, NUM_EXPERTS)
    logits = _tc_logits(x, W, b2d)
    sc_topk = _make_sc_topk(n_tokens)
    pf, if_ = sc_topk(logits.reshape(n_tokens * NUM_EXPERTS))
    return logits, pf.reshape(n_tokens, 2), if_.reshape(n_tokens, 2)

# --- scband reference (transcript-rebuilt; emitter-appended) ---
"""Pipeline reference for scband-router-18476949307969 (READ-ONLY COPY).

The authoritative reference and input builder live on the scoring server;
editing this copy changes nothing except your own understanding.
"""

import jax, jax.numpy as jnp
import numpy as np

D_MODEL = 768
NUM_EXPERTS = 64
TOP_K = 2
TEMPERATURE = 0.1
N_TOKENS = 32768


def setup_inputs(seed: int = 0) -> dict:
    key = jax.random.key(seed)
    k1, k2 = jax.random.split(key, 2)
    x = jax.random.normal(k1, (N_TOKENS, D_MODEL), dtype=jnp.float32)
    # nn.Linear(input_size, num_experts): weight [num_experts, input_size], bias [num_experts]
    W = jax.random.normal(k2, (NUM_EXPERTS, D_MODEL), dtype=jnp.float32) * (1.0 / np.sqrt(D_MODEL))
    b = jnp.zeros((NUM_EXPERTS,), dtype=jnp.float32)
    return {"x": x, "W": W, "b": b}


def reference(x, W, b):
    # routing_logits = Linear(x) / temperature
    routing_logits = (x @ W.T + b) / TEMPERATURE
    routing_probs = jax.nn.softmax(routing_logits, axis=-1)
    top_k_probs, top_k_indices = jax.lax.top_k(routing_probs, TOP_K)
    top_k_probs_normalized = top_k_probs / jnp.sum(top_k_probs, axis=-1, keepdims=True)
    return (routing_logits, top_k_probs_normalized, top_k_indices)

if __name__ == "__main__":
    import jax
    _d = setup_inputs()
    print(jax.jit(kernel)(*tuple(_d.values())))

</pallas_src>

<mosaic_0001>
#map = affine_map<(d0, d1) -> (0)>
module attributes {stable_mosaic.version = 14 : i64} {
  func.func @sc_topk(%arg0: i32, %arg1: i32, %arg2: memref<2097152xf32, #tpu.memory_space<hbm>>, %arg3: memref<65536xf32, #tpu.memory_space<hbm>>, %arg4: memref<65536xi32, #tpu.memory_space<hbm>>, %arg5: memref<32768xf32, #tpu.memory_space<vmem>>, %arg6: memref<1024xf32, #tpu.memory_space<vmem>>, %arg7: memref<1024xi32, #tpu.memory_space<vmem>>) attributes {dimension_semantics = [#tpu.dimension_semantics<core_parallel>, #tpu.dimension_semantics<subcore_parallel>], iteration_bounds = array<i64: 2, 16>, scalar_prefetch = 0 : i64, scratch_operands = 3 : i64, tpu.core_type = #tpu.core_type<sc_vector_subcore>, window_params = [{transform_indices = #map}, {transform_indices = #map}, {transform_indices = #map}]} {
    %mul3A = arith.constant 2 : i32
    %mul3A_0 = arith.muli %arg1, %mul3A : i32
    %add3A = arith.addi %mul3A_0, %arg0 : i32
    %mul3A_1 = arith.constant 1024 : i32
    %mul3A_2 = arith.muli %add3A, %mul3A_1 : i32
    %iota3A = tpu.iota {dimensions = array<i32: 0>} : vector<16xi32>
    %add3A_3 = arith.constant 0 : i32
    %add3A_4 = arith.addi %mul3A_2, %add3A_3 : i32
    %mul3A_5 = arith.constant 64 : i32
    %mul3A_6 = arith.muli %add3A_4, %mul3A_5 : i32
    "tpu.region"() ({
      %run_scoped3A = tpu.sem_alloc : memref<!tpu.dma_semaphore, #tpu.memory_space<semaphore_mem>>
      %dma_start3A = tpu.memref_slice %arg2[%mul3A_6] : memref<2097152xf32, #tpu.memory_space<hbm>> -> memref<32768xf32, #tpu.memory_space<hbm>>
      %dma_start3A_30 = tpu.memref_slice %arg2[%mul3A_6] : memref<2097152xf32, #tpu.memory_space<hbm>> -> memref<32768xf32, #tpu.memory_space<hbm>>
      tpu.enqueue_dma source(%dma_start3A_30 : memref<32768xf32, #tpu.memory_space<hbm>>) target(%arg5 : memref<32768xf32, #tpu.memory_space<vmem>>) target_semaphore(%run_scoped3A : memref<!tpu.dma_semaphore, #tpu.memory_space<semaphore_mem>>)
      %dma_wait3A = tpu.memref_slice %arg2[%mul3A_6] : memref<2097152xf32, #tpu.memory_space<hbm>> -> memref<32768xf32, #tpu.memory_space<hbm>>
      %dma_wait3A_31 = tpu.memref_slice %arg2[%mul3A_6] : memref<2097152xf32, #tpu.memory_space<hbm>> -> memref<32768xf32, #tpu.memory_space<hbm>>
      tpu.wait_dma2 semaphore(%run_scoped3A : memref<!tpu.dma_semaphore, #tpu.memory_space<semaphore_mem>>) src(%dma_wait3A_31 : memref<32768xf32, #tpu.memory_space<hbm>>) dst(%arg5 : memref<32768xf32, #tpu.memory_space<vmem>>)
      tpu.yield
    }) : () -> ()
    %scan3A = arith.constant 0 : i32
    %scan3A_7 = arith.constant 0 : i32
    %scan3A_8 = arith.constant 32 : i32
    %scan3A_9 = arith.addi %scan3A_7, %scan3A_8 : i32
    %scan3A_10 = arith.constant 1 : i32
    scf.for %scan3A_30 = %scan3A_7 to %scan3A_9 step %scan3A_10  : i32 {
      %mul3A_31 = arith.constant 16 : i32
      %mul3A_32 = arith.muli %scan3A_30, %mul3A_31 : i32
      %add3A_33 = vector.broadcast %mul3A_32 : i32 to vector<16xi32>
      %add3A_34 = arith.addi %add3A_33, %iota3A : vector<16xi32>
      %mul3A_35 = arith.constant 64 : i32
      %mul3A_36 = vector.broadcast %mul3A_35 : i32 to vector<16xi32>
      %mul3A_37 = arith.muli %add3A_34, %mul3A_36 : vector<16xi32>
      %broadcast_in_dim3A = arith.constant 0xFF800000 : f32
      %broadcast_in_dim3A_38 = vector.broadcast %broadcast_in_dim3A : f32 to vector<16xf32>
      %broadcast_in_dim3A_39 = arith.constant 0 : i32
      %broadcast_in_dim3A_40 = vector.broadcast %broadcast_in_dim3A_39 : i32 to vector<16xi32>
      %broadcast_in_dim3A_41 = arith.constant 0 : i32
      %broadcast_in_dim3A_42 = vector.broadcast %broadcast_in_dim3A_41 : i32 to vector<16xi32>
      %add3A_43 = arith.addi %mul3A_37, %broadcast_in_dim3A_42 : vector<16xi32>
      %gather3A = tpu.vector_load_idx %arg5[%add3A_43] : memref<32768xf32, #tpu.memory_space<vmem>>[vector<16xi32>], vector<16xf32>,
      %gt3A = arith.cmpf ogt, %gather3A, %broadcast_in_dim3A_38 : vector<16xf32>
      %gt3A_44 = arith.cmpf ogt, %gather3A, %broadcast_in_dim3A_38 : vector<16xf32>
      %select_n3A = arith.select %gt3A_44, %broadcast_in_dim3A_42, %broadcast_in_dim3A_40 : vector<16xi1>, vector<16xi32>
      %select_n3A_45 = arith.select %gt3A, %broadcast_in_dim3A_40, %select_n3A : vector<16xi1>, vector<16xi32>
      %min3A = arith.minimumf %broadcast_in_dim3A_38, %gather3A : vector<16xf32>
      %max3A = arith.maximumf %broadcast_in_dim3A_38, %min3A : vector<16xf32>
      %select_n3A_46 = arith.select %gt3A, %broadcast_in_dim3A_42, %broadcast_in_dim3A_40 : vector<16xi1>, vector<16xi32>
      %max3A_47 = arith.maximumf %broadcast_in_dim3A_38, %gather3A : vector<16xf32>
      %broadcast_in_dim3A_48 = arith.constant 1 : i32
      %broadcast_in_dim3A_49 = vector.broadcast %broadcast_in_dim3A_48 : i32 to vector<16xi32>
      %add3A_50 = arith.addi %mul3A_37, %broadcast_in_dim3A_49 : vector<16xi32>
      %gather3A_51 = tpu.vector_load_idx %arg5[%add3A_50] : memref<32768xf32, #tpu.memory_space<vmem>>[vector<16xi32>], vector<16xf32>,
      %gt3A_52 = arith.cmpf ogt, %gather3A_51, %max3A_47 : vector<16xf32>
      %gt3A_53 = arith.cmpf ogt, %gather3A_51, %max3A : vector<16xf32>
      %select_n3A_54 = arith.select %gt3A_53, %broadcast_in_dim3A_49, %select_n3A_45 : vector<16xi1>, vector<16xi32>
      %select_n3A_55 = arith.select %gt3A_52, %select_n3A_46, %select_n3A_54 : vector<16xi1>, vector<16xi32>
      %min3A_56 = arith.minimumf %max3A_47, %gather3A_51 : vector<16xf32>
      %max3A_57 = arith.maximumf %max3A, %min3A_56 : vector<16xf32>
      %select_n3A_58 = arith.select %gt3A_52, %broadcast_in_dim3A_49, %select_n3A_46 : vector<16xi1>, vector<16xi32>
      %max3A_59 = arith.maximumf %max3A_47, %gather3A_51 : vector<16xf32>
      %broadcast_in_dim3A_60 = arith.constant 2 : i32
      %broadcast_in_dim3A_61 = vector.broadcast %broadcast_in_dim3A_60 : i32 to vector<16xi32>
      %add3A_62 = arith.addi %mul3A_37, %broadcast_in_dim3A_61 : vector<16xi32>
      %gather3A_63 = tpu.vector_load_idx %arg5[%add3A_62] : memref<32768xf32, #tpu.memory_space<vmem>>[vector<16xi32>], vector<16xf32>,
      %gt3A_64 = arith.cmpf ogt, %gather3A_63, %max3A_59 : vector<16xf32>
      %gt3A_65 = arith.cmpf ogt, %gather3A_63, %max3A_57 : vector<16xf32>
      %select_n3A_66 = arith.select %gt3A_65, %broadcast_in_dim3A_61, %select_n3A_55 : vector<16xi1>, vector<16xi32>
      %select_n3A_67 = arith.select %gt3A_64, %select_n3A_58, %select_n3A_66 : vector<16xi1>, vector<16xi32>
      %min3A_68 = arith.minimumf %max3A_59, %gather3A_63 : vector<16xf32>
      %max3A_69 = arith.maximumf %max3A_57, %min3A_68 : vector<16xf32>
      %select_n3A_70 = arith.select %gt3A_64, %broadcast_in_dim3A_61, %select_n3A_58 : vector<16xi1>, vector<16xi32>
      %max3A_71 = arith.maximumf %max3A_59, %gather3A_63 : vector<16xf32>
      %broadcast_in_dim3A_72 = arith.constant 3 : i32
      %broadcast_in_dim3A_73 = vector.broadcast %broadcast_in_dim3A_72 : i32 to vector<16xi32>
      %add3A_74 = arith.addi %mul3A_37, %broadcast_in_dim3A_73 : vector<16xi32>
      %gather3A_75 = tpu.vector_load_idx %arg5[%add3A_74] : memref<32768xf32, #tpu.memory_space<vmem>>[vector<16xi32>], vector<16xf32>,
      %gt3A_76 = arith.cmpf ogt, %gather3A_75, %max3A_71 : vector<16xf32>
      %gt3A_77 = arith.cmpf ogt, %gather3A_75, %max3A_69 : vector<16xf32>
      %select_n3A_78 = arith.select %gt3A_77, %broadcast_in_dim3A_73, %select_n3A_67 : vector<16xi1>, vector<16xi32>
      %select_n3A_79 = arith.select %gt3A_76, %select_n3A_70, %select_n3A_78 : vector<16xi1>, vector<16xi32>
      %min3A_80 = arith.minimumf %max3A_71, %gather3A_75 : vector<16xf32>
      %max3A_81 = arith.maximumf %max3A_69, %min3A_80 : vector<16xf32>
      %select_n3A_82 = arith.select %gt3A_76, %broadcast_in_dim3A_73, %select_n3A_70 : vector<16xi1>, vector<16xi32>
      %max3A_83 = arith.maximumf %max3A_71, %gather3A_75 : vector<16xf32>
      %broadcast_in_dim3A_84 = arith.constant 4 : i32
      %broadcast_in_dim3A_85 = vector.broadcast %broadcast_in_dim3A_84 : i32 to vector<16xi32>
      %add3A_86 = arith.addi %mul3A_37, %broadcast_in_dim3A_85 : vector<16xi32>
      %gather3A_87 = tpu.vector_load_idx %arg5[%add3A_86] : memref<32768xf32, #tpu.memory_space<vmem>>[vector<16xi32>], vector<16xf32>,
      %gt3A_88 = arith.cmpf ogt, %gather3A_87, %max3A_83 : vector<16xf32>
      %gt3A_89 = arith.cmpf ogt, %gather3A_87, %max3A_81 : vector<16xf32>
      %select_n3A_90 = arith.select %gt3A_89, %broadcast_in_dim3A_85, %select_n3A_79 : vector<16xi1>, vector<16xi32>
      %select_n3A_91 = arith.select %gt3A_88, %select_n3A_82, %select_n3A_90 : vector<16xi1>, vector<16xi32>
      %min3A_92 = arith.minimumf %max3A_83, %gather3A_87 : vector<16xf32>
      %max3A_93 = arith.maximumf %max3A_81, %min3A_92 : vector<16xf32>
      %select_n3A_94 = arith.select %gt3A_88, %broadcast_in_dim3A_85, %select_n3A_82 : vector<16xi1>, vector<16xi32>
      %max3A_95 = arith.maximumf %max3A_83, %gather3A_87 : vector<16xf32>
      %broadcast_in_dim3A_96 = arith.constant 5 : i32
      %broadcast_in_dim3A_97 = vector.broadcast %broadcast_in_dim3A_96 : i32 to vector<16xi32>
      %add3A_98 = arith.addi %mul3A_37, %broadcast_in_dim3A_97 : vector<16xi32>
      %gather3A_99 = tpu.vector_load_idx %arg5[%add3A_98] : memref<32768xf32, #tpu.memory_space<vmem>>[vector<16xi32>], vector<16xf32>,
      %gt3A_100 = arith.cmpf ogt, %gather3A_99, %max3A_95 : vector<16xf32>
      %gt3A_101 = arith.cmpf ogt, %gather3A_99, %max3A_93 : vector<16xf32>
      %select_n3A_102 = arith.select %gt3A_101, %broadcast_in_dim3A_97, %select_n3A_91 : vector<16xi1>, vector<16xi32>
      %select_n3A_103 = arith.select %gt3A_100, %select_n3A_94, %select_n3A_102 : vector<16xi1>, vector<16xi32>
      %min3A_104 = arith.minimumf %max3A_95, %gather3A_99 : vector<16xf32>
      %max3A_105 = arith.maximumf %max3A_93, %min3A_104 : vector<16xf32>
      %select_n3A_106 = arith.select %gt3A_100, %broadcast_in_dim3A_97, %select_n3A_94 : vector<16xi1>, vector<16xi32>
      %max3A_107 = arith.maximumf %max3A_95, %gather3A_99 : vector<16xf32>
      %broadcast_in_dim3A_108 = arith.constant 6 : i32
      %broadcast_in_dim3A_109 = vector.broadcast %broadcast_in_dim3A_108 : i32 to vector<16xi32>
      %add3A_110 = arith.addi %mul3A_37, %broadcast_in_dim3A_109 : vector<16xi32>
      %gather3A_111 = tpu.vector_load_idx %arg5[%add3A_110] : memref<32768xf32, #tpu.memory_space<vmem>>[vector<16xi32>], vector<16xf32>,
      %gt3A_112 = arith.cmpf ogt, %gather3A_111, %max3A_107 : vector<16xf32>
      %gt3A_113 = arith.cmpf ogt, %gather3A_111, %max3A_105 : vector<16xf32>
      %select_n3A_114 = arith.select %gt3A_113, %broadcast_in_dim3A_109, %select_n3A_103 : vector<16xi1>, vector<16xi32>
      %select_n3A_115 = arith.select %gt3A_112, %select_n3A_106, %select_n3A_114 : vector<16xi1>, vector<16xi32>
      %min3A_116 = arith.minimumf %max3A_107, %gather3A_111 : vector<16xf32>
      %max3A_117 = arith.maximumf %max3A_105, %min3A_116 : vector<16xf32>
      %select_n3A_118 = arith.select %gt3A_112, %broadcast_in_dim3A_109, %select_n3A_106 : vector<16xi1>, vector<16xi32>
      %max3A_119 = arith.maximumf %max3A_107, %gather3A_111 : vector<16xf32>
      %broadcast_in_dim3A_120 = arith.constant 7 : i32
      %broadcast_in_dim3A_121 = vector.broadcast %broadcast_in_dim3A_120 : i32 to vector<16xi32>
      %add3A_122 = arith.addi %mul3A_37, %broadcast_in_dim3A_121 : vector<16xi32>
      %gather3A_123 = tpu.vector_load_idx %arg5[%add3A_122] : memref<32768xf32, #tpu.memory_space<vmem>>[vector<16xi32>], vector<16xf32>,
      %gt3A_124 = arith.cmpf ogt, %gather3A_123, %max3A_119 : vector<16xf32>
      %gt3A_125 = arith.cmpf ogt, %gather3A_123, %max3A_117 : vector<16xf32>
      %select_n3A_126 = arith.select %gt3A_125, %broadcast_in_dim3A_121, %select_n3A_115 : vector<16xi1>, vector<16xi32>
      %select_n3A_127 = arith.select %gt3A_124, %select_n3A_118, %select_n3A_126 : vector<16xi1>, vector<16xi32>
      %min3A_128 = arith.minimumf %max3A_119, %gather3A_123 : vector<16xf32>
      %max3A_129 = arith.maximumf %max3A_117, %min3A_128 : vector<16xf32>
      %select_n3A_130 = arith.select %gt3A_124, %broadcast_in_dim3A_121, %select_n3A_118 : vector<16xi1>, vector<16xi32>
      %max3A_131 = arith.maximumf %max3A_119, %gather3A_123 : vector<16xf32>
      %broadcast_in_dim3A_132 = arith.constant 8 : i32
      %broadcast_in_dim3A_133 = vector.broadcast %broadcast_in_dim3A_132 : i32 to vector<16xi32>
      %add3A_134 = arith.addi %mul3A_37, %broadcast_in_dim3A_133 : vector<16xi32>
      %gather3A_135 = tpu.vector_load_idx %arg5[%add3A_134] : memref<32768xf32, #tpu.memory_space<vmem>>[vector<16xi32>], vector<16xf32>,
      %gt3A_136 = arith.cmpf ogt, %gather3A_135, %max3A_131 : vector<16xf32>
      %gt3A_137 = arith.cmpf ogt, %gather3A_135, %max3A_129 : vector<16xf32>
      %select_n3A_138 = arith.select %gt3A_137, %broadcast_in_dim3A_133, %select_n3A_127 : vector<16xi1>, vector<16xi32>
      %select_n3A_139 = arith.select %gt3A_136, %select_n3A_130, %select_n3A_138 : vector<16xi1>, vector<16xi32>
      %min3A_140 = arith.minimumf %max3A_131, %gather3A_135 : vector<16xf32>
      %max3A_141 = arith.maximumf %max3A_129, %min3A_140 : vector<16xf32>
      %select_n3A_142 = arith.select %gt3A_136, %broadcast_in_dim3A_133, %select_n3A_130 : vector<16xi1>, vector<16xi32>
      %max3A_143 = arith.maximumf %max3A_131, %gather3A_135 : vector<16xf32>
      %broadcast_in_dim3A_144 = arith.constant 9 : i32
      %broadcast_in_dim3A_145 = vector.broadcast %broadcast_in_dim3A_144 : i32 to vector<16xi32>
      %add3A_146 = arith.addi %mul3A_37, %broadcast_in_dim3A_145 : vector<16xi32>
      %gather3A_147 = tpu.vector_load_idx %arg5[%add3A_146] : memref<32768xf32, #tpu.memory_space<vmem>>[vector<16xi32>], vector<16xf32>,
      %gt3A_148 = arith.cmpf ogt, %gather3A_147, %max3A_143 : vector<16xf32>
      %gt3A_149 = arith.cmpf ogt, %gather3A_147, %max3A_141 : vector<16xf32>
      %select_n3A_150 = arith.select %gt3A_149, %broadcast_in_dim3A_145, %select_n3A_139 : vector<16xi1>, vector<16xi32>
      %select_n3A_151 = arith.select %gt3A_148, %select_n3A_142, %select_n3A_150 : vector<16xi1>, vector<16xi32>
      %min3A_152 = arith.minimumf %max3A_143, %gather3A_147 : vector<16xf32>
      %max3A_153 = arith.maximumf %max3A_141, %min3A_152 : vector<16xf32>
      %select_n3A_154 = arith.select %gt3A_148, %broadcast_in_dim3A_145, %select_n3A_142 : vector<16xi1>, vector<16xi32>
      %max3A_155 = arith.maximumf %max3A_143, %gather3A_147 : vector<16xf32>
      %broadcast_in_dim3A_156 = arith.constant 10 : i32
      %broadcast_in_dim3A_157 = vector.broadcast %broadcast_in_dim3A_156 : i32 to vector<16xi32>
      %add3A_158 = arith.addi %mul3A_37, %broadcast_in_dim3A_157 : vector<16xi32>
      %gather3A_159 = tpu.vector_load_idx %arg5[%add3A_158] : memref<32768xf32, #tpu.memory_space<vmem>>[vector<16xi32>], vector<16xf32>,
      %gt3A_160 = arith.cmpf ogt, %gather3A_159, %max3A_155 : vector<16xf32>
      %gt3A_161 = arith.cmpf ogt, %gather3A_159, %max3A_153 : vector<16xf32>
      %select_n3A_162 = arith.select %gt3A_161, %broadcast_in_dim3A_157, %select_n3A_151 : vector<16xi1>, vector<16xi32>
      %select_n3A_163 = arith.select %gt3A_160, %select_n3A_154, %select_n3A_162 : vector<16xi1>, vector<16xi32>
      %min3A_164 = arith.minimumf %max3A_155, %gather3A_159 : vector<16xf32>
      %max3A_165 = arith.maximumf %max3A_153, %min3A_164 : vector<16xf32>
      %select_n3A_166 = arith.select %gt3A_160, %broadcast_in_dim3A_157, %select_n3A_154 : vector<16xi1>, vector<16xi32>
      %max3A_167 = arith.maximumf %max3A_155, %gather3A_159 : vector<16xf32>
      %broadcast_in_dim3A_168 = arith.constant 11 : i32
      %broadcast_in_dim3A_169 = vector.broadcast %broadcast_in_dim3A_168 : i32 to vector<16xi32>
      %add3A_170 = arith.addi %mul3A_37, %broadcast_in_dim3A_169 : vector<16xi32>
      %gather3A_171 = tpu.vector_load_idx %arg5[%add3A_170] : memref<32768xf32, #tpu.memory_space<vmem>>[vector<16xi32>], vector<16xf32>,
      %gt3A_172 = arith.cmpf ogt, %gather3A_171, %max3A_167 : vector<16xf32>
      %gt3A_173 = arith.cmpf ogt, %gather3A_171, %max3A_165 : vector<16xf32>
      %select_n3A_174 = arith.select %gt3A_173, %broadcast_in_dim3A_169, %select_n3A_163 : vector<16xi1>, vector<16xi32>
      %select_n3A_175 = arith.select %gt3A_172, %select_n3A_166, %select_n3A_174 : vector<16xi1>, vector<16xi32>
      %min3A_176 = arith.minimumf %max3A_167, %gather3A_171 : vector<16xf32>
      %max3A_177 = arith.maximumf %max3A_165, %min3A_176 : vector<16xf32>
      %select_n3A_178 = arith.select %gt3A_172, %broadcast_in_dim3A_169, %select_n3A_166 : vector<16xi1>, vector<16xi32>
      %max3A_179 = arith.maximumf %max3A_167, %gather3A_171 : vector<16xf32>
      %broadcast_in_dim3A_180 = arith.constant 12 : i32
      %broadcast_in_dim3A_181 = vector.broadcast %broadcast_in_dim3A_180 : i32 to vector<16xi32>
      %add3A_182 = arith.addi %mul3A_37, %broadcast_in_dim3A_181 : vector<16xi32>
      %gather3A_183 = tpu.vector_load_idx %arg5[%add3A_182] : memref<32768xf32, #tpu.memory_space<vmem>>[vector<16xi32>], vector<16xf32>,
      %gt3A_184 = arith.cmpf ogt, %gather3A_183, %max3A_179 : vector<16xf32>
      %gt3A_185 = arith.cmpf ogt, %gather3A_183, %max3A_177 : vector<16xf32>
      %select_n3A_186 = arith.select %gt3A_185, %broadcast_in_dim3A_181, %select_n3A_175 : vector<16xi1>, vector<16xi32>
      %select_n3A_187 = arith.select %gt3A_184, %select_n3A_178, %select_n3A_186 : vector<16xi1>, vector<16xi32>
      %min3A_188 = arith.minimumf %max3A_179, %gather3A_183 : vector<16xf32>
      %max3A_189 = arith.maximumf %max3A_177, %min3A_188 : vector<16xf32>
      %select_n3A_190 = arith.select %gt3A_184, %broadcast_in_dim3A_181, %select_n3A_178 : vector<16xi1>, vector<16xi32>
      %max3A_191 = arith.maximumf %max3A_179, %gather3A_183 : vector<16xf32>
      %broadcast_in_dim3A_192 = arith.constant 13 : i32
      %broadcast_in_dim3A_193 = vector.broadcast %broadcast_in_dim3A_192 : i32 to vector<16xi32>
      %add3A_194 = arith.addi %mul3A_37, %broadcast_in_dim3A_193 : vector<16xi32>
      %gather3A_195 = tpu.vector_load_idx %arg5[%add3A_194] : memref<32768xf32, #tpu.memory_space<vmem>>[vector<16xi32>], vector<16xf32>,
      %gt3A_196 = arith.cmpf ogt, %gather3A_195, %max3A_191 : vector<16xf32>
      %gt3A_197 = arith.cmpf ogt, %gather3A_195, %max3A_189 : vector<16xf32>
      %select_n3A_198 = arith.select %gt3A_197, %broadcast_in_dim3A_193, %select_n3A_187 : vector<16xi1>, vector<16xi32>
      %select_n3A_199 = arith.select %gt3A_196, %select_n3A_190, %select_n3A_198 : vector<16xi1>, vector<16xi32>
      %min3A_200 = arith.minimumf %max3A_191, %gather3A_195 : vector<16xf32>
      %max3A_201 = arith.maximumf %max3A_189, %min3A_200 : vector<16xf32>
      %select_n3A_202 = arith.select %gt3A_196, %broadcast_in_dim3A_193, %select_n3A_190 : vector<16xi1>, vector<16xi32>
      %max3A_203 = arith.maximumf %max3A_191, %gather3A_195 : vector<16xf32>
      %broadcast_in_dim3A_204 = arith.constant 14 : i32
      %broadcast_in_dim3A_205 = vector.broadcast %broadcast_in_dim3A_204 : i32 to vector<16xi32>
      %add3A_206 = arith.addi %mul3A_37, %broadcast_in_dim3A_205 : vector<16xi32>
      %gather3A_207 = tpu.vector_load_idx %arg5[%add3A_206] : memref<32768xf32, #tpu.memory_space<vmem>>[vector<16xi32>], vector<16xf32>,
      %gt3A_208 = arith.cmpf ogt, %gather3A_207, %max3A_203 : vector<16xf32>
      %gt3A_209 = arith.cmpf ogt, %gather3A_207, %max3A_201 : vector<16xf32>
      %select_n3A_210 = arith.select %gt3A_209, %broadcast_in_dim3A_205, %select_n3A_199 : vector<16xi1>, vector<16xi32>
      %select_n3A_211 = arith.select %gt3A_208, %select_n3A_202, %select_n3A_210 : vector<16xi1>, vector<16xi32>
      %min3A_212 = arith.minimumf %max3A_203, %gather3A_207 : vector<16xf32>
      %max3A_213 = arith.maximumf %max3A_201, %min3A_212 : vector<16xf32>
      %select_n3A_214 = arith.select %gt3A_208, %broadcast_in_dim3A_205, %select_n3A_202 : vector<16xi1>, vector<16xi32>
      %max3A_215 = arith.maximumf %max3A_203, %gather3A_207 : vector<16xf32>
      %broadcast_in_dim3A_216 = arith.constant 15 : i32
      %broadcast_in_dim3A_217 = vector.broadcast %broadcast_in_dim3A_216 : i32 to vector<16xi32>
      %add3A_218 = arith.addi %mul3A_37, %broadcast_in_dim3A_217 : vector<16xi32>
      %gather3A_219 = tpu.vector_load_idx %arg5[%add3A_218] : memref<32768xf32, #tpu.memory_space<vmem>>[vector<16xi32>], vector<16xf32>,
      %gt3A_220 = arith.cmpf ogt, %gather3A_219, %max3A_215 : vector<16xf32>
      %gt3A_221 = arith.cmpf ogt, %gather3A_219, %max3A_213 : vector<16xf32>
      %select_n3A_222 = arith.select %gt3A_221, %broadcast_in_dim3A_217, %select_n3A_211 : vector<16xi1>, vector<16xi32>
      %select_n3A_223 = arith.select %gt3A_220, %select_n3A_214, %select_n3A_222 : vector<16xi1>, vector<16xi32>
      %min3A_224 = arith.minimumf %max3A_215, %gather3A_219 : vector<16xf32>
      %max3A_225 = arith.maximumf %max3A_213, %min3A_224 : vector<16xf32>
      %select_n3A_226 = arith.select %gt3A_220, %broadcast_in_dim3A_217, %select_n3A_214 : vector<16xi1>, vector<16xi32>
      %max3A_227 = arith.maximumf %max3A_215, %gather3A_219 : vector<16xf32>
      %broadcast_in_dim3A_228 = arith.constant 16 : i32
      %broadcast_in_dim3A_229 = vector.broadcast %broadcast_in_dim3A_228 : i32 to vector<16xi32>
      %add3A_230 = arith.addi %mul3A_37, %broadcast_in_dim3A_229 : vector<16xi32>
      %gather3A_231 = tpu.vector_load_idx %arg5[%add3A_230] : memref<32768xf32, #tpu.memory_space<vmem>>[vector<16xi32>], vector<16xf32>,
      %gt3A_232 = arith.cmpf ogt, %gather3A_231, %broadcast_in_dim3A_38 : vector<16xf32>
      %gt3A_233 = arith.cmpf ogt, %gather3A_231, %broadcast_in_dim3A_38 : vector<16xf32>
      %select_n3A_234 = arith.select %gt3A_233, %broadcast_in_dim3A_229, %broadcast_in_dim3A_40 : vector<16xi1>, vector<16xi32>
      %select_n3A_235 = arith.select %gt3A_232, %broadcast_in_dim3A_40, %select_n3A_234 : vector<16xi1>, vector<16xi32>
      %min3A_236 = arith.minimumf %broadcast_in_dim3A_38, %gather3A_231 : vector<16xf32>
      %max3A_237 = arith.maximumf %broadcast_in_dim3A_38, %min3A_236 : vector<16xf32>
      %select_n3A_238 = arith.select %gt3A_232, %broadcast_in_dim3A_229, %broadcast_in_dim3A_40 : vector<16xi1>, vector<16xi32>
      %max3A_239 = arith.maximumf %broadcast_in_dim3A_38, %gather3A_231 : vector<16xf32>
      %broadcast_in_dim3A_240 = arith.constant 17 : i32
      %broadcast_in_dim3A_241 = vector.broadcast %broadcast_in_dim3A_240 : i32 to vector<16xi32>
      %add3A_242 = arith.addi %mul3A_37, %broadcast_in_dim3A_241 : vector<16xi32>
      %gather3A_243 = tpu.vector_load_idx %arg5[%add3A_242] : memref<32768xf32, #tpu.memory_space<vmem>>[vector<16xi32>], vector<16xf32>,
      %gt3A_244 = arith.cmpf ogt, %gather3A_243, %max3A_239 : vector<16xf32>
      %gt3A_245 = arith.cmpf ogt, %gather3A_243, %max3A_237 : vector<16xf32>
      %select_n3A_246 = arith.select %gt3A_245, %broadcast_in_dim3A_241, %select_n3A_235 : vector<16xi1>, vector<16xi32>
      %select_n3A_247 = arith.select %gt3A_244, %select_n3A_238, %select_n3A_246 : vector<16xi1>, vector<16xi32>
      %min3A_248 = arith.minimumf %max3A_239, %gather3A_243 : vector<16xf32>
      %max3A_249 = arith.maximumf %max3A_237, %min3A_248 : vector<16xf32>
      %select_n3A_250 = arith.select %gt3A_244, %broadcast_in_dim3A_241, %select_n3A_238 : vector<16xi1>, vector<16xi32>
      %max3A_251 = arith.maximumf %max3A_239, %gather3A_243 : vector<16xf32>
      %broadcast_in_dim3A_252 = arith.constant 18 : i32
      %broadcast_in_dim3A_253 = vector.broadcast %broadcast_in_dim3A_252 : i32 to vector<16xi32>
      %add3A_254 = arith.addi %mul3A_37, %broadcast_in_dim3A_253 : vector<16xi32>
      %gather3A_255 = tpu.vector_load_idx %arg5[%add3A_254] : memref<32768xf32, #tpu.memory_space<vmem>>[vector<16xi32>], vector<16xf32>,
      %gt3A_256 = arith.cmpf ogt, %gather3A_255, %max3A_251 : vector<16xf32>
      %gt3A_257 = arith.cmpf ogt, %gather3A_255, %max3A_249 : vector<16xf32>
      %select_n3A_258 = arith.select %gt3A_257, %broadcast_in_dim3A_253, %select_n3A_247 : vector<16xi1>, vector<16xi32>
      %select_n3A_259 = arith.select %gt3A_256, %select_n3A_250, %select_n3A_258 : vector<16xi1>, vector<16xi32>
      %min3A_260 = arith.minimumf %max3A_251, %gather3A_255 : vector<16xf32>
      %max3A_261 = arith.maximumf %max3A_249, %min3A_260 : vector<16xf32>
      %select_n3A_262 = arith.select %gt3A_256, %broadcast_in_dim3A_253, %select_n3A_250 : vector<16xi1>, vector<16xi32>
      %max3A_263 = arith.maximumf %max3A_251, %gather3A_255 : vector<16xf32>
      %broadcast_in_dim3A_264 = arith.constant 19 : i32
      %broadcast_in_dim3A_265 = vector.broadcast %broadcast_in_dim3A_264 : i32 to vector<16xi32>
      %add3A_266 = arith.addi %mul3A_37, %broadcast_in_dim3A_265 : vector<16xi32>
      %gather3A_267 = tpu.vector_load_idx %arg5[%add3A_266] : memref<32768xf32, #tpu.memory_space<vmem>>[vector<16xi32>], vector<16xf32>,
      %gt3A_268 = arith.cmpf ogt, %gather3A_267, %max3A_263 : vector<16xf32>
      %gt3A_269 = arith.cmpf ogt, %gather3A_267, %max3A_261 : vector<16xf32>
      %select_n3A_270 = arith.select %gt3A_269, %broadcast_in_dim3A_265, %select_n3A_259 : vector<16xi1>, vector<16xi32>
      %select_n3A_271 = arith.select %gt3A_268, %select_n3A_262, %select_n3A_270 : vector<16xi1>, vector<16xi32>
      %min3A_272 = arith.minimumf %max3A_263, %gather3A_267 : vector<16xf32>
      %max3A_273 = arith.maximumf %max3A_261, %min3A_272 : vector<16xf32>
      %select_n3A_274 = arith.select %gt3A_268, %broadcast_in_dim3A_265, %select_n3A_262 : vector<16xi1>, vector<16xi32>
      %max3A_275 = arith.maximumf %max3A_263, %gather3A_267 : vector<16xf32>
      %broadcast_in_dim3A_276 = arith.constant 20 : i32
      %broadcast_in_dim3A_277 = vector.broadcast %broadcast_in_dim3A_276 : i32 to vector<16xi32>
      %add3A_278 = arith.addi %mul3A_37, %broadcast_in_dim3A_277 : vector<16xi32>
      %gather3A_279 = tpu.vector_load_idx %arg5[%add3A_278] : memref<32768xf32, #tpu.memory_space<vmem>>[vector<16xi32>], vector<16xf32>,
      %gt3A_280 = arith.cmpf ogt, %gather3A_279, %max3A_275 : vector<16xf32>
      %gt3A_281 = arith.cmpf ogt, %gather3A_279, %max3A_273 : vector<16xf32>
      %select_n3A_282 = arith.select %gt3A_281, %broadcast_in_dim3A_277, %select_n3A_271 : vector<16xi1>, vector<16xi32>
      %select_n3A_283 = arith.select %gt3A_280, %select_n3A_274, %select_n3A_282 : vector<16xi1>, vector<16xi32>
      %min3A_284 = arith.minimumf %max3A_275, %gather3A_279 : vector<16xf32>
      %max3A_285 = arith.maximumf %max3A_273, %min3A_284 : vector<16xf32>
      %select_n3A_286 = arith.select %gt3A_280, %broadcast_in_dim3A_277, %select_n3A_274 : vector<16xi1>, vector<16xi32>
      %max3A_287 = arith.maximumf %max3A_275, %gather3A_279 : vector<16xf32>
      %broadcast_in_dim3A_288 = arith.constant 21 : i32
      %broadcast_in_dim3A_289 = vector.broadcast %broadcast_in_dim3A_288 : i32 to vector<16xi32>
      %add3A_290 = arith.addi %mul3A_37, %broadcast_in_dim3A_289 : vector<16xi32>
      %gather3A_291 = tpu.vector_load_idx %arg5[%add3A_290] : memref<32768xf32, #tpu.memory_space<vmem>>[vector<16xi32>], vector<16xf32>,
      %gt3A_292 = arith.cmpf ogt, %gather3A_291, %max3A_287 : vector<16xf32>
      %gt3A_293 = arith.cmpf ogt, %gather3A_291, %max3A_285 : vector<16xf32>
      %select_n3A_294 = arith.select %gt3A_293, %broadcast_in_dim3A_289, %select_n3A_283 : vector<16xi1>, vector<16xi32>
      %select_n3A_295 = arith.select %gt3A_292, %select_n3A_286, %select_n3A_294 : vector<16xi1>, vector<16xi32>
      %min3A_296 = arith.minimumf %max3A_287, %gather3A_291 : vector<16xf32>
      %max3A_297 = arith.maximumf %max3A_285, %min3A_296 : vector<16xf32>
      %select_n3A_298 = arith.select %gt3A_292, %broadcast_in_dim3A_289, %select_n3A_286 : vector<16xi1>, vector<16xi32>
      %max3A_299 = arith.maximumf %max3A_287, %gather3A_291 : vector<16xf32>
      %broadcast_in_dim3A_300 = arith.constant 22 : i32
      %broadcast_in_dim3A_301 = vector.broadcast %broadcast_in_dim3A_300 : i32 to vector<16xi32>
      %add3A_302 = arith.addi %mul3A_37, %broadcast_in_dim3A_301 : vector<16xi32>
      %gather3A_303 = tpu.vector_load_idx %arg5[%add3A_302] : memref<32768xf32, #tpu.memory_space<vmem>>[vector<16xi32>], vector<16xf32>,
      %gt3A_304 = arith.cmpf ogt, %gather3A_303, %max3A_299 : vector<16xf32>
      %gt3A_305 = arith.cmpf ogt, %gather3A_303, %max3A_297 : vector<16xf32>
      %select_n3A_306 = arith.select %gt3A_305, %broadcast_in_dim3A_301, %select_n3A_295 : vector<16xi1>, vector<16xi32>
      %select_n3A_307 = arith.select %gt3A_304, %select_n3A_298, %select_n3A_306 : vector<16xi1>, vector<16xi32>
      %min3A_308 = arith.minimumf %max3A_299, %gather3A_303 : vector<16xf32>
      %max3A_309 = arith.maximumf %max3A_297, %min3A_308 : vector<16xf32>
      %select_n3A_310 = arith.select %gt3A_304, %broadcast_in_dim3A_301, %select_n3A_298 : vector<16xi1>, vector<16xi32>
      %max3A_311 = arith.maximumf %max3A_299, %gather3A_303 : vector<16xf32>
      %broadcast_in_dim3A_312 = arith.constant 23 : i32
      %broadcast_in_dim3A_313 = vector.broadcast %broadcast_in_dim3A_312 : i32 to vector<16xi32>
      %add3A_314 = arith.addi %mul3A_37, %broadcast_in_dim3A_313 : vector<16xi32>
      %gather3A_315 = tpu.vector_load_idx %arg5[%add3A_314] : memref<32768xf32, #tpu.memory_space<vmem>>[vector<16xi32>], vector<16xf32>,
      %gt3A_316 = arith.cmpf ogt, %gather3A_315, %max3A_311 : vector<16xf32>
      %gt3A_317 = arith.cmpf ogt, %gather3A_315, %max3A_309 : vector<16xf32>
      %select_n3A_318 = arith.select %gt3A_317, %broadcast_in_dim3A_313, %select_n3A_307 : vector<16xi1>, vector<16xi32>
      %select_n3A_319 = arith.select %gt3A_316, %select_n3A_310, %select_n3A_318 : vector<16xi1>, vector<16xi32>
      %min3A_320 = arith.minimumf %max3A_311, %gather3A_315 : vector<16xf32>
      %max3A_321 = arith.maximumf %max3A_309, %min3A_320 : vector<16xf32>
      %select_n3A_322 = arith.select %gt3A_316, %broadcast_in_dim3A_313, %select_n3A_310 : vector<16xi1>, vector<16xi32>
      %max3A_323 = arith.maximumf %max3A_311, %gather3A_315 : vector<16xf32>
      %broadcast_in_dim3A_324 = arith.constant 24 : i32
      %broadcast_in_dim3A_325 = vector.broadcast %broadcast_in_dim3A_324 : i32 to vector<16xi32>
      %add3A_326 = arith.addi %mul3A_37, %broadcast_in_dim3A_325 : vector<16xi32>
      %gather3A_327 = tpu.vector_load_idx %arg5[%add3A_326] : memref<32768xf32, #tpu.memory_space<vmem>>[vector<16xi32>], vector<16xf32>,
      %gt3A_328 = arith.cmpf ogt, %gather3A_327, %max3A_323 : vector<16xf32>
      %gt3A_329 = arith.cmpf ogt, %gather3A_327, %max3A_321 : vector<16xf32>
      %select_n3A_330 = arith.select %gt3A_329, %broadcast_in_dim3A_325, %select_n3A_319 : vector<16xi1>, vector<16xi32>
      %select_n3A_331 = arith.select %gt3A_328, %select_n3A_322, %select_n3A_330 : vector<16xi1>, vector<16xi32>
      %min3A_332 = arith.minimumf %max3A_323, %gather3A_327 : vector<16xf32>
      %max3A_333 = arith.maximumf %max3A_321, %min3A_332 : vector<16xf32>
      %select_n3A_334 = arith.select %gt3A_328, %broadcast_in_dim3A_325, %select_n3A_322 : vector<16xi1>, vector<16xi32>
      %max3A_335 = arith.maximumf %max3A_323, %gather3A_327 : vector<16xf32>
      %broadcast_in_dim3A_336 = arith.constant 25 : i32
      %broadcast_in_dim3A_337 = vector.broadcast %broadcast_in_dim3A_336 : i32 to vector<16xi32>
      %add3A_338 = arith.addi %mul3A_37, %broadcast_in_dim3A_337 : vector<16xi32>
      %gather3A_339 = tpu.vector_load_idx %arg5[%add3A_338] : memref<32768xf32, #tpu.memory_space<vmem>>[vector<16xi32>], vector<16xf32>,
      %gt3A_340 = arith.cmpf ogt, %gather3A_339, %max3A_335 : vector<16xf32>
      %gt3A_341 = arith.cmpf ogt, %gather3A_339, %max3A_333 : vector<16xf32>
      %select_n3A_342 = arith.select %gt3A_341, %broadcast_in_dim3A_337, %select_n3A_331 : vector<16xi1>, vector<16xi32>
      %select_n3A_343 = arith.select %gt3A_340, %select_n3A_334, %select_n3A_342 : vector<16xi1>, vector<16xi32>
      %min3A_344 = arith.minimumf %max3A_335, %gather3A_339 : vector<16xf32>
      %max3A_345 = arith.maximumf %max3A_333, %min3A_344 : vector<16xf32>
      %select_n3A_346 = arith.select %gt3A_340, %broadcast_in_dim3A_337, %select_n3A_334 : vector<16xi1>, vector<16xi32>
      %max3A_347 = arith.maximumf %max3A_335, %gather3A_339 : vector<16xf32>
      %broadcast_in_dim3A_348 = arith.constant 26 : i32
      %broadcast_in_dim3A_349 = vector.broadcast %broadcast_in_dim3A_348 : i32 to vector<16xi32>
      %add3A_350 = arith.addi %mul3A_37, %broadcast_in_dim3A_349 : vector<16xi32>
      %gather3A_351 = tpu.vector_load_idx %arg5[%add3A_350] : memref<32768xf32, #tpu.memory_space<vmem>>[vector<16xi32>], vector<16xf32>,
      %gt3A_352 = arith.cmpf ogt, %gather3A_351, %max3A_347 : vector<16xf32>
      %gt3A_353 = arith.cmpf ogt, %gather3A_351, %max3A_345 : vector<16xf32>
      %select_n3A_354 = arith.select %gt3A_353, %broadcast_in_dim3A_349, %select_n3A_343 : vector<16xi1>, vector<16xi32>
      %select_n3A_355 = arith.select %gt3A_352, %select_n3A_346, %select_n3A_354 : vector<16xi1>, vector<16xi32>
      %min3A_356 = arith.minimumf %max3A_347, %gather3A_351 : vector<16xf32>
      %max3A_357 = arith.maximumf %max3A_345, %min3A_356 : vector<16xf32>
      %select_n3A_358 = arith.select %gt3A_352, %broadcast_in_dim3A_349, %select_n3A_346 : vector<16xi1>, vector<16xi32>
      %max3A_359 = arith.maximumf %max3A_347, %gather3A_351 : vector<16xf32>
      %broadcast_in_dim3A_360 = arith.constant 27 : i32
      %broadcast_in_dim3A_361 = vector.broadcast %broadcast_in_dim3A_360 : i32 to vector<16xi32>
      %add3A_362 = arith.addi %mul3A_37, %broadcast_in_dim3A_361 : vector<16xi32>
      %gather3A_363 = tpu.vector_load_idx %arg5[%add3A_362] : memref<32768xf32, #tpu.memory_space<vmem>>[vector<16xi32>], vector<16xf32>,
      %gt3A_364 = arith.cmpf ogt, %gather3A_363, %max3A_359 : vector<16xf32>
      %gt3A_365 = arith.cmpf ogt, %gather3A_363, %max3A_357 : vector<16xf32>
      %select_n3A_366 = arith.select %gt3A_365, %broadcast_in_dim3A_361, %select_n3A_355 : vector<16xi1>, vector<16xi32>
      %select_n3A_367 = arith.select %gt3A_364, %select_n3A_358, %select_n3A_366 : vector<16xi1>, vector<16xi32>
      %min3A_368 = arith.minimumf %max3A_359, %gather3A_363 : vector<16xf32>
      %max3A_369 = arith.maximumf %max3A_357, %min3A_368 : vector<16xf32>
      %select_n3A_370 = arith.select %gt3A_364, %broadcast_in_dim3A_361, %select_n3A_358 : vector<16xi1>, vector<16xi32>
      %max3A_371 = arith.maximumf %max3A_359, %gather3A_363 : vector<16xf32>
      %broadcast_in_dim3A_372 = arith.constant 28 : i32
      %broadcast_in_dim3A_373 = vector.broadcast %broadcast_in_dim3A_372 : i32 to vector<16xi32>
      %add3A_374 = arith.addi %mul3A_37, %broadcast_in_dim3A_373 : vector<16xi32>
      %gather3A_375 = tpu.vector_load_idx %arg5[%add3A_374] : memref<32768xf32, #tpu.memory_space<vmem>>[vector<16xi32>], vector<16xf32>,
      %gt3A_376 = arith.cmpf ogt, %gather3A_375, %max3A_371 : vector<16xf32>
      %gt3A_377 = arith.cmpf ogt, %gather3A_375, %max3A_369 : vector<16xf32>
      %select_n3A_378 = arith.select %gt3A_377, %broadcast_in_dim3A_373, %select_n3A_367 : vector<16xi1>, vector<16xi32>
      %select_n3A_379 = arith.select %gt3A_376, %select_n3A_370, %select_n3A_378 : vector<16xi1>, vector<16xi32>
      %min3A_380 = arith.minimumf %max3A_371, %gather3A_375 : vector<16xf32>
      %max3A_381 = arith.maximumf %max3A_369, %min3A_380 : vector<16xf32>
      %select_n3A_382 = arith.select %gt3A_376, %broadcast_in_dim3A_373, %select_n3A_370 : vector<16xi1>, vector<16xi32>
      %max3A_383 = arith.maximumf %max3A_371, %gather3A_375 : vector<16xf32>
      %broadcast_in_dim3A_384 = arith.constant 29 : i32
      %broadcast_in_dim3A_385 = vector.broadcast %broadcast_in_dim3A_384 : i32 to vector<16xi32>
      %add3A_386 = arith.addi %mul3A_37, %broadcast_in_dim3A_385 : vector<16xi32>
      %gather3A_387 = tpu.vector_load_idx %arg5[%add3A_386] : memref<32768xf32, #tpu.memory_space<vmem>>[vector<16xi32>], vector<16xf32>,
      %gt3A_388 = arith.cmpf ogt, %gather3A_387, %max3A_383 : vector<16xf32>
      %gt3A_389 = arith.cmpf ogt, %gather3A_387, %max3A_381 : vector<16xf32>
      %select_n3A_390 = arith.select %gt3A_389, %broadcast_in_dim3A_385, %select_n3A_379 : vector<16xi1>, vector<16xi32>
      %select_n3A_391 = arith.select %gt3A_388, %select_n3A_382, %select_n3A_390 : vector<16xi1>, vector<16xi32>
      %min3A_392 = arith.minimumf %max3A_383, %gather3A_387 : vector<16xf32>
      %max3A_393 = arith.maximumf %max3A_381, %min3A_392 : vector<16xf32>
      %select_n3A_394 = arith.select %gt3A_388, %broadcast_in_dim3A_385, %select_n3A_382 : vector<16xi1>, vector<16xi32>
      %max3A_395 = arith.maximumf %max3A_383, %gather3A_387 : vector<16xf32>
      %broadcast_in_dim3A_396 = arith.constant 30 : i32
      %broadcast_in_dim3A_397 = vector.broadcast %broadcast_in_dim3A_396 : i32 to vector<16xi32>
      %add3A_398 = arith.addi %mul3A_37, %broadcast_in_dim3A_397 : vector<16xi32>
      %gather3A_399 = tpu.vector_load_idx %arg5[%add3A_398] : memref<32768xf32, #tpu.memory_space<vmem>>[vector<16xi32>], vector<16xf32>,
      %gt3A_400 = arith.cmpf ogt, %gather3A_399, %max3A_395 : vector<16xf32>
      %gt3A_401 = arith.cmpf ogt, %gather3A_399, %max3A_393 : vector<16xf32>
      %select_n3A_402 = arith.select %gt3A_401, %broadcast_in_dim3A_397, %select_n3A_391 : vector<16xi1>, vector<16xi32>
      %select_n3A_403 = arith.select %gt3A_400, %select_n3A_394, %select_n3A_402 : vector<16xi1>, vector<16xi32>
      %min3A_404 = arith.minimumf %max3A_395, %gather3A_399 : vector<16xf32>
      %max3A_405 = arith.maximumf %max3A_393, %min3A_404 : vector<16xf32>
      %select_n3A_406 = arith.select %gt3A_400, %broadcast_in_dim3A_397, %select_n3A_394 : vector<16xi1>, vector<16xi32>
      %max3A_407 = arith.maximumf %max3A_395, %gather3A_399 : vector<16xf32>
      %broadcast_in_dim3A_408 = arith.constant 31 : i32
      %broadcast_in_dim3A_409 = vector.broadcast %broadcast_in_dim3A_408 : i32 to vector<16xi32>
      %add3A_410 = arith.addi %mul3A_37, %broadcast_in_dim3A_409 : vector<16xi32>
      %gather3A_411 = tpu.vector_load_idx %arg5[%add3A_410] : memref<32768xf32, #tpu.memory_space<vmem>>[vector<16xi32>], vector<16xf32>,
      %gt3A_412 = arith.cmpf ogt, %gather3A_411, %max3A_407 : vector<16xf32>
      %gt3A_413 = arith.cmpf ogt, %gather3A_411, %max3A_405 : vector<16xf32>
      %select_n3A_414 = arith.select %gt3A_413, %broadcast_in_dim3A_409, %select_n3A_403 : vector<16xi1>, vector<16xi32>
      %select_n3A_415 = arith.select %gt3A_412, %select_n3A_406, %select_n3A_414 : vector<16xi1>, vector<16xi32>
      %min3A_416 = arith.minimumf %max3A_407, %gather3A_411 : vector<16xf32>
      %max3A_417 = arith.maximumf %max3A_405, %min3A_416 : vector<16xf32>
      %select_n3A_418 = arith.select %gt3A_412, %broadcast_in_dim3A_409, %select_n3A_406 : vector<16xi1>, vector<16xi32>
      %max3A_419 = arith.maximumf %max3A_407, %gather3A_411 : vector<16xf32>
      %broadcast_in_dim3A_420 = arith.constant 32 : i32
      %broadcast_in_dim3A_421 = vector.broadcast %broadcast_in_dim3A_420 : i32 to vector<16xi32>
      %add3A_422 = arith.addi %mul3A_37, %broadcast_in_dim3A_421 : vector<16xi32>
      %gather3A_423 = tpu.vector_load_idx %arg5[%add3A_422] : memref<32768xf32, #tpu.memory_space<vmem>>[vector<16xi32>], vector<16xf32>,
      %gt3A_424 = arith.cmpf ogt, %gather3A_423, %broadcast_in_dim3A_38 : vector<16xf32>
      %gt3A_425 = arith.cmpf ogt, %gather3A_423, %broadcast_in_dim3A_38 : vector<16xf32>
      %select_n3A_426 = arith.select %gt3A_425, %broadcast_in_dim3A_421, %broadcast_in_dim3A_40 : vector<16xi1>, vector<16xi32>
      %select_n3A_427 = arith.select %gt3A_424, %broadcast_in_dim3A_40, %select_n3A_426 : vector<16xi1>, vector<16xi32>
      %min3A_428 = arith.minimumf %broadcast_in_dim3A_38, %gather3A_423 : vector<16xf32>
      %max3A_429 = arith.maximumf %broadcast_in_dim3A_38, %min3A_428 : vector<16xf32>
      %select_n3A_430 = arith.select %gt3A_424, %broadcast_in_dim3A_421, %broadcast_in_dim3A_40 : vector<16xi1>, vector<16xi32>
      %max3A_431 = arith.maximumf %broadcast_in_dim3A_38, %gather3A_423 : vector<16xf32>
      %broadcast_in_dim3A_432 = arith.constant 33 : i32
      %broadcast_in_dim3A_433 = vector.broadcast %broadcast_in_dim3A_432 : i32 to vector<16xi32>
      %add3A_434 = arith.addi %mul3A_37, %broadcast_in_dim3A_433 : vector<16xi32>
      %gather3A_435 = tpu.vector_load_idx %arg5[%add3A_434] : memref<32768xf32, #tpu.memory_space<vmem>>[vector<16xi32>], vector<16xf32>,
      %gt3A_436 = arith.cmpf ogt, %gather3A_435, %max3A_431 : vector<16xf32>
      %gt3A_437 = arith.cmpf ogt, %gather3A_435, %max3A_429 : vector<16xf32>
      %select_n3A_438 = arith.select %gt3A_437, %broadcast_in_dim3A_433, %select_n3A_427 : vector<16xi1>, vector<16xi32>
      %select_n3A_439 = arith.select %gt3A_436, %select_n3A_430, %select_n3A_438 : vector<16xi1>, vector<16xi32>
      %min3A_440 = arith.minimumf %max3A_431, %gather3A_435 : vector<16xf32>
      %max3A_441 = arith.maximumf %max3A_429, %min3A_440 : vector<16xf32>
      %select_n3A_442 = arith.select %gt3A_436, %broadcast_in_dim3A_433, %select_n3A_430 : vector<16xi1>, vector<16xi32>
      %max3A_443 = arith.maximumf %max3A_431, %gather3A_435 : vector<16xf32>
      %broadcast_in_dim3A_444 = arith.constant 34 : i32
      %broadcast_in_dim3A_445 = vector.broadcast %broadcast_in_dim3A_444 : i32 to vector<16xi32>
      %add3A_446 = arith.addi %mul3A_37, %broadcast_in_dim3A_445 : vector<16xi32>
      %gather3A_447 = tpu.vector_load_idx %arg5[%add3A_446] : memref<32768xf32, #tpu.memory_space<vmem>>[vector<16xi32>], vector<16xf32>,
      %gt3A_448 = arith.cmpf ogt, %gather3A_447, %max3A_443 : vector<16xf32>
      %gt3A_449 = arith.cmpf ogt, %gather3A_447, %max3A_441 : vector<16xf32>
      %select_n3A_450 = arith.select %gt3A_449, %broadcast_in_dim3A_445, %select_n3A_439 : vector<16xi1>, vector<16xi32>
      %select_n3A_451 = arith.select %gt3A_448, %select_n3A_442, %select_n3A_450 : vector<16xi1>, vector<16xi32>
      %min3A_452 = arith.minimumf %max3A_443, %gather3A_447 : vector<16xf32>
      %max3A_453 = arith.maximumf %max3A_441, %min3A_452 : vector<16xf32>
      %select_n3A_454 = arith.select %gt3A_448, %broadcast_in_dim3A_445, %select_n3A_442 : vector<16xi1>, vector<16xi32>
      %max3A_455 = arith.maximumf %max3A_443, %gather3A_447 : vector<16xf32>
      %broadcast_in_dim3A_456 = arith.constant 35 : i32
      %broadcast_in_dim3A_457 = vector.broadcast %broadcast_in_dim3A_456 : i32 to vector<16xi32>
      %add3A_458 = arith.addi %mul3A_37, %broadcast_in_dim3A_457 : vector<16xi32>
      %gather3A_459 = tpu.vector_load_idx %arg5[%add3A_458] : memref<32768xf32, #tpu.memory_space<vmem>>[vector<16xi32>], vector<16xf32>,
      %gt3A_460 = arith.cmpf ogt, %gather3A_459, %max3A_455 : vector<16xf32>
      %gt3A_461 = arith.cmpf ogt, %gather3A_459, %max3A_453 : vector<16xf32>
      %select_n3A_462 = arith.select %gt3A_461, %broadcast_in_dim3A_457, %select_n3A_451 : vector<16xi1>, vector<16xi32>
      %select_n3A_463 = arith.select %gt3A_460, %select_n3A_454, %select_n3A_462 : vector<16xi1>, vector<16xi32>
      %min3A_464 = arith.minimumf %max3A_455, %gather3A_459 : vector<16xf32>
      %max3A_465 = arith.maximumf %max3A_453, %min3A_464 : vector<16xf32>
      %select_n3A_466 = arith.select %gt3A_460, %broadcast_in_dim3A_457, %select_n3A_454 : vector<16xi1>, vector<16xi32>
      %max3A_467 = arith.maximumf %max3A_455, %gather3A_459 : vector<16xf32>
      %broadcast_in_dim3A_468 = arith.constant 36 : i32
      %broadcast_in_dim3A_469 = vector.broadcast %broadcast_in_dim3A_468 : i32 to vector<16xi32>
      %add3A_470 = arith.addi %mul3A_37, %broadcast_in_dim3A_469 : vector<16xi32>
      %gather3A_471 = tpu.vector_load_idx %arg5[%add3A_470] : memref<32768xf32, #tpu.memory_space<vmem>>[vector<16xi32>], vector<16xf32>,
      %gt3A_472 = arith.cmpf ogt, %gather3A_471, %max3A_467 : vector<16xf32>
      %gt3A_473 = arith.cmpf ogt, %gather3A_471, %max3A_465 : vector<16xf32>
      %select_n3A_474 = arith.select %gt3A_473, %broadcast_in_dim3A_469, %select_n3A_463 : vector<16xi1>, vector<16xi32>
      %select_n3A_475 = arith.select %gt3A_472, %select_n3A_466, %select_n3A_474 : vector<16xi1>, vector<16xi32>
      %min3A_476 = arith.minimumf %max3A_467, %gather3A_471 : vector<16xf32>
      %max3A_477 = arith.maximumf %max3A_465, %min3A_476 : vector<16xf32>
      %select_n3A_478 = arith.select %gt3A_472, %broadcast_in_dim3A_469, %select_n3A_466 : vector<16xi1>, vector<16xi32>
      %max3A_479 = arith.maximumf %max3A_467, %gather3A_471 : vector<16xf32>
      %broadcast_in_dim3A_480 = arith.constant 37 : i32
      %broadcast_in_dim3A_481 = vector.broadcast %broadcast_in_dim3A_480 : i32 to vector<16xi32>
      %add3A_482 = arith.addi %mul3A_37, %broadcast_in_dim3A_481 : vector<16xi32>
      %gather3A_483 = tpu.vector_load_idx %arg5[%add3A_482] : memref<32768xf32, #tpu.memory_space<vmem>>[vector<16xi32>], vector<16xf32>,
      %gt3A_484 = arith.cmpf ogt, %gather3A_483, %max3A_479 : vector<16xf32>
      %gt3A_485 = arith.cmpf ogt, %gather3A_483, %max3A_477 : vector<16xf32>
      %select_n3A_486 = arith.select %gt3A_485, %broadcast_in_dim3A_481, %select_n3A_475 : vector<16xi1>, vector<16xi32>
      %select_n3A_487 = arith.select %gt3A_484, %select_n3A_478, %select_n3A_486 : vector<16xi1>, vector<16xi32>
      %min3A_488 = arith.minimumf %max3A_479, %gather3A_483 : vector<16xf32>
      %max3A_489 = arith.maximumf %max3A_477, %min3A_488 : vector<16xf32>
      %select_n3A_490 = arith.select %gt3A_484, %broadcast_in_dim3A_481, %select_n3A_478 : vector<16xi1>, vector<16xi32>
      %max3A_491 = arith.maximumf %max3A_479, %gather3A_483 : vector<16xf32>
      %broadcast_in_dim3A_492 = arith.constant 38 : i32
      %broadcast_in_dim3A_493 = vector.broadcast %broadcast_in_dim3A_492 : i32 to vector<16xi32>
      %add3A_494 = arith.addi %mul3A_37, %broadcast_in_dim3A_493 : vector<16xi32>
      %gather3A_495 = tpu.vector_load_idx %arg5[%add3A_494] : memref<32768xf32, #tpu.memory_space<vmem>>[vector<16xi32>], vector<16xf32>,
      %gt3A_496 = arith.cmpf ogt, %gather3A_495, %max3A_491 : vector<16xf32>
      %gt3A_497 = arith.cmpf ogt, %gather3A_495, %max3A_489 : vector<16xf32>
      %select_n3A_498 = arith.select %gt3A_497, %broadcast_in_dim3A_493, %select_n3A_487 : vector<16xi1>, vector<16xi32>
      %select_n3A_499 = arith.select %gt3A_496, %select_n3A_490, %select_n3A_498 : vector<16xi1>, vector<16xi32>
      %min3A_500 = arith.minimumf %max3A_491, %gather3A_495 : vector<16xf32>
      %max3A_501 = arith.maximumf %max3A_489, %min3A_500 : vector<16xf32>
      %select_n3A_502 = arith.select %gt3A_496, %broadcast_in_dim3A_493, %select_n3A_490 : vector<16xi1>, vector<16xi32>
      %max3A_503 = arith.maximumf %max3A_491, %gather3A_495 : vector<16xf32>
      %broadcast_in_dim3A_504 = arith.constant 39 : i32
      %broadcast_in_dim3A_505 = vector.broadcast %broadcast_in_dim3A_504 : i32 to vector<16xi32>
      %add3A_506 = arith.addi %mul3A_37, %broadcast_in_dim3A_505 : vector<16xi32>
      %gather3A_507 = tpu.vector_load_idx %arg5[%add3A_506] : memref<32768xf32, #tpu.memory_space<vmem>>[vector<16xi32>], vector<16xf32>,
      %gt3A_508 = arith.cmpf ogt, %gather3A_507, %max3A_503 : vector<16xf32>
      %gt3A_509 = arith.cmpf ogt, %gather3A_507, %max3A_501 : vector<16xf32>
      %select_n3A_510 = arith.select %gt3A_509, %broadcast_in_dim3A_505, %select_n3A_499 : vector<16xi1>, vector<16xi32>
      %select_n3A_511 = arith.select %gt3A_508, %select_n3A_502, %select_n3A_510 : vector<16xi1>, vector<16xi32>
      %min3A_512 = arith.minimumf %max3A_503, %gather3A_507 : vector<16xf32>
      %max3A_513 = arith.maximumf %max3A_501, %min3A_512 : vector<16xf32>
      %select_n3A_514 = arith.select %gt3A_508, %broadcast_in_dim3A_505, %select_n3A_502 : vector<16xi1>, vector<16xi32>
      %max3A_515 = arith.maximumf %max3A_503, %gather3A_507 : vector<16xf32>
      %broadcast_in_dim3A_516 = arith.constant 40 : i32
      %broadcast_in_dim3A_517 = vector.broadcast %broadcast_in_dim3A_516 : i32 to vector<16xi32>
      %add3A_518 = arith.addi %mul3A_37, %broadcast_in_dim3A_517 : vector<16xi32>
      %gather3A_519 = tpu.vector_load_idx %arg5[%add3A_518] : memref<32768xf32, #tpu.memory_space<vmem>>[vector<16xi32>], vector<16xf32>,
      %gt3A_520 = arith.cmpf ogt, %gather3A_519, %max3A_515 : vector<16xf32>
      %gt3A_521 = arith.cmpf ogt, %gather3A_519, %max3A_513 : vector<16xf32>
      %select_n3A_522 = arith.select %gt3A_521, %broadcast_in_dim3A_517, %select_n3A_511 : vector<16xi1>, vector<16xi32>
      %select_n3A_523 = arith.select %gt3A_520, %select_n3A_514, %select_n3A_522 : vector<16xi1>, vector<16xi32>
      %min3A_524 = arith.minimumf %max3A_515, %gather3A_519 : vector<16xf32>
      %max3A_525 = arith.maximumf %max3A_513, %min3A_524 : vector<16xf32>
      %select_n3A_526 = arith.select %gt3A_520, %broadcast_in_dim3A_517, %select_n3A_514 : vector<16xi1>, vector<16xi32>
      %max3A_527 = arith.maximumf %max3A_515, %gather3A_519 : vector<16xf32>
      %broadcast_in_dim3A_528 = arith.constant 41 : i32
      %broadcast_in_dim3A_529 = vector.broadcast %broadcast_in_dim3A_528 : i32 to vector<16xi32>
      %add3A_530 = arith.addi %mul3A_37, %broadcast_in_dim3A_529 : vector<16xi32>
      %gather3A_531 = tpu.vector_load_idx %arg5[%add3A_530] : memref<32768xf32, #tpu.memory_space<vmem>>[vector<16xi32>], vector<16xf32>,
      %gt3A_532 = arith.cmpf ogt, %gather3A_531, %max3A_527 : vector<16xf32>
      %gt3A_533 = arith.cmpf ogt, %gather3A_531, %max3A_525 : vector<16xf32>
      %select_n3A_534 = arith.select %gt3A_533, %broadcast_in_dim3A_529, %select_n3A_523 : vector<16xi1>, vector<16xi32>
      %select_n3A_535 = arith.select %gt3A_532, %select_n3A_526, %select_n3A_534 : vector<16xi1>, vector<16xi32>
      %min3A_536 = arith.minimumf %max3A_527, %gather3A_531 : vector<16xf32>
      %max3A_537 = arith.maximumf %max3A_525, %min3A_536 : vector<16xf32>
      %select_n3A_538 = arith.select %gt3A_532, %broadcast_in_dim3A_529, %select_n3A_526 : vector<16xi1>, vector<16xi32>
      %max3A_539 = arith.maximumf %max3A_527, %gather3A_531 : vector<16xf32>
      %broadcast_in_dim3A_540 = arith.constant 42 : i32
      %broadcast_in_dim3A_541 = vector.broadcast %broadcast_in_dim3A_540 : i32 to vector<16xi32>
      %add3A_542 = arith.addi %mul3A_37, %broadcast_in_dim3A_541 : vector<16xi32>
      %gather3A_543 = tpu.vector_load_idx %arg5[%add3A_542] : memref<32768xf32, #tpu.memory_space<vmem>>[vector<16xi32>], vector<16xf32>,
      %gt3A_544 = arith.cmpf ogt, %gather3A_543, %max3A_539 : vector<16xf32>
      %gt3A_545 = arith.cmpf ogt, %gather3A_543, %max3A_537 : vector<16xf32>
      %select_n3A_546 = arith.select %gt3A_545, %broadcast_in_dim3A_541, %select_n3A_535 : vector<16xi1>, vector<16xi32>
      %select_n3A_547 = arith.select %gt3A_544, %select_n3A_538, %select_n3A_546 : vector<16xi1>, vector<16xi32>
      %min3A_548 = arith.minimumf %max3A_539, %gather3A_543 : vector<16xf32>
      %max3A_549 = arith.maximumf %max3A_537, %min3A_548 : vector<16xf32>
      %select_n3A_550 = arith.select %gt3A_544, %broadcast_in_dim3A_541, %select_n3A_538 : vector<16xi1>, vector<16xi32>
      %max3A_551 = arith.maximumf %max3A_539, %gather3A_543 : vector<16xf32>
      %broadcast_in_dim3A_552 = arith.constant 43 : i32
      %broadcast_in_dim3A_553 = vector.broadcast %broadcast_in_dim3A_552 : i32 to vector<16xi32>
      %add3A_554 = arith.addi %mul3A_37, %broadcast_in_dim3A_553 : vector<16xi32>
      %gather3A_555 = tpu.vector_load_idx %arg5[%add3A_554] : memref<32768xf32, #tpu.memory_space<vmem>>[vector<16xi32>], vector<16xf32>,
      %gt3A_556 = arith.cmpf ogt, %gather3A_555, %max3A_551 : vector<16xf32>
      %gt3A_557 = arith.cmpf ogt, %gather3A_555, %max3A_549 : vector<16xf32>
      %select_n3A_558 = arith.select %gt3A_557, %broadcast_in_dim3A_553, %select_n3A_547 : vector<16xi1>, vector<16xi32>
      %select_n3A_559 = arith.select %gt3A_556, %select_n3A_550, %select_n3A_558 : vector<16xi1>, vector<16xi32>
      %min3A_560 = arith.minimumf %max3A_551, %gather3A_555 : vector<16xf32>
      %max3A_561 = arith.maximumf %max3A_549, %min3A_560 : vector<16xf32>
      %select_n3A_562 = arith.select %gt3A_556, %broadcast_in_dim3A_553, %select_n3A_550 : vector<16xi1>, vector<16xi32>
      %max3A_563 = arith.maximumf %max3A_551, %gather3A_555 : vector<16xf32>
      %broadcast_in_dim3A_564 = arith.constant 44 : i32
      %broadcast_in_dim3A_565 = vector.broadcast %broadcast_in_dim3A_564 : i32 to vector<16xi32>
      %add3A_566 = arith.addi %mul3A_37, %broadcast_in_dim3A_565 : vector<16xi32>
      %gather3A_567 = tpu.vector_load_idx %arg5[%add3A_566] : memref<32768xf32, #tpu.memory_space<vmem>>[vector<16xi32>], vector<16xf32>,
      %gt3A_568 = arith.cmpf ogt, %gather3A_567, %max3A_563 : vector<16xf32>
      %gt3A_569 = arith.cmpf ogt, %gather3A_567, %max3A_561 : vector<16xf32>
      %select_n3A_570 = arith.select %gt3A_569, %broadcast_in_dim3A_565, %select_n3A_559 : vector<16xi1>, vector<16xi32>
      %select_n3A_571 = arith.select %gt3A_568, %select_n3A_562, %select_n3A_570 : vector<16xi1>, vector<16xi32>
      %min3A_572 = arith.minimumf %max3A_563, %gather3A_567 : vector<16xf32>
      %max3A_573 = arith.maximumf %max3A_561, %min3A_572 : vector<16xf32>
      %select_n3A_574 = arith.select %gt3A_568, %broadcast_in_dim3A_565, %select_n3A_562 : vector<16xi1>, vector<16xi32>
      %max3A_575 = arith.maximumf %max3A_563, %gather3A_567 : vector<16xf32>
      %broadcast_in_dim3A_576 = arith.constant 45 : i32
      %broadcast_in_dim3A_577 = vector.broadcast %broadcast_in_dim3A_576 : i32 to vector<16xi32>
      %add3A_578 = arith.addi %mul3A_37, %broadcast_in_dim3A_577 : vector<16xi32>
      %gather3A_579 = tpu.vector_load_idx %arg5[%add3A_578] : memref<32768xf32, #tpu.memory_space<vmem>>[vector<16xi32>], vector<16xf32>,
      %gt3A_580 = arith.cmpf ogt, %gather3A_579, %max3A_575 : vector<16xf32>
      %gt3A_581 = arith.cmpf ogt, %gather3A_579, %max3A_573 : vector<16xf32>
      %select_n3A_582 = arith.select %gt3A_581, %broadcast_in_dim3A_577, %select_n3A_571 : vector<16xi1>, vector<16xi32>
      %select_n3A_583 = arith.select %gt3A_580, %select_n3A_574, %select_n3A_582 : vector<16xi1>, vector<16xi32>
      %min3A_584 = arith.minimumf %max3A_575, %gather3A_579 : vector<16xf32>
      %max3A_585 = arith.maximumf %max3A_573, %min3A_584 : vector<16xf32>
      %select_n3A_586 = arith.select %gt3A_580, %broadcast_in_dim3A_577, %select_n3A_574 : vector<16xi1>, vector<16xi32>
      %max3A_587 = arith.maximumf %max3A_575, %gather3A_579 : vector<16xf32>
      %broadcast_in_dim3A_588 = arith.constant 46 : i32
      %broadcast_in_dim3A_589 = vector.broadcast %broadcast_in_dim3A_588 : i32 to vector<16xi32>
      %add3A_590 = arith.addi %mul3A_37, %broadcast_in_dim3A_589 : vector<16xi32>
      %gather3A_591 = tpu.vector_load_idx %arg5[%add3A_590] : memref<32768xf32, #tpu.memory_space<vmem>>[vector<16xi32>], vector<16xf32>,
      %gt3A_592 = arith.cmpf ogt, %gather3A_591, %max3A_587 : vector<16xf32>
      %gt3A_593 = arith.cmpf ogt, %gather3A_591, %max3A_585 : vector<16xf32>
      %select_n3A_594 = arith.select %gt3A_593, %broadcast_in_dim3A_589, %select_n3A_583 : vector<16xi1>, vector<16xi32>
      %select_n3A_595 = arith.select %gt3A_592, %select_n3A_586, %select_n3A_594 : vector<16xi1>, vector<16xi32>
      %min3A_596 = arith.minimumf %max3A_587, %gather3A_591 : vector<16xf32>
      %max3A_597 = arith.maximumf %max3A_585, %min3A_596 : vector<16xf32>
      %select_n3A_598 = arith.select %gt3A_592, %broadcast_in_dim3A_589, %select_n3A_586 : vector<16xi1>, vector<16xi32>
      %max3A_599 = arith.maximumf %max3A_587, %gather3A_591 : vector<16xf32>
      %broadcast_in_dim3A_600 = arith.constant 47 : i32
      %broadcast_in_dim3A_601 = vector.broadcast %broadcast_in_dim3A_600 : i32 to vector<16xi32>
      %add3A_602 = arith.addi %mul3A_37, %broadcast_in_dim3A_601 : vector<16xi32>
      %gather3A_603 = tpu.vector_load_idx %arg5[%add3A_602] : memref<32768xf32, #tpu.memory_space<vmem>>[vector<16xi32>], vector<16xf32>,
      %gt3A_604 = arith.cmpf ogt, %gather3A_603, %max3A_599 : vector<16xf32>
      %gt3A_605 = arith.cmpf ogt, %gather3A_603, %max3A_597 : vector<16xf32>
      %select_n3A_606 = arith.select %gt3A_605, %broadcast_in_dim3A_601, %select_n3A_595 : vector<16xi1>, vector<16xi32>
      %select_n3A_607 = arith.select %gt3A_604, %select_n3A_598, %select_n3A_606 : vector<16xi1>, vector<16xi32>
      %min3A_608 = arith.minimumf %max3A_599, %gather3A_603 : vector<16xf32>
      %max3A_609 = arith.maximumf %max3A_597, %min3A_608 : vector<16xf32>
      %select_n3A_610 = arith.select %gt3A_604, %broadcast_in_dim3A_601, %select_n3A_598 : vector<16xi1>, vector<16xi32>
      %max3A_611 = arith.maximumf %max3A_599, %gather3A_603 : vector<16xf32>
      %broadcast_in_dim3A_612 = arith.constant 48 : i32
      %broadcast_in_dim3A_613 = vector.broadcast %broadcast_in_dim3A_612 : i32 to vector<16xi32>
      %add3A_614 = arith.addi %mul3A_37, %broadcast_in_dim3A_613 : vector<16xi32>
      %gather3A_615 = tpu.vector_load_idx %arg5[%add3A_614] : memref<32768xf32, #tpu.memory_space<vmem>>[vector<16xi32>], vector<16xf32>,
      %gt3A_616 = arith.cmpf ogt, %gather3A_615, %broadcast_in_dim3A_38 : vector<16xf32>
      %gt3A_617 = arith.cmpf ogt, %gather3A_615, %broadcast_in_dim3A_38 : vector<16xf32>
      %select_n3A_618 = arith.select %gt3A_617, %broadcast_in_dim3A_613, %broadcast_in_dim3A_40 : vector<16xi1>, vector<16xi32>
      %select_n3A_619 = arith.select %gt3A_616, %broadcast_in_dim3A_40, %select_n3A_618 : vector<16xi1>, vector<16xi32>
      %min3A_620 = arith.minimumf %broadcast_in_dim3A_38, %gather3A_615 : vector<16xf32>
      %max3A_621 = arith.maximumf %broadcast_in_dim3A_38, %min3A_620 : vector<16xf32>
      %select_n3A_622 = arith.select %gt3A_616, %broadcast_in_dim3A_613, %broadcast_in_dim3A_40 : vector<16xi1>, vector<16xi32>
      %max3A_623 = arith.maximumf %broadcast_in_dim3A_38, %gather3A_615 : vector<16xf32>
      %broadcast_in_dim3A_624 = arith.constant 49 : i32
      %broadcast_in_dim3A_625 = vector.broadcast %broadcast_in_dim3A_624 : i32 to vector<16xi32>
      %add3A_626 = arith.addi %mul3A_37, %broadcast_in_dim3A_625 : vector<16xi32>
      %gather3A_627 = tpu.vector_load_idx %arg5[%add3A_626] : memref<32768xf32, #tpu.memory_space<vmem>>[vector<16xi32>], vector<16xf32>,
      %gt3A_628 = arith.cmpf ogt, %gather3A_627, %max3A_623 : vector<16xf32>
      %gt3A_629 = arith.cmpf ogt, %gather3A_627, %max3A_621 : vector<16xf32>
      %select_n3A_630 = arith.select %gt3A_629, %broadcast_in_dim3A_625, %select_n3A_619 : vector<16xi1>, vector<16xi32>
      %select_n3A_631 = arith.select %gt3A_628, %select_n3A_622, %select_n3A_630 : vector<16xi1>, vector<16xi32>
      %min3A_632 = arith.minimumf %max3A_623, %gather3A_627 : vector<16xf32>
      %max3A_633 = arith.maximumf %max3A_621, %min3A_632 : vector<16xf32>
      %select_n3A_634 = arith.select %gt3A_628, %broadcast_in_dim3A_625, %select_n3A_622 : vector<16xi1>, vector<16xi32>
      %max3A_635 = arith.maximumf %max3A_623, %gather3A_627 : vector<16xf32>
      %broadcast_in_dim3A_636 = arith.constant 50 : i32
      %broadcast_in_dim3A_637 = vector.broadcast %broadcast_in_dim3A_636 : i32 to vector<16xi32>
      %add3A_638 = arith.addi %mul3A_37, %broadcast_in_dim3A_637 : vector<16xi32>
      %gather3A_639 = tpu.vector_load_idx %arg5[%add3A_638] : memref<32768xf32, #tpu.memory_space<vmem>>[vector<16xi32>], vector<16xf32>,
      %gt3A_640 = arith.cmpf ogt, %gather3A_639, %max3A_635 : vector<16xf32>
      %gt3A_641 = arith.cmpf ogt, %gather3A_639, %max3A_633 : vector<16xf32>
      %select_n3A_642 = arith.select %gt3A_641, %broadcast_in_dim3A_637, %select_n3A_631 : vector<16xi1>, vector<16xi32>
      %select_n3A_643 = arith.select %gt3A_640, %select_n3A_634, %select_n3A_642 : vector<16xi1>, vector<16xi32>
      %min3A_644 = arith.minimumf %max3A_635, %gather3A_639 : vector<16xf32>
      %max3A_645 = arith.maximumf %max3A_633, %min3A_644 : vector<16xf32>
      %select_n3A_646 = arith.select %gt3A_640, %broadcast_in_dim3A_637, %select_n3A_634 : vector<16xi1>, vector<16xi32>
      %max3A_647 = arith.maximumf %max3A_635, %gather3A_639 : vector<16xf32>
      %broadcast_in_dim3A_648 = arith.constant 51 : i32
      %broadcast_in_dim3A_649 = vector.broadcast %broadcast_in_dim3A_648 : i32 to vector<16xi32>
      %add3A_650 = arith.addi %mul3A_37, %broadcast_in_dim3A_649 : vector<16xi32>
      %gather3A_651 = tpu.vector_load_idx %arg5[%add3A_650] : memref<32768xf32, #tpu.memory_space<vmem>>[vector<16xi32>], vector<16xf32>,
      %gt3A_652 = arith.cmpf ogt, %gather3A_651, %max3A_647 : vector<16xf32>
      %gt3A_653 = arith.cmpf ogt, %gather3A_651, %max3A_645 : vector<16xf32>
      %select_n3A_654 = arith.select %gt3A_653, %broadcast_in_dim3A_649, %select_n3A_643 : vector<16xi1>, vector<16xi32>
      %select_n3A_655 = arith.select %gt3A_652, %select_n3A_646, %select_n3A_654 : vector<16xi1>, vector<16xi32>
      %min3A_656 = arith.minimumf %max3A_647, %gather3A_651 : vector<16xf32>
      %max3A_657 = arith.maximumf %max3A_645, %min3A_656 : vector<16xf32>
      %select_n3A_658 = arith.select %gt3A_652, %broadcast_in_dim3A_649, %select_n3A_646 : vector<16xi1>, vector<16xi32>
      %max3A_659 = arith.maximumf %max3A_647, %gather3A_651 : vector<16xf32>
      %broadcast_in_dim3A_660 = arith.constant 52 : i32
      %broadcast_in_dim3A_661 = vector.broadcast %broadcast_in_dim3A_660 : i32 to vector<16xi32>
      %add3A_662 = arith.addi %mul3A_37, %broadcast_in_dim3A_661 : vector<16xi32>
      %gather3A_663 = tpu.vector_load_idx %arg5[%add3A_662] : memref<32768xf32, #tpu.memory_space<vmem>>[vector<16xi32>], vector<16xf32>,
      %gt3A_664 = arith.cmpf ogt, %gather3A_663, %max3A_659 : vector<16xf32>
      %gt3A_665 = arith.cmpf ogt, %gather3A_663, %max3A_657 : vector<16xf32>
      %select_n3A_666 = arith.select %gt3A_665, %broadcast_in_dim3A_661, %select_n3A_655 : vector<16xi1>, vector<16xi32>
      %select_n3A_667 = arith.select %gt3A_664, %select_n3A_658, %select_n3A_666 : vector<16xi1>, vector<16xi32>
      %min3A_668 = arith.minimumf %max3A_659, %gather3A_663 : vector<16xf32>
      %max3A_669 = arith.maximumf %max3A_657, %min3A_668 : vector<16xf32>
      %select_n3A_670 = arith.select %gt3A_664, %broadcast_in_dim3A_661, %select_n3A_658 : vector<16xi1>, vector<16xi32>
      %max3A_671 = arith.maximumf %max3A_659, %gather3A_663 : vector<16xf32>
      %broadcast_in_dim3A_672 = arith.constant 53 : i32
      %broadcast_in_dim3A_673 = vector.broadcast %broadcast_in_dim3A_672 : i32 to vector<16xi32>
      %add3A_674 = arith.addi %mul3A_37, %broadcast_in_dim3A_673 : vector<16xi32>
      %gather3A_675 = tpu.vector_load_idx %arg5[%add3A_674] : memref<32768xf32, #tpu.memory_space<vmem>>[vector<16xi32>], vector<16xf32>,
      %gt3A_676 = arith.cmpf ogt, %gather3A_675, %max3A_671 : vector<16xf32>
      %gt3A_677 = arith.cmpf ogt, %gather3A_675, %max3A_669 : vector<16xf32>
      %select_n3A_678 = arith.select %gt3A_677, %broadcast_in_dim3A_673, %select_n3A_667 : vector<16xi1>, vector<16xi32>
      %select_n3A_679 = arith.select %gt3A_676, %select_n3A_670, %select_n3A_678 : vector<16xi1>, vector<16xi32>
      %min3A_680 = arith.minimumf %max3A_671, %gather3A_675 : vector<16xf32>
      %max3A_681 = arith.maximumf %max3A_669, %min3A_680 : vector<16xf32>
      %select_n3A_682 = arith.select %gt3A_676, %broadcast_in_dim3A_673, %select_n3A_670 : vector<16xi1>, vector<16xi32>
      %max3A_683 = arith.maximumf %max3A_671, %gather3A_675 : vector<16xf32>
      %broadcast_in_dim3A_684 = arith.constant 54 : i32
      %broadcast_in_dim3A_685 = vector.broadcast %broadcast_in_dim3A_684 : i32 to vector<16xi32>
      %add3A_686 = arith.addi %mul3A_37, %broadcast_in_dim3A_685 : vector<16xi32>
      %gather3A_687 = tpu.vector_load_idx %arg5[%add3A_686] : memref<32768xf32, #tpu.memory_space<vmem>>[vector<16xi32>], vector<16xf32>,
      %gt3A_688 = arith.cmpf ogt, %gather3A_687, %max3A_683 : vector<16xf32>
      %gt3A_689 = arith.cmpf ogt, %gather3A_687, %max3A_681 : vector<16xf32>
      %select_n3A_690 = arith.select %gt3A_689, %broadcast_in_dim3A_685, %select_n3A_679 : vector<16xi1>, vector<16xi32>
      %select_n3A_691 = arith.select %gt3A_688, %select_n3A_682, %select_n3A_690 : vector<16xi1>, vector<16xi32>
      %min3A_692 = arith.minimumf %max3A_683, %gather3A_687 : vector<16xf32>
      %max3A_693 = arith.maximumf %max3A_681, %min3A_692 : vector<16xf32>
      %select_n3A_694 = arith.select %gt3A_688, %broadcast_in_dim3A_685, %select_n3A_682 : vector<16xi1>, vector<16xi32>
      %max3A_695 = arith.maximumf %max3A_683, %gather3A_687 : vector<16xf32>
      %broadcast_in_dim3A_696 = arith.constant 55 : i32
      %broadcast_in_dim3A_697 = vector.broadcast %broadcast_in_dim3A_696 : i32 to vector<16xi32>
      %add3A_698 = arith.addi %mul3A_37, %broadcast_in_dim3A_697 : vector<16xi32>
      %gather3A_699 = tpu.vector_load_idx %arg5[%add3A_698] : memref<32768xf32, #tpu.memory_space<vmem>>[vector<16xi32>], vector<16xf32>,
      %gt3A_700 = arith.cmpf ogt, %gather3A_699, %max3A_695 : vector<16xf32>
      %gt3A_701 = arith.cmpf ogt, %gather3A_699, %max3A_693 : vector<16xf32>
      %select_n3A_702 = arith.select %gt3A_701, %broadcast_in_dim3A_697, %select_n3A_691 : vector<16xi1>, vector<16xi32>
      %select_n3A_703 = arith.select %gt3A_700, %select_n3A_694, %select_n3A_702 : vector<16xi1>, vector<16xi32>
      %min3A_704 = arith.minimumf %max3A_695, %gather3A_699 : vector<16xf32>
      %max3A_705 = arith.maximumf %max3A_693, %min3A_704 : vector<16xf32>
      %select_n3A_706 = arith.select %gt3A_700, %broadcast_in_dim3A_697, %select_n3A_694 : vector<16xi1>, vector<16xi32>
      %max3A_707 = arith.maximumf %max3A_695, %gather3A_699 : vector<16xf32>
      %broadcast_in_dim3A_708 = arith.constant 56 : i32
      %broadcast_in_dim3A_709 = vector.broadcast %broadcast_in_dim3A_708 : i32 to vector<16xi32>
      %add3A_710 = arith.addi %mul3A_37, %broadcast_in_dim3A_709 : vector<16xi32>
      %gather3A_711 = tpu.vector_load_idx %arg5[%add3A_710] : memref<32768xf32, #tpu.memory_space<vmem>>[vector<16xi32>], vector<16xf32>,
      %gt3A_712 = arith.cmpf ogt, %gather3A_711, %max3A_707 : vector<16xf32>
      %gt3A_713 = arith.cmpf ogt, %gather3A_711, %max3A_705 : vector<16xf32>
      %select_n3A_714 = arith.select %gt3A_713, %broadcast_in_dim3A_709, %select_n3A_703 : vector<16xi1>, vector<16xi32>
      %select_n3A_715 = arith.select %gt3A_712, %select_n3A_706, %select_n3A_714 : vector<16xi1>, vector<16xi32>
      %min3A_716 = arith.minimumf %max3A_707, %gather3A_711 : vector<16xf32>
      %max3A_717 = arith.maximumf %max3A_705, %min3A_716 : vector<16xf32>
      %select_n3A_718 = arith.select %gt3A_712, %broadcast_in_dim3A_709, %select_n3A_706 : vector<16xi1>, vector<16xi32>
      %max3A_719 = arith.maximumf %max3A_707, %gather3A_711 : vector<16xf32>
      %broadcast_in_dim3A_720 = arith.constant 57 : i32
      %broadcast_in_dim3A_721 = vector.broadcast %broadcast_in_dim3A_720 : i32 to vector<16xi32>
      %add3A_722 = arith.addi %mul3A_37, %broadcast_in_dim3A_721 : vector<16xi32>
      %gather3A_723 = tpu.vector_load_idx %arg5[%add3A_722] : memref<32768xf32, #tpu.memory_space<vmem>>[vector<16xi32>], vector<16xf32>,
      %gt3A_724 = arith.cmpf ogt, %gather3A_723, %max3A_719 : vector<16xf32>
      %gt3A_725 = arith.cmpf ogt, %gather3A_723, %max3A_717 : vector<16xf32>
      %select_n3A_726 = arith.select %gt3A_725, %broadcast_in_dim3A_721, %select_n3A_715 : vector<16xi1>, vector<16xi32>
      %select_n3A_727 = arith.select %gt3A_724, %select_n3A_718, %select_n3A_726 : vector<16xi1>, vector<16xi32>
      %min3A_728 = arith.minimumf %max3A_719, %gather3A_723 : vector<16xf32>
      %max3A_729 = arith.maximumf %max3A_717, %min3A_728 : vector<16xf32>
      %select_n3A_730 = arith.select %gt3A_724, %broadcast_in_dim3A_721, %select_n3A_718 : vector<16xi1>, vector<16xi32>
      %max3A_731 = arith.maximumf %max3A_719, %gather3A_723 : vector<16xf32>
      %broadcast_in_dim3A_732 = arith.constant 58 : i32
      %broadcast_in_dim3A_733 = vector.broadcast %broadcast_in_dim3A_732 : i32 to vector<16xi32>
      %add3A_734 = arith.addi %mul3A_37, %broadcast_in_dim3A_733 : vector<16xi32>
      %gather3A_735 = tpu.vector_load_idx %arg5[%add3A_734] : memref<32768xf32, #tpu.memory_space<vmem>>[vector<16xi32>], vector<16xf32>,
      %gt3A_736 = arith.cmpf ogt, %gather3A_735, %max3A_731 : vector<16xf32>
      %gt3A_737 = arith.cmpf ogt, %gather3A_735, %max3A_729 : vector<16xf32>
      %select_n3A_738 = arith.select %gt3A_737, %broadcast_in_dim3A_733, %select_n3A_727 : vector<16xi1>, vector<16xi32>
      %select_n3A_739 = arith.select %gt3A_736, %select_n3A_730, %select_n3A_738 : vector<16xi1>, vector<16xi32>
      %min3A_740 = arith.minimumf %max3A_731, %gather3A_735 : vector<16xf32>
      %max3A_741 = arith.maximumf %max3A_729, %min3A_740 : vector<16xf32>
      %select_n3A_742 = arith.select %gt3A_736, %broadcast_in_dim3A_733, %select_n3A_730 : vector<16xi1>, vector<16xi32>
      %max3A_743 = arith.maximumf %max3A_731, %gather3A_735 : vector<16xf32>
      %broadcast_in_dim3A_744 = arith.constant 59 : i32
      %broadcast_in_dim3A_745 = vector.broadcast %broadcast_in_dim3A_744 : i32 to vector<16xi32>
      %add3A_746 = arith.addi %mul3A_37, %broadcast_in_dim3A_745 : vector<16xi32>
      %gather3A_747 = tpu.vector_load_idx %arg5[%add3A_746] : memref<32768xf32, #tpu.memory_space<vmem>>[vector<16xi32>], vector<16xf32>,
      %gt3A_748 = arith.cmpf ogt, %gather3A_747, %max3A_743 : vector<16xf32>
      %gt3A_749 = arith.cmpf ogt, %gather3A_747, %max3A_741 : vector<16xf32>
      %select_n3A_750 = arith.select %gt3A_749, %broadcast_in_dim3A_745, %select_n3A_739 : vector<16xi1>, vector<16xi32>
      %select_n3A_751 = arith.select %gt3A_748, %select_n3A_742, %select_n3A_750 : vector<16xi1>, vector<16xi32>
      %min3A_752 = arith.minimumf %max3A_743, %gather3A_747 : vector<16xf32>
      %max3A_753 = arith.maximumf %max3A_741, %min3A_752 : vector<16xf32>
      %select_n3A_754 = arith.select %gt3A_748, %broadcast_in_dim3A_745, %select_n3A_742 : vector<16xi1>, vector<16xi32>
      %max3A_755 = arith.maximumf %max3A_743, %gather3A_747 : vector<16xf32>
      %broadcast_in_dim3A_756 = arith.constant 60 : i32
      %broadcast_in_dim3A_757 = vector.broadcast %broadcast_in_dim3A_756 : i32 to vector<16xi32>
      %add3A_758 = arith.addi %mul3A_37, %broadcast_in_dim3A_757 : vector<16xi32>
      %gather3A_759 = tpu.vector_load_idx %arg5[%add3A_758] : memref<32768xf32, #tpu.memory_space<vmem>>[vector<16xi32>], vector<16xf32>,
      %gt3A_760 = arith.cmpf ogt, %gather3A_759, %max3A_755 : vector<16xf32>
      %gt3A_761 = arith.cmpf ogt, %gather3A_759, %max3A_753 : vector<16xf32>
      %select_n3A_762 = arith.select %gt3A_761, %broadcast_in_dim3A_757, %select_n3A_751 : vector<16xi1>, vector<16xi32>
      %select_n3A_763 = arith.select %gt3A_760, %select_n3A_754, %select_n3A_762 : vector<16xi1>, vector<16xi32>
      %min3A_764 = arith.minimumf %max3A_755, %gather3A_759 : vector<16xf32>
      %max3A_765 = arith.maximumf %max3A_753, %min3A_764 : vector<16xf32>
      %select_n3A_766 = arith.select %gt3A_760, %broadcast_in_dim3A_757, %select_n3A_754 : vector<16xi1>, vector<16xi32>
      %max3A_767 = arith.maximumf %max3A_755, %gather3A_759 : vector<16xf32>
      %broadcast_in_dim3A_768 = arith.constant 61 : i32
      %broadcast_in_dim3A_769 = vector.broadcast %broadcast_in_dim3A_768 : i32 to vector<16xi32>
      %add3A_770 = arith.addi %mul3A_37, %broadcast_in_dim3A_769 : vector<16xi32>
      %gather3A_771 = tpu.vector_load_idx %arg5[%add3A_770] : memref<32768xf32, #tpu.memory_space<vmem>>[vector<16xi32>], vector<16xf32>,
      %gt3A_772 = arith.cmpf ogt, %gather3A_771, %max3A_767 : vector<16xf32>
      %gt3A_773 = arith.cmpf ogt, %gather3A_771, %max3A_765 : vector<16xf32>
      %select_n3A_774 = arith.select %gt3A_773, %broadcast_in_dim3A_769, %select_n3A_763 : vector<16xi1>, vector<16xi32>
      %select_n3A_775 = arith.select %gt3A_772, %select_n3A_766, %select_n3A_774 : vector<16xi1>, vector<16xi32>
      %min3A_776 = arith.minimumf %max3A_767, %gather3A_771 : vector<16xf32>
      %max3A_777 = arith.maximumf %max3A_765, %min3A_776 : vector<16xf32>
      %select_n3A_778 = arith.select %gt3A_772, %broadcast_in_dim3A_769, %select_n3A_766 : vector<16xi1>, vector<16xi32>
      %max3A_779 = arith.maximumf %max3A_767, %gather3A_771 : vector<16xf32>
      %broadcast_in_dim3A_780 = arith.constant 62 : i32
      %broadcast_in_dim3A_781 = vector.broadcast %broadcast_in_dim3A_780 : i32 to vector<16xi32>
      %add3A_782 = arith.addi %mul3A_37, %broadcast_in_dim3A_781 : vector<16xi32>
      %gather3A_783 = tpu.vector_load_idx %arg5[%add3A_782] : memref<32768xf32, #tpu.memory_space<vmem>>[vector<16xi32>], vector<16xf32>,
      %gt3A_784 = arith.cmpf ogt, %gather3A_783, %max3A_779 : vector<16xf32>
      %gt3A_785 = arith.cmpf ogt, %gather3A_783, %max3A_777 : vector<16xf32>
      %select_n3A_786 = arith.select %gt3A_785, %broadcast_in_dim3A_781, %select_n3A_775 : vector<16xi1>, vector<16xi32>
      %select_n3A_787 = arith.select %gt3A_784, %select_n3A_778, %select_n3A_786 : vector<16xi1>, vector<16xi32>
      %min3A_788 = arith.minimumf %max3A_779, %gather3A_783 : vector<16xf32>
      %max3A_789 = arith.maximumf %max3A_777, %min3A_788 : vector<16xf32>
      %select_n3A_790 = arith.select %gt3A_784, %broadcast_in_dim3A_781, %select_n3A_778 : vector<16xi1>, vector<16xi32>
      %max3A_791 = arith.maximumf %max3A_779, %gather3A_783 : vector<16xf32>
      %broadcast_in_dim3A_792 = arith.constant 63 : i32
      %broadcast_in_dim3A_793 = vector.broadcast %broadcast_in_dim3A_792 : i32 to vector<16xi32>
      %add3A_794 = arith.addi %mul3A_37, %broadcast_in_dim3A_793 : vector<16xi32>
      %gather3A_795 = tpu.vector_load_idx %arg5[%add3A_794] : memref<32768xf32, #tpu.memory_space<vmem>>[vector<16xi32>], vector<16xf32>,
      %gt3A_796 = arith.cmpf ogt, %gather3A_795, %max3A_791 : vector<16xf32>
      %gt3A_797 = arith.cmpf ogt, %gather3A_795, %max3A_789 : vector<16xf32>
      %select_n3A_798 = arith.select %gt3A_797, %broadcast_in_dim3A_793, %select_n3A_787 : vector<16xi1>, vector<16xi32>
      %select_n3A_799 = arith.select %gt3A_796, %select_n3A_790, %select_n3A_798 : vector<16xi1>, vector<16xi32>
      %min3A_800 = arith.minimumf %max3A_791, %gather3A_795 : vector<16xf32>
      %max3A_801 = arith.maximumf %max3A_789, %min3A_800 : vector<16xf32>
      %select_n3A_802 = arith.select %gt3A_796, %broadcast_in_dim3A_793, %select_n3A_790 : vector<16xi1>, vector<16xi32>
      %max3A_803 = arith.maximumf %max3A_791, %gather3A_795 : vector<16xf32>
      %gt3A_804 = arith.cmpf ogt, %max3A_419, %max3A_227 : vector<16xf32>
      %select_n3A_805 = arith.select %gt3A_804, %max3A_419, %max3A_227 : vector<16xi1>, vector<16xf32>
      %select_n3A_806 = arith.select %gt3A_804, %select_n3A_418, %select_n3A_226 : vector<16xi1>, vector<16xi32>
      %select_n3A_807 = arith.select %gt3A_804, %max3A_227, %max3A_419 : vector<16xi1>, vector<16xf32>
      %select_n3A_808 = arith.select %gt3A_804, %select_n3A_226, %select_n3A_418 : vector<16xi1>, vector<16xi32>
      %gt3A_809 = arith.cmpf ogt, %max3A_417, %max3A_225 : vector<16xf32>
      %select_n3A_810 = arith.select %gt3A_809, %max3A_417, %max3A_225 : vector<16xi1>, vector<16xf32>
      %select_n3A_811 = arith.select %gt3A_809, %select_n3A_415, %select_n3A_223 : vector<16xi1>, vector<16xi32>
      %gt3A_812 = arith.cmpf ogt, %select_n3A_810, %select_n3A_807 : vector<16xf32>
      %eq3A = arith.cmpf oeq, %select_n3A_810, %select_n3A_807 : vector<16xf32>
      %lt3A = arith.cmpi slt, %select_n3A_811, %select_n3A_808 : vector<16xi32>
      %and3A = arith.andi %eq3A, %lt3A : vector<16xi1>
      %or3A = arith.ori %gt3A_812, %and3A : vector<16xi1>
      %select_n3A_813 = arith.select %or3A, %select_n3A_810, %select_n3A_807 : vector<16xi1>, vector<16xf32>
      %select_n3A_814 = arith.select %or3A, %select_n3A_811, %select_n3A_808 : vector<16xi1>, vector<16xi32>
      %gt3A_815 = arith.cmpf ogt, %max3A_803, %max3A_611 : vector<16xf32>
      %select_n3A_816 = arith.select %gt3A_815, %max3A_803, %max3A_611 : vector<16xi1>, vector<16xf32>
      %select_n3A_817 = arith.select %gt3A_815, %select_n3A_802, %select_n3A_610 : vector<16xi1>, vector<16xi32>
      %select_n3A_818 = arith.select %gt3A_815, %max3A_611, %max3A_803 : vector<16xi1>, vector<16xf32>
      %select_n3A_819 = arith.select %gt3A_815, %select_n3A_610, %select_n3A_802 : vector<16xi1>, vector<16xi32>
      %gt3A_820 = arith.cmpf ogt, %max3A_801, %max3A_609 : vector<16xf32>
      %select_n3A_821 = arith.select %gt3A_820, %max3A_801, %max3A_609 : vector<16xi1>, vector<16xf32>
      %select_n3A_822 = arith.select %gt3A_820, %select_n3A_799, %select_n3A_607 : vector<16xi1>, vector<16xi32>
      %gt3A_823 = arith.cmpf ogt, %select_n3A_821, %select_n3A_818 : vector<16xf32>
      %eq3A_824 = arith.cmpf oeq, %select_n3A_821, %select_n3A_818 : vector<16xf32>
      %lt3A_825 = arith.cmpi slt, %select_n3A_822, %select_n3A_819 : vector<16xi32>
      %and3A_826 = arith.andi %eq3A_824, %lt3A_825 : vector<16xi1>
      %or3A_827 = arith.ori %gt3A_823, %and3A_826 : vector<16xi1>
      %select_n3A_828 = arith.select %or3A_827, %select_n3A_821, %select_n3A_818 : vector<16xi1>, vector<16xf32>
      %select_n3A_829 = arith.select %or3A_827, %select_n3A_822, %select_n3A_819 : vector<16xi1>, vector<16xi32>
      %gt3A_830 = arith.cmpf ogt, %select_n3A_816, %select_n3A_805 : vector<16xf32>
      %select_n3A_831 = arith.select %gt3A_830, %select_n3A_816, %select_n3A_805 : vector<16xi1>, vector<16xf32>
      %select_n3A_832 = arith.select %gt3A_830, %select_n3A_817, %select_n3A_806 : vector<16xi1>, vector<16xi32>
      %select_n3A_833 = arith.select %gt3A_830, %select_n3A_805, %select_n3A_816 : vector<16xi1>, vector<16xf32>
      %select_n3A_834 = arith.select %gt3A_830, %select_n3A_806, %select_n3A_817 : vector<16xi1>, vector<16xi32>
      %gt3A_835 = arith.cmpf ogt, %select_n3A_828, %select_n3A_813 : vector<16xf32>
      %select_n3A_836 = arith.select %gt3A_835, %select_n3A_828, %select_n3A_813 : vector<16xi1>, vector<16xf32>
      %select_n3A_837 = arith.select %gt3A_835, %select_n3A_829, %select_n3A_814 : vector<16xi1>, vector<16xi32>
      %gt3A_838 = arith.cmpf ogt, %select_n3A_836, %select_n3A_833 : vector<16xf32>
      %eq3A_839 = arith.cmpf oeq, %select_n3A_836, %select_n3A_833 : vector<16xf32>
      %lt3A_840 = arith.cmpi slt, %select_n3A_837, %select_n3A_834 : vector<16xi32>
      %and3A_841 = arith.andi %eq3A_839, %lt3A_840 : vector<16xi1>
      %or3A_842 = arith.ori %gt3A_838, %and3A_841 : vector<16xi1>
      %select_n3A_843 = arith.select %or3A_842, %select_n3A_836, %select_n3A_833 : vector<16xi1>, vector<16xf32>
      %select_n3A_844 = arith.select %or3A_842, %select_n3A_837, %select_n3A_834 : vector<16xi1>, vector<16xi32>
      %sub3A = arith.subf %select_n3A_843, %select_n3A_831 : vector<16xf32>
      %exp3A = math.exp %sub3A : vector<16xf32>
      %add3A_845 = arith.constant 1.000000e+00 : f32
      %add3A_846 = vector.broadcast %add3A_845 : f32 to vector<16xf32>
      %add3A_847 = arith.addf %add3A_846, %exp3A : vector<16xf32>
      %div3A = arith.constant 1.000000e+00 : f32
      %div3A_848 = vector.broadcast %div3A : f32 to vector<16xf32>
      %div3A_849 = arith.divf %div3A_848, %add3A_847 : vector<16xf32>
      %mul3A_850 = arith.constant 2 : i32
      %mul3A_851 = vector.broadcast %mul3A_850 : i32 to vector<16xi32>
      %mul3A_852 = arith.muli %mul3A_851, %add3A_34 : vector<16xi32>
      %add3A_853 = arith.constant 1 : i32
      %add3A_854 = vector.broadcast %add3A_853 : i32 to vector<16xi32>
      %add3A_855 = arith.addi %mul3A_852, %add3A_854 : vector<16xi32>
      tpu.vector_store_idx %arg6[%mul3A_852], %div3A_849 : memref<1024xf32, #tpu.memory_space<vmem>>[vector<16xi32>], vector<16xf32>,
      %sub3A_856 = arith.constant 1.000000e+00 : f32
      %sub3A_857 = vector.broadcast %sub3A_856 : f32 to vector<16xf32>
      %sub3A_858 = arith.subf %sub3A_857, %div3A_849 : vector<16xf32>
      tpu.vector_store_idx %arg6[%add3A_855], %sub3A_858 : memref<1024xf32, #tpu.memory_space<vmem>>[vector<16xi32>], vector<16xf32>,
      tpu.vector_store_idx %arg7[%mul3A_852], %select_n3A_832 : memref<1024xi32, #tpu.memory_space<vmem>>[vector<16xi32>], vector<16xi32>,
      tpu.vector_store_idx %arg7[%add3A_855], %select_n3A_844 : memref<1024xi32, #tpu.memory_space<vmem>>[vector<16xi32>], vector<16xi32>,
    }
    %scan3A_11 = arith.constant 32 : i32
    %mul3A_12 = arith.constant 2 : i32
    %mul3A_13 = arith.muli %mul3A_12, %add3A_4 : i32
    "tpu.region"() ({
      %run_scoped3A = tpu.sem_alloc : memref<!tpu.dma_semaphore, #tpu.memory_space<semaphore_mem>>
      %dma_start3A = tpu.memref_slice %arg3[%mul3A_13] : memref<65536xf32, #tpu.memory_space<hbm>> -> memref<1024xf32, #tpu.memory_space<hbm>>
      %dma_start3A_30 = tpu.memref_slice %arg3[%mul3A_13] : memref<65536xf32, #tpu.memory_space<hbm>> -> memref<1024xf32, #tpu.memory_space<hbm>>
      tpu.enqueue_dma source(%arg6 : memref<1024xf32, #tpu.memory_space<vmem>>) target(%dma_start3A_30 : memref<1024xf32, #tpu.memory_space<hbm>>) target_semaphore(%run_scoped3A : memref<!tpu.dma_semaphore, #tpu.memory_space<semaphore_mem>>)
      %dma_wait3A = tpu.memref_slice %arg3[%mul3A_13] : memref<65536xf32, #tpu.memory_space<hbm>> -> memref<1024xf32, #tpu.memory_space<hbm>>
      %dma_wait3A_31 = tpu.memref_slice %arg3[%mul3A_13] : memref<65536xf32, #tpu.memory_space<hbm>> -> memref<1024xf32, #tpu.memory_space<hbm>>
      tpu.wait_dma2 semaphore(%run_scoped3A : memref<!tpu.dma_semaphore, #tpu.memory_space<semaphore_mem>>) src(%arg6 : memref<1024xf32, #tpu.memory_space<vmem>>) dst(%dma_wait3A_31 : memref<1024xf32, #tpu.memory_space<hbm>>)
      tpu.yield
    }) : () -> ()
    %mul3A_14 = arith.constant 2 : i32
    %mul3A_15 = arith.muli %mul3A_14, %add3A_4 : i32
    "tpu.region"() ({
      %run_scoped3A = tpu.sem_alloc : memref<!tpu.dma_semaphore, #tpu.memory_space<semaphore_mem>>
      %dma_start3A = tpu.memref_slice %arg4[%mul3A_15] : memref<65536xi32, #tpu.memory_space<hbm>> -> memref<1024xi32, #tpu.memory_space<hbm>>
      %dma_start3A_30 = tpu.memref_slice %arg4[%mul3A_15] : memref<65536xi32, #tpu.memory_space<hbm>> -> memref<1024xi32, #tpu.memory_space<hbm>>
      tpu.enqueue_dma source(%arg7 : memref<1024xi32, #tpu.memory_space<vmem>>) target(%dma_start3A_30 : memref<1024xi32, #tpu.memory_space<hbm>>) target_semaphore(%run_scoped3A : memref<!tpu.dma_semaphore, #tpu.memory_space<semaphore_mem>>)
      %dma_wait3A = tpu.memref_slice %arg4[%mul3A_15] : memref<65536xi32, #tpu.memory_space<hbm>> -> memref<1024xi32, #tpu.memory_space<hbm>>
      %dma_wait3A_31 = tpu.memref_slice %arg4[%mul3A_15] : memref<65536xi32, #tpu.memory_space<hbm>> -> memref<1024xi32, #tpu.memory_space<hbm>>
      tpu.wait_dma2 semaphore(%run_scoped3A : memref<!tpu.dma_semaphore, #tpu.memory_space<semaphore_mem>>) src(%arg7 : memref<1024xi32, #tpu.memory_space<vmem>>) dst(%dma_wait3A_31 : memref<1024xi32, #tpu.memory_space<hbm>>)
      tpu.yield
    }) : () -> ()
    %add3A_16 = arith.constant 512 : i32
    %add3A_17 = arith.addi %mul3A_2, %add3A_16 : i32
    %mul3A_18 = arith.constant 64 : i32
    %mul3A_19 = arith.muli %add3A_17, %mul3A_18 : i32
    "tpu.region"() ({
      %run_scoped3A = tpu.sem_alloc : memref<!tpu.dma_semaphore, #tpu.memory_space<semaphore_mem>>
      %dma_start3A = tpu.memref_slice %arg2[%mul3A_19] : memref<2097152xf32, #tpu.memory_space<hbm>> -> memref<32768xf32, #tpu.memory_space<hbm>>
      %dma_start3A_30 = tpu.memref_slice %arg2[%mul3A_19] : memref<2097152xf32, #tpu.memory_space<hbm>> -> memref<32768xf32, #tpu.memory_space<hbm>>
      tpu.enqueue_dma source(%dma_start3A_30 : memref<32768xf32, #tpu.memory_space<hbm>>) target(%arg5 : memref<32768xf32, #tpu.memory_space<vmem>>) target_semaphore(%run_scoped3A : memref<!tpu.dma_semaphore, #tpu.memory_space<semaphore_mem>>)
      %dma_wait3A = tpu.memref_slice %arg2[%mul3A_19] : memref<2097152xf32, #tpu.memory_space<hbm>> -> memref<32768xf32, #tpu.memory_space<hbm>>
      %dma_wait3A_31 = tpu.memref_slice %arg2[%mul3A_19] : memref<2097152xf32, #tpu.memory_space<hbm>> -> memref<32768xf32, #tpu.memory_space<hbm>>
      tpu.wait_dma2 semaphore(%run_scoped3A : memref<!tpu.dma_semaphore, #tpu.memory_space<semaphore_mem>>) src(%dma_wait3A_31 : memref<32768xf32, #tpu.memory_space<hbm>>) dst(%arg5 : memref<32768xf32, #tpu.memory_space<vmem>>)
      tpu.yield
    }) : () -> ()
    %scan3A_20 = arith.constant 0 : i32
    %scan3A_21 = arith.constant 0 : i32
    %scan3A_22 = arith.constant 32 : i32
    %scan3A_23 = arith.addi %scan3A_21, %scan3A_22 : i32
    %scan3A_24 = arith.constant 1 : i32
    scf.for %scan3A_30 = %scan3A_21 to %scan3A_23 step %scan3A_24  : i32 {
      %mul3A_31 = arith.constant 16 : i32
      %mul3A_32 = arith.muli %scan3A_30, %mul3A_31 : i32
      %add3A_33 = vector.broadcast %mul3A_32 : i32 to vector<16xi32>
      %add3A_34 = arith.addi %add3A_33, %iota3A : vector<16xi32>
      %mul3A_35 = arith.constant 64 : i32
      %mul3A_36 = vector.broadcast %mul3A_35 : i32 to vector<16xi32>
      %mul3A_37 = arith.muli %add3A_34, %mul3A_36 : vector<16xi32>
      %broadcast_in_dim3A = arith.constant 0xFF800000 : f32
      %broadcast_in_dim3A_38 = vector.broadcast %broadcast_in_dim3A : f32 to vector<16xf32>
      %broadcast_in_dim3A_39 = arith.constant 0 : i32
      %broadcast_in_dim3A_40 = vector.broadcast %broadcast_in_dim3A_39 : i32 to vector<16xi32>
      %broadcast_in_dim3A_41 = arith.constant 0 : i32
      %broadcast_in_dim3A_42 = vector.broadcast %broadcast_in_dim3A_41 : i32 to vector<16xi32>
      %add3A_43 = arith.addi %mul3A_37, %broadcast_in_dim3A_42 : vector<16xi32>
      %gather3A = tpu.vector_load_idx %arg5[%add3A_43] : memref<32768xf32, #tpu.memory_space<vmem>>[vector<16xi32>], vector<16xf32>,
      %gt3A = arith.cmpf ogt, %gather3A, %broadcast_in_dim3A_38 : vector<16xf32>
      %gt3A_44 = arith.cmpf ogt, %gather3A, %broadcast_in_dim3A_38 : vector<16xf32>
      %select_n3A = arith.select %gt3A_44, %broadcast_in_dim3A_42, %broadcast_in_dim3A_40 : vector<16xi1>, vector<16xi32>
      %select_n3A_45 = arith.select %gt3A, %broadcast_in_dim3A_40, %select_n3A : vector<16xi1>, vector<16xi32>
      %min3A = arith.minimumf %broadcast_in_dim3A_38, %gather3A : vector<16xf32>
      %max3A = arith.maximumf %broadcast_in_dim3A_38, %min3A : vector<16xf32>
      %select_n3A_46 = arith.select %gt3A, %broadcast_in_dim3A_42, %broadcast_in_dim3A_40 : vector<16xi1>, vector<16xi32>
      %max3A_47 = arith.maximumf %broadcast_in_dim3A_38, %gather3A : vector<16xf32>
      %broadcast_in_dim3A_48 = arith.constant 1 : i32
      %broadcast_in_dim3A_49 = vector.broadcast %broadcast_in_dim3A_48 : i32 to vector<16xi32>
      %add3A_50 = arith.addi %mul3A_37, %broadcast_in_dim3A_49 : vector<16xi32>
      %gather3A_51 = tpu.vector_load_idx %arg5[%add3A_50] : memref<32768xf32, #tpu.memory_space<vmem>>[vector<16xi32>], vector<16xf32>,
      %gt3A_52 = arith.cmpf ogt, %gather3A_51, %max3A_47 : vector<16xf32>
      %gt3A_53 = arith.cmpf ogt, %gather3A_51, %max3A : vector<16xf32>
      %select_n3A_54 = arith.select %gt3A_53, %broadcast_in_dim3A_49, %select_n3A_45 : vector<16xi1>, vector<16xi32>
      %select_n3A_55 = arith.select %gt3A_52, %select_n3A_46, %select_n3A_54 : vector<16xi1>, vector<16xi32>
      %min3A_56 = arith.minimumf %max3A_47, %gather3A_51 : vector<16xf32>
      %max3A_57 = arith.maximumf %max3A, %min3A_56 : vector<16xf32>
      %select_n3A_58 = arith.select %gt3A_52, %broadcast_in_dim3A_49, %select_n3A_46 : vector<16xi1>, vector<16xi32>
      %max3A_59 = arith.maximumf %max3A_47, %gather3A_51 : vector<16xf32>
      %broadcast_in_dim3A_60 = arith.constant 2 : i32
      %broadcast_in_dim3A_61 = vector.broadcast %broadcast_in_dim3A_60 : i32 to vector<16xi32>
      %add3A_62 = arith.addi %mul3A_37, %broadcast_in_dim3A_61 : vector<16xi32>
      %gather3A_63 = tpu.vector_load_idx %arg5[%add3A_62] : memref<32768xf32, #tpu.memory_space<vmem>>[vector<16xi32>], vector<16xf32>,
      %gt3A_64 = arith.cmpf ogt, %gather3A_63, %max3A_59 : vector<16xf32>
      %gt3A_65 = arith.cmpf ogt, %gather3A_63, %max3A_57 : vector<16xf32>
      %select_n3A_66 = arith.select %gt3A_65, %broadcast_in_dim3A_61, %select_n3A_55 : vector<16xi1>, vector<16xi32>
      %select_n3A_67 = arith.select %gt3A_64, %select_n3A_58, %select_n3A_66 : vector<16xi1>, vector<16xi32>
      %min3A_68 = arith.minimumf %max3A_59, %gather3A_63 : vector<16xf32>
      %max3A_69 = arith.maximumf %max3A_57, %min3A_68 : vector<16xf32>
      %select_n3A_70 = arith.select %gt3A_64, %broadcast_in_dim3A_61, %select_n3A_58 : vector<16xi1>, vector<16xi32>
      %max3A_71 = arith.maximumf %max3A_59, %gather3A_63 : vector<16xf32>
      %broadcast_in_dim3A_72 = arith.constant 3 : i32
      %broadcast_in_dim3A_73 = vector.broadcast %broadcast_in_dim3A_72 : i32 to vector<16xi32>
      %add3A_74 = arith.addi %mul3A_37, %broadcast_in_dim3A_73 : vector<16xi32>
      %gather3A_75 = tpu.vector_load_idx %arg5[%add3A_74] : memref<32768xf32, #tpu.memory_space<vmem>>[vector<16xi32>], vector<16xf32>,
      %gt3A_76 = arith.cmpf ogt, %gather3A_75, %max3A_71 : vector<16xf32>
      %gt3A_77 = arith.cmpf ogt, %gather3A_75, %max3A_69 : vector<16xf32>
      %select_n3A_78 = arith.select %gt3A_77, %broadcast_in_dim3A_73, %select_n3A_67 : vector<16xi1>, vector<16xi32>
      %select_n3A_79 = arith.select %gt3A_76, %select_n3A_70, %select_n3A_78 : vector<16xi1>, vector<16xi32>
      %min3A_80 = arith.minimumf %max3A_71, %gather3A_75 : vector<16xf32>
      %max3A_81 = arith.maximumf %max3A_69, %min3A_80 : vector<16xf32>
      %select_n3A_82 = arith.select %gt3A_76, %broadcast_in_dim3A_73, %select_n3A_70 : vector<16xi1>, vector<16xi32>
      %max3A_83 = arith.maximumf %max3A_71, %gather3A_75 : vector<16xf32>
      %broadcast_in_dim3A_84 = arith.constant 4 : i32
      %broadcast_in_dim3A_85 = vector.broadcast %broadcast_in_dim3A_84 : i32 to vector<16xi32>
      %add3A_86 = arith.addi %mul3A_37, %broadcast_in_dim3A_85 : vector<16xi32>
      %gather3A_87 = tpu.vector_load_idx %arg5[%add3A_86] : memref<32768xf32, #tpu.memory_space<vmem>>[vector<16xi32>], vector<16xf32>,
      %gt3A_88 = arith.cmpf ogt, %gather3A_87, %max3A_83 : vector<16xf32>
      %gt3A_89 = arith.cmpf ogt, %gather3A_87, %max3A_81 : vector<16xf32>
      %select_n3A_90 = arith.select %gt3A_89, %broadcast_in_dim3A_85, %select_n3A_79 : vector<16xi1>, vector<16xi32>
      %select_n3A_91 = arith.select %gt3A_88, %select_n3A_82, %select_n3A_90 : vector<16xi1>, vector<16xi32>
      %min3A_92 = arith.minimumf %max3A_83, %gather3A_87 : vector<16xf32>
      %max3A_93 = arith.maximumf %max3A_81, %min3A_92 : vector<16xf32>
      %select_n3A_94 = arith.select %gt3A_88, %broadcast_in_dim3A_85, %select_n3A_82 : vector<16xi1>, vector<16xi32>
      %max3A_95 = arith.maximumf %max3A_83, %gather3A_87 : vector<16xf32>
      %broadcast_in_dim3A_96 = arith.constant 5 : i32
      %broadcast_in_dim3A_97 = vector.broadcast %broadcast_in_dim3A_96 : i32 to vector<16xi32>
      %add3A_98 = arith.addi %mul3A_37, %broadcast_in_dim3A_97 : vector<16xi32>
      %gather3A_99 = tpu.vector_load_idx %arg5[%add3A_98] : memref<32768xf32, #tpu.memory_space<vmem>>[vector<16xi32>], vector<16xf32>,
      %gt3A_100 = arith.cmpf ogt, %gather3A_99, %max3A_95 : vector<16xf32>
      %gt3A_101 = arith.cmpf ogt, %gather3A_99, %max3A_93 : vector<16xf32>
      %select_n3A_102 = arith.select %gt3A_101, %broadcast_in_dim3A_97, %select_n3A_91 : vector<16xi1>, vector<16xi32>
      %select_n3A_103 = arith.select %gt3A_100, %select_n3A_94, %select_n3A_102 : vector<16xi1>, vector<16xi32>
      %min3A_104 = arith.minimumf %max3A_95, %gather3A_99 : vector<16xf32>
      %max3A_105 = arith.maximumf %max3A_93, %min3A_104 : vector<16xf32>
      %select_n3A_106 = arith.select %gt3A_100, %broadcast_in_dim3A_97, %select_n3A_94 : vector<16xi1>, vector<16xi32>
      %max3A_107 = arith.maximumf %max3A_95, %gather3A_99 : vector<16xf32>
      %broadcast_in_dim3A_108 = arith.constant 6 : i32
      %broadcast_in_dim3A_109 = vector.broadcast %broadcast_in_dim3A_108 : i32 to vector<16xi32>
      %add3A_110 = arith.addi %mul3A_37, %broadcast_in_dim3A_109 : vector<16xi32>
      %gather3A_111 = tpu.vector_load_idx %arg5[%add3A_110] : memref<32768xf32, #tpu.memory_space<vmem>>[vector<16xi32>], vector<16xf32>,
      %gt3A_112 = arith.cmpf ogt, %gather3A_111, %max3A_107 : vector<16xf32>
      %gt3A_113 = arith.cmpf ogt, %gather3A_111, %max3A_105 : vector<16xf32>
      %select_n3A_114 = arith.select %gt3A_113, %broadcast_in_dim3A_109, %select_n3A_103 : vector<16xi1>, vector<16xi32>
      %select_n3A_115 = arith.select %gt3A_112, %select_n3A_106, %select_n3A_114 : vector<16xi1>, vector<16xi32>
      %min3A_116 = arith.minimumf %max3A_107, %gather3A_111 : vector<16xf32>
      %max3A_117 = arith.maximumf %max3A_105, %min3A_116 : vector<16xf32>
      %select_n3A_118 = arith.select %gt3A_112, %broadcast_in_dim3A_109, %select_n3A_106 : vector<16xi1>, vector<16xi32>
      %max3A_119 = arith.maximumf %max3A_107, %gather3A_111 : vector<16xf32>
      %broadcast_in_dim3A_120 = arith.constant 7 : i32
      %broadcast_in_dim3A_121 = vector.broadcast %broadcast_in_dim3A_120 : i32 to vector<16xi32>
      %add3A_122 = arith.addi %mul3A_37, %broadcast_in_dim3A_121 : vector<16xi32>
      %gather3A_123 = tpu.vector_load_idx %arg5[%add3A_122] : memref<32768xf32, #tpu.memory_space<vmem>>[vector<16xi32>], vector<16xf32>,
      %gt3A_124 = arith.cmpf ogt, %gather3A_123, %max3A_119 : vector<16xf32>
      %gt3A_125 = arith.cmpf ogt, %gather3A_123, %max3A_117 : vector<16xf32>
      %select_n3A_126 = arith.select %gt3A_125, %broadcast_in_dim3A_121, %select_n3A_115 : vector<16xi1>, vector<16xi32>
      %select_n3A_127 = arith.select %gt3A_124, %select_n3A_118, %select_n3A_126 : vector<16xi1>, vector<16xi32>
      %min3A_128 = arith.minimumf %max3A_119, %gather3A_123 : vector<16xf32>
      %max3A_129 = arith.maximumf %max3A_117, %min3A_128 : vector<16xf32>
      %select_n3A_130 = arith.select %gt3A_124, %broadcast_in_dim3A_121, %select_n3A_118 : vector<16xi1>, vector<16xi32>
      %max3A_131 = arith.maximumf %max3A_119, %gather3A_123 : vector<16xf32>
      %broadcast_in_dim3A_132 = arith.constant 8 : i32
      %broadcast_in_dim3A_133 = vector.broadcast %broadcast_in_dim3A_132 : i32 to vector<16xi32>
      %add3A_134 = arith.addi %mul3A_37, %broadcast_in_dim3A_133 : vector<16xi32>
      %gather3A_135 = tpu.vector_load_idx %arg5[%add3A_134] : memref<32768xf32, #tpu.memory_space<vmem>>[vector<16xi32>], vector<16xf32>,
      %gt3A_136 = arith.cmpf ogt, %gather3A_135, %max3A_131 : vector<16xf32>
      %gt3A_137 = arith.cmpf ogt, %gather3A_135, %max3A_129 : vector<16xf32>
      %select_n3A_138 = arith.select %gt3A_137, %broadcast_in_dim3A_133, %select_n3A_127 : vector<16xi1>, vector<16xi32>
      %select_n3A_139 = arith.select %gt3A_136, %select_n3A_130, %select_n3A_138 : vector<16xi1>, vector<16xi32>
      %min3A_140 = arith.minimumf %max3A_131, %gather3A_135 : vector<16xf32>
      %max3A_141 = arith.maximumf %max3A_129, %min3A_140 : vector<16xf32>
      %select_n3A_142 = arith.select %gt3A_136, %broadcast_in_dim3A_133, %select_n3A_130 : vector<16xi1>, vector<16xi32>
      %max3A_143 = arith.maximumf %max3A_131, %gather3A_135 : vector<16xf32>
      %broadcast_in_dim3A_144 = arith.constant 9 : i32
      %broadcast_in_dim3A_145 = vector.broadcast %broadcast_in_dim3A_144 : i32 to vector<16xi32>
      %add3A_146 = arith.addi %mul3A_37, %broadcast_in_dim3A_145 : vector<16xi32>
      %gather3A_147 = tpu.vector_load_idx %arg5[%add3A_146] : memref<32768xf32, #tpu.memory_space<vmem>>[vector<16xi32>], vector<16xf32>,
      %gt3A_148 = arith.cmpf ogt, %gather3A_147, %max3A_143 : vector<16xf32>
      %gt3A_149 = arith.cmpf ogt, %gather3A_147, %max3A_141 : vector<16xf32>
      %select_n3A_150 = arith.select %gt3A_149, %broadcast_in_dim3A_145, %select_n3A_139 : vector<16xi1>, vector<16xi32>
      %select_n3A_151 = arith.select %gt3A_148, %select_n3A_142, %select_n3A_150 : vector<16xi1>, vector<16xi32>
      %min3A_152 = arith.minimumf %max3A_143, %gather3A_147 : vector<16xf32>
      %max3A_153 = arith.maximumf %max3A_141, %min3A_152 : vector<16xf32>
      %select_n3A_154 = arith.select %gt3A_148, %broadcast_in_dim3A_145, %select_n3A_142 : vector<16xi1>, vector<16xi32>
      %max3A_155 = arith.maximumf %max3A_143, %gather3A_147 : vector<16xf32>
      %broadcast_in_dim3A_156 = arith.constant 10 : i32
      %broadcast_in_dim3A_157 = vector.broadcast %broadcast_in_dim3A_156 : i32 to vector<16xi32>
      %add3A_158 = arith.addi %mul3A_37, %broadcast_in_dim3A_157 : vector<16xi32>
      %gather3A_159 = tpu.vector_load_idx %arg5[%add3A_158] : memref<32768xf32, #tpu.memory_space<vmem>>[vector<16xi32>], vector<16xf32>,
      %gt3A_160 = arith.cmpf ogt, %gather3A_159, %max3A_155 : vector<16xf32>
      %gt3A_161 = arith.cmpf ogt, %gather3A_159, %max3A_153 : vector<16xf32>
      %select_n3A_162 = arith.select %gt3A_161, %broadcast_in_dim3A_157, %select_n3A_151 : vector<16xi1>, vector<16xi32>
      %select_n3A_163 = arith.select %gt3A_160, %select_n3A_154, %select_n3A_162 : vector<16xi1>, vector<16xi32>
      %min3A_164 = arith.minimumf %max3A_155, %gather3A_159 : vector<16xf32>
      %max3A_165 = arith.maximumf %max3A_153, %min3A_164 : vector<16xf32>
      %select_n3A_166 = arith.select %gt3A_160, %broadcast_in_dim3A_157, %select_n3A_154 : vector<16xi1>, vector<16xi32>
      %max3A_167 = arith.maximumf %max3A_155, %gather3A_159 : vector<16xf32>
      %broadcast_in_dim3A_168 = arith.constant 11 : i32
      %broadcast_in_dim3A_169 = vector.broadcast %broadcast_in_dim3A_168 : i32 to vector<16xi32>
      %add3A_170 = arith.addi %mul3A_37, %broadcast_in_dim3A_169 : vector<16xi32>
      %gather3A_171 = tpu.vector_load_idx %arg5[%add3A_170] : memref<32768xf32, #tpu.memory_space<vmem>>[vector<16xi32>], vector<16xf32>,
      %gt3A_172 = arith.cmpf ogt, %gather3A_171, %max3A_167 : vector<16xf32>
      %gt3A_173 = arith.cmpf ogt, %gather3A_171, %max3A_165 : vector<16xf32>
      %select_n3A_174 = arith.select %gt3A_173, %broadcast_in_dim3A_169, %select_n3A_163 : vector<16xi1>, vector<16xi32>
      %select_n3A_175 = arith.select %gt3A_172, %select_n3A_166, %select_n3A_174 : vector<16xi1>, vector<16xi32>
      %min3A_176 = arith.minimumf %max3A_167, %gather3A_171 : vector<16xf32>
      %max3A_177 = arith.maximumf %max3A_165, %min3A_176 : vector<16xf32>
      %select_n3A_178 = arith.select %gt3A_172, %broadcast_in_dim3A_169, %select_n3A_166 : vector<16xi1>, vector<16xi32>
      %max3A_179 = arith.maximumf %max3A_167, %gather3A_171 : vector<16xf32>
      %broadcast_in_dim3A_180 = arith.constant 12 : i32
      %broadcast_in_dim3A_181 = vector.broadcast %broadcast_in_dim3A_180 : i32 to vector<16xi32>
      %add3A_182 = arith.addi %mul3A_37, %broadcast_in_dim3A_181 : vector<16xi32>
      %gather3A_183 = tpu.vector_load_idx %arg5[%add3A_182] : memref<32768xf32, #tpu.memory_space<vmem>>[vector<16xi32>], vector<16xf32>,
      %gt3A_184 = arith.cmpf ogt, %gather3A_183, %max3A_179 : vector<16xf32>
      %gt3A_185 = arith.cmpf ogt, %gather3A_183, %max3A_177 : vector<16xf32>
      %select_n3A_186 = arith.select %gt3A_185, %broadcast_in_dim3A_181, %select_n3A_175 : vector<16xi1>, vector<16xi32>
      %select_n3A_187 = arith.select %gt3A_184, %select_n3A_178, %select_n3A_186 : vector<16xi1>, vector<16xi32>
      %min3A_188 = arith.minimumf %max3A_179, %gather3A_183 : vector<16xf32>
      %max3A_189 = arith.maximumf %max3A_177, %min3A_188 : vector<16xf32>
      %select_n3A_190 = arith.select %gt3A_184, %broadcast_in_dim3A_181, %select_n3A_178 : vector<16xi1>, vector<16xi32>
      %max3A_191 = arith.maximumf %max3A_179, %gather3A_183 : vector<16xf32>
      %broadcast_in_dim3A_192 = arith.constant 13 : i32
      %broadcast_in_dim3A_193 = vector.broadcast %broadcast_in_dim3A_192 : i32 to vector<16xi32>
      %add3A_194 = arith.addi %mul3A_37, %broadcast_in_dim3A_193 : vector<16xi32>
      %gather3A_195 = tpu.vector_load_idx %arg5[%add3A_194] : memref<32768xf32, #tpu.memory_space<vmem>>[vector<16xi32>], vector<16xf32>,
      %gt3A_196 = arith.cmpf ogt, %gather3A_195, %max3A_191 : vector<16xf32>
      %gt3A_197 = arith.cmpf ogt, %gather3A_195, %max3A_189 : vector<16xf32>
      %select_n3A_198 = arith.select %gt3A_197, %broadcast_in_dim3A_193, %select_n3A_187 : vector<16xi1>, vector<16xi32>
      %select_n3A_199 = arith.select %gt3A_196, %select_n3A_190, %select_n3A_198 : vector<16xi1>, vector<16xi32>
      %min3A_200 = arith.minimumf %max3A_191, %gather3A_195 : vector<16xf32>
      %max3A_201 = arith.maximumf %max3A_189, %min3A_200 : vector<16xf32>
      %select_n3A_202 = arith.select %gt3A_196, %broadcast_in_dim3A_193, %select_n3A_190 : vector<16xi1>, vector<16xi32>
      %max3A_203 = arith.maximumf %max3A_191, %gather3A_195 : vector<16xf32>
      %broadcast_in_dim3A_204 = arith.constant 14 : i32
      %broadcast_in_dim3A_205 = vector.broadcast %broadcast_in_dim3A_204 : i32 to vector<16xi32>
      %add3A_206 = arith.addi %mul3A_37, %broadcast_in_dim3A_205 : vector<16xi32>
      %gather3A_207 = tpu.vector_load_idx %arg5[%add3A_206] : memref<32768xf32, #tpu.memory_space<vmem>>[vector<16xi32>], vector<16xf32>,
      %gt3A_208 = arith.cmpf ogt, %gather3A_207, %max3A_203 : vector<16xf32>
      %gt3A_209 = arith.cmpf ogt, %gather3A_207, %max3A_201 : vector<16xf32>
      %select_n3A_210 = arith.select %gt3A_209, %broadcast_in_dim3A_205, %select_n3A_199 : vector<16xi1>, vector<16xi32>
      %select_n3A_211 = arith.select %gt3A_208, %select_n3A_202, %select_n3A_210 : vector<16xi1>, vector<16xi32>
      %min3A_212 = arith.minimumf %max3A_203, %gather3A_207 : vector<16xf32>
      %max3A_213 = arith.maximumf %max3A_201, %min3A_212 : vector<16xf32>
      %select_n3A_214 = arith.select %gt3A_208, %broadcast_in_dim3A_205, %select_n3A_202 : vector<16xi1>, vector<16xi32>
      %max3A_215 = arith.maximumf %max3A_203, %gather3A_207 : vector<16xf32>
      %broadcast_in_dim3A_216 = arith.constant 15 : i32
      %broadcast_in_dim3A_217 = vector.broadcast %broadcast_in_dim3A_216 : i32 to vector<16xi32>
      %add3A_218 = arith.addi %mul3A_37, %broadcast_in_dim3A_217 : vector<16xi32>
      %gather3A_219 = tpu.vector_load_idx %arg5[%add3A_218] : memref<32768xf32, #tpu.memory_space<vmem>>[vector<16xi32>], vector<16xf32>,
      %gt3A_220 = arith.cmpf ogt, %gather3A_219, %max3A_215 : vector<16xf32>
      %gt3A_221 = arith.cmpf ogt, %gather3A_219, %max3A_213 : vector<16xf32>
      %select_n3A_222 = arith.select %gt3A_221, %broadcast_in_dim3A_217, %select_n3A_211 : vector<16xi1>, vector<16xi32>
      %select_n3A_223 = arith.select %gt3A_220, %select_n3A_214, %select_n3A_222 : vector<16xi1>, vector<16xi32>
      %min3A_224 = arith.minimumf %max3A_215, %gather3A_219 : vector<16xf32>
      %max3A_225 = arith.maximumf %max3A_213, %min3A_224 : vector<16xf32>
      %select_n3A_226 = arith.select %gt3A_220, %broadcast_in_dim3A_217, %select_n3A_214 : vector<16xi1>, vector<16xi32>
      %max3A_227 = arith.maximumf %max3A_215, %gather3A_219 : vector<16xf32>
      %broadcast_in_dim3A_228 = arith.constant 16 : i32
      %broadcast_in_dim3A_229 = vector.broadcast %broadcast_in_dim3A_228 : i32 to vector<16xi32>
      %add3A_230 = arith.addi %mul3A_37, %broadcast_in_dim3A_229 : vector<16xi32>
      %gather3A_231 = tpu.vector_load_idx %arg5[%add3A_230] : memref<32768xf32, #tpu.memory_space<vmem>>[vector<16xi32>], vector<16xf32>,
      %gt3A_232 = arith.cmpf ogt, %gather3A_231, %broadcast_in_dim3A_38 : vector<16xf32>
      %gt3A_233 = arith.cmpf ogt, %gather3A_231, %broadcast_in_dim3A_38 : vector<16xf32>
      %select_n3A_234 = arith.select %gt3A_233, %broadcast_in_dim3A_229, %broadcast_in_dim3A_40 : vector<16xi1>, vector<16xi32>
      %select_n3A_235 = arith.select %gt3A_232, %broadcast_in_dim3A_40, %select_n3A_234 : vector<16xi1>, vector<16xi32>
      %min3A_236 = arith.minimumf %broadcast_in_dim3A_38, %gather3A_231 : vector<16xf32>
      %max3A_237 = arith.maximumf %broadcast_in_dim3A_38, %min3A_236 : vector<16xf32>
      %select_n3A_238 = arith.select %gt3A_232, %broadcast_in_dim3A_229, %broadcast_in_dim3A_40 : vector<16xi1>, vector<16xi32>
      %max3A_239 = arith.maximumf %broadcast_in_dim3A_38, %gather3A_231 : vector<16xf32>
      %broadcast_in_dim3A_240 = arith.constant 17 : i32
      %broadcast_in_dim3A_241 = vector.broadcast %broadcast_in_dim3A_240 : i32 to vector<16xi32>
      %add3A_242 = arith.addi %mul3A_37, %broadcast_in_dim3A_241 : vector<16xi32>
      %gather3A_243 = tpu.vector_load_idx %arg5[%add3A_242] : memref<32768xf32, #tpu.memory_space<vmem>>[vector<16xi32>], vector<16xf32>,
      %gt3A_244 = arith.cmpf ogt, %gather3A_243, %max3A_239 : vector<16xf32>
      %gt3A_245 = arith.cmpf ogt, %gather3A_243, %max3A_237 : vector<16xf32>
      %select_n3A_246 = arith.select %gt3A_245, %broadcast_in_dim3A_241, %select_n3A_235 : vector<16xi1>, vector<16xi32>
      %select_n3A_247 = arith.select %gt3A_244, %select_n3A_238, %select_n3A_246 : vector<16xi1>, vector<16xi32>
      %min3A_248 = arith.minimumf %max3A_239, %gather3A_243 : vector<16xf32>
      %max3A_249 = arith.maximumf %max3A_237, %min3A_248 : vector<16xf32>
      %select_n3A_250 = arith.select %gt3A_244, %broadcast_in_dim3A_241, %select_n3A_238 : vector<16xi1>, vector<16xi32>
      %max3A_251 = arith.maximumf %max3A_239, %gather3A_243 : vector<16xf32>
      %broadcast_in_dim3A_252 = arith.constant 18 : i32
      %broadcast_in_dim3A_253 = vector.broadcast %broadcast_in_dim3A_252 : i32 to vector<16xi32>
      %add3A_254 = arith.addi %mul3A_37, %broadcast_in_dim3A_253 : vector<16xi32>
      %gather3A_255 = tpu.vector_load_idx %arg5[%add3A_254] : memref<32768xf32, #tpu.memory_space<vmem>>[vector<16xi32>], vector<16xf32>,
      %gt3A_256 = arith.cmpf ogt, %gather3A_255, %max3A_251 : vector<16xf32>
      %gt3A_257 = arith.cmpf ogt, %gather3A_255, %max3A_249 : vector<16xf32>
      %select_n3A_258 = arith.select %gt3A_257, %broadcast_in_dim3A_253, %select_n3A_247 : vector<16xi1>, vector<16xi32>
      %select_n3A_259 = arith.select %gt3A_256, %select_n3A_250, %select_n3A_258 : vector<16xi1>, vector<16xi32>
      %min3A_260 = arith.minimumf %max3A_251, %gather3A_255 : vector<16xf32>
      %max3A_261 = arith.maximumf %max3A_249, %min3A_260 : vector<16xf32>
      %select_n3A_262 = arith.select %gt3A_256, %broadcast_in_dim3A_253, %select_n3A_250 : vector<16xi1>, vector<16xi32>
      %max3A_263 = arith.maximumf %max3A_251, %gather3A_255 : vector<16xf32>
      %broadcast_in_dim3A_264 = arith.constant 19 : i32
      %broadcast_in_dim3A_265 = vector.broadcast %broadcast_in_dim3A_264 : i32 to vector<16xi32>
      %add3A_266 = arith.addi %mul3A_37, %broadcast_in_dim3A_265 : vector<16xi32>
      %gather3A_267 = tpu.vector_load_idx %arg5[%add3A_266] : memref<32768xf32, #tpu.memory_space<vmem>>[vector<16xi32>], vector<16xf32>,
      %gt3A_268 = arith.cmpf ogt, %gather3A_267, %max3A_263 : vector<16xf32>
      %gt3A_269 = arith.cmpf ogt, %gather3A_267, %max3A_261 : vector<16xf32>
      %select_n3A_270 = arith.select %gt3A_269, %broadcast_in_dim3A_265, %select_n3A_259 : vector<16xi1>, vector<16xi32>
      %select_n3A_271 = arith.select %gt3A_268, %select_n3A_262, %select_n3A_270 : vector<16xi1>, vector<16xi32>
      %min3A_272 = arith.minimumf %max3A_263, %gather3A_267 : vector<16xf32>
      %max3A_273 = arith.maximumf %max3A_261, %min3A_272 : vector<16xf32>
      %select_n3A_274 = arith.select %gt3A_268, %broadcast_in_dim3A_265, %select_n3A_262 : vector<16xi1>, vector<16xi32>
      %max3A_275 = arith.maximumf %max3A_263, %gather3A_267 : vector<16xf32>
      %broadcast_in_dim3A_276 = arith.constant 20 : i32
      %broadcast_in_dim3A_277 = vector.broadcast %broadcast_in_dim3A_276 : i32 to vector<16xi32>
      %add3A_278 = arith.addi %mul3A_37, %broadcast_in_dim3A_277 : vector<16xi32>
      %gather3A_279 = tpu.vector_load_idx %arg5[%add3A_278] : memref<32768xf32, #tpu.memory_space<vmem>>[vector<16xi32>], vector<16xf32>,
      %gt3A_280 = arith.cmpf ogt, %gather3A_279, %max3A_275 : vector<16xf32>
      %gt3A_281 = arith.cmpf ogt, %gather3A_279, %max3A_273 : vector<16xf32>
      %select_n3A_282 = arith.select %gt3A_281, %broadcast_in_dim3A_277, %select_n3A_271 : vector<16xi1>, vector<16xi32>
      %select_n3A_283 = arith.select %gt3A_280, %select_n3A_274, %select_n3A_282 : vector<16xi1>, vector<16xi32>
      %min3A_284 = arith.minimumf %max3A_275, %gather3A_279 : vector<16xf32>
      %max3A_285 = arith.maximumf %max3A_273, %min3A_284 : vector<16xf32>
      %select_n3A_286 = arith.select %gt3A_280, %broadcast_in_dim3A_277, %select_n3A_274 : vector<16xi1>, vector<16xi32>
      %max3A_287 = arith.maximumf %max3A_275, %gather3A_279 : vector<16xf32>
      %broadcast_in_dim3A_288 = arith.constant 21 : i32
      %broadcast_in_dim3A_289 = vector.broadcast %broadcast_in_dim3A_288 : i32 to vector<16xi32>
      %add3A_290 = arith.addi %mul3A_37, %broadcast_in_dim3A_289 : vector<16xi32>
      %gather3A_291 = tpu.vector_load_idx %arg5[%add3A_290] : memref<32768xf32, #tpu.memory_space<vmem>>[vector<16xi32>], vector<16xf32>,
      %gt3A_292 = arith.cmpf ogt, %gather3A_291, %max3A_287 : vector<16xf32>
      %gt3A_293 = arith.cmpf ogt, %gather3A_291, %max3A_285 : vector<16xf32>
      %select_n3A_294 = arith.select %gt3A_293, %broadcast_in_dim3A_289, %select_n3A_283 : vector<16xi1>, vector<16xi32>
      %select_n3A_295 = arith.select %gt3A_292, %select_n3A_286, %select_n3A_294 : vector<16xi1>, vector<16xi32>
      %min3A_296 = arith.minimumf %max3A_287, %gather3A_291 : vector<16xf32>
      %max3A_297 = arith.maximumf %max3A_285, %min3A_296 : vector<16xf32>
      %select_n3A_298 = arith.select %gt3A_292, %broadcast_in_dim3A_289, %select_n3A_286 : vector<16xi1>, vector<16xi32>
      %max3A_299 = arith.maximumf %max3A_287, %gather3A_291 : vector<16xf32>
      %broadcast_in_dim3A_300 = arith.constant 22 : i32
      %broadcast_in_dim3A_301 = vector.broadcast %broadcast_in_dim3A_300 : i32 to vector<16xi32>
      %add3A_302 = arith.addi %mul3A_37, %broadcast_in_dim3A_301 : vector<16xi32>
      %gather3A_303 = tpu.vector_load_idx %arg5[%add3A_302] : memref<32768xf32, #tpu.memory_space<vmem>>[vector<16xi32>], vector<16xf32>,
      %gt3A_304 = arith.cmpf ogt, %gather3A_303, %max3A_299 : vector<16xf32>
      %gt3A_305 = arith.cmpf ogt, %gather3A_303, %max3A_297 : vector<16xf32>
      %select_n3A_306 = arith.select %gt3A_305, %broadcast_in_dim3A_301, %select_n3A_295 : vector<16xi1>, vector<16xi32>
      %select_n3A_307 = arith.select %gt3A_304, %select_n3A_298, %select_n3A_306 : vector<16xi1>, vector<16xi32>
      %min3A_308 = arith.minimumf %max3A_299, %gather3A_303 : vector<16xf32>
      %max3A_309 = arith.maximumf %max3A_297, %min3A_308 : vector<16xf32>
      %select_n3A_310 = arith.select %gt3A_304, %broadcast_in_dim3A_301, %select_n3A_298 : vector<16xi1>, vector<16xi32>
      %max3A_311 = arith.maximumf %max3A_299, %gather3A_303 : vector<16xf32>
      %broadcast_in_dim3A_312 = arith.constant 23 : i32
      %broadcast_in_dim3A_313 = vector.broadcast %broadcast_in_dim3A_312 : i32 to vector<16xi32>
      %add3A_314 = arith.addi %mul3A_37, %broadcast_in_dim3A_313 : vector<16xi32>
      %gather3A_315 = tpu.vector_load_idx %arg5[%add3A_314] : memref<32768xf32, #tpu.memory_space<vmem>>[vector<16xi32>], vector<16xf32>,
      %gt3A_316 = arith.cmpf ogt, %gather3A_315, %max3A_311 : vector<16xf32>
      %gt3A_317 = arith.cmpf ogt, %gather3A_315, %max3A_309 : vector<16xf32>
      %select_n3A_318 = arith.select %gt3A_317, %broadcast_in_dim3A_313, %select_n3A_307 : vector<16xi1>, vector<16xi32>
      %select_n3A_319 = arith.select %gt3A_316, %select_n3A_310, %select_n3A_318 : vector<16xi1>, vector<16xi32>
      %min3A_320 = arith.minimumf %max3A_311, %gather3A_315 : vector<16xf32>
      %max3A_321 = arith.maximumf %max3A_309, %min3A_320 : vector<16xf32>
      %select_n3A_322 = arith.select %gt3A_316, %broadcast_in_dim3A_313, %select_n3A_310 : vector<16xi1>, vector<16xi32>
      %max3A_323 = arith.maximumf %max3A_311, %gather3A_315 : vector<16xf32>
      %broadcast_in_dim3A_324 = arith.constant 24 : i32
      %broadcast_in_dim3A_325 = vector.broadcast %broadcast_in_dim3A_324 : i32 to vector<16xi32>
      %add3A_326 = arith.addi %mul3A_37, %broadcast_in_dim3A_325 : vector<16xi32>
      %gather3A_327 = tpu.vector_load_idx %arg5[%add3A_326] : memref<32768xf32, #tpu.memory_space<vmem>>[vector<16xi32>], vector<16xf32>,
      %gt3A_328 = arith.cmpf ogt, %gather3A_327, %max3A_323 : vector<16xf32>
      %gt3A_329 = arith.cmpf ogt, %gather3A_327, %max3A_321 : vector<16xf32>
      %select_n3A_330 = arith.select %gt3A_329, %broadcast_in_dim3A_325, %select_n3A_319 : vector<16xi1>, vector<16xi32>
      %select_n3A_331 = arith.select %gt3A_328, %select_n3A_322, %select_n3A_330 : vector<16xi1>, vector<16xi32>
      %min3A_332 = arith.minimumf %max3A_323, %gather3A_327 : vector<16xf32>
      %max3A_333 = arith.maximumf %max3A_321, %min3A_332 : vector<16xf32>
      %select_n3A_334 = arith.select %gt3A_328, %broadcast_in_dim3A_325, %select_n3A_322 : vector<16xi1>, vector<16xi32>
      %max3A_335 = arith.maximumf %max3A_323, %gather3A_327 : vector<16xf32>
      %broadcast_in_dim3A_336 = arith.constant 25 : i32
      %broadcast_in_dim3A_337 = vector.broadcast %broadcast_in_dim3A_336 : i32 to vector<16xi32>
      %add3A_338 = arith.addi %mul3A_37, %broadcast_in_dim3A_337 : vector<16xi32>
      %gather3A_339 = tpu.vector_load_idx %arg5[%add3A_338] : memref<32768xf32, #tpu.memory_space<vmem>>[vector<16xi32>], vector<16xf32>,
      %gt3A_340 = arith.cmpf ogt, %gather3A_339, %max3A_335 : vector<16xf32>
      %gt3A_341 = arith.cmpf ogt, %gather3A_339, %max3A_333 : vector<16xf32>
      %select_n3A_342 = arith.select %gt3A_341, %broadcast_in_dim3A_337, %select_n3A_331 : vector<16xi1>, vector<16xi32>
      %select_n3A_343 = arith.select %gt3A_340, %select_n3A_334, %select_n3A_342 : vector<16xi1>, vector<16xi32>
      %min3A_344 = arith.minimumf %max3A_335, %gather3A_339 : vector<16xf32>
      %max3A_345 = arith.maximumf %max3A_333, %min3A_344 : vector<16xf32>
      %select_n3A_346 = arith.select %gt3A_340, %broadcast_in_dim3A_337, %select_n3A_334 : vector<16xi1>, vector<16xi32>
      %max3A_347 = arith.maximumf %max3A_335, %gather3A_339 : vector<16xf32>
      %broadcast_in_dim3A_348 = arith.constant 26 : i32
      %broadcast_in_dim3A_349 = vector.broadcast %broadcast_in_dim3A_348 : i32 to vector<16xi32>
      %add3A_350 = arith.addi %mul3A_37, %broadcast_in_dim3A_349 : vector<16xi32>
      %gather3A_351 = tpu.vector_load_idx %arg5[%add3A_350] : memref<32768xf32, #tpu.memory_space<vmem>>[vector<16xi32>], vector<16xf32>,
      %gt3A_352 = arith.cmpf ogt, %gather3A_351, %max3A_347 : vector<16xf32>
      %gt3A_353 = arith.cmpf ogt, %gather3A_351, %max3A_345 : vector<16xf32>
      %select_n3A_354 = arith.select %gt3A_353, %broadcast_in_dim3A_349, %select_n3A_343 : vector<16xi1>, vector<16xi32>
      %select_n3A_355 = arith.select %gt3A_352, %select_n3A_346, %select_n3A_354 : vector<16xi1>, vector<16xi32>
      %min3A_356 = arith.minimumf %max3A_347, %gather3A_351 : vector<16xf32>
      %max3A_357 = arith.maximumf %max3A_345, %min3A_356 : vector<16xf32>
      %select_n3A_358 = arith.select %gt3A_352, %broadcast_in_dim3A_349, %select_n3A_346 : vector<16xi1>, vector<16xi32>
      %max3A_359 = arith.maximumf %max3A_347, %gather3A_351 : vector<16xf32>
      %broadcast_in_dim3A_360 = arith.constant 27 : i32
      %broadcast_in_dim3A_361 = vector.broadcast %broadcast_in_dim3A_360 : i32 to vector<16xi32>
      %add3A_362 = arith.addi %mul3A_37, %broadcast_in_dim3A_361 : vector<16xi32>
      %gather3A_363 = tpu.vector_load_idx %arg5[%add3A_362] : memref<32768xf32, #tpu.memory_space<vmem>>[vector<16xi32>], vector<16xf32>,
      %gt3A_364 = arith.cmpf ogt, %gather3A_363, %max3A_359 : vector<16xf32>
      %gt3A_365 = arith.cmpf ogt, %gather3A_363, %max3A_357 : vector<16xf32>
      %select_n3A_366 = arith.select %gt3A_365, %broadcast_in_dim3A_361, %select_n3A_355 : vector<16xi1>, vector<16xi32>
      %select_n3A_367 = arith.select %gt3A_364, %select_n3A_358, %select_n3A_366 : vector<16xi1>, vector<16xi32>
      %min3A_368 = arith.minimumf %max3A_359, %gather3A_363 : vector<16xf32>
      %max3A_369 = arith.maximumf %max3A_357, %min3A_368 : vector<16xf32>
      %select_n3A_370 = arith.select %gt3A_364, %broadcast_in_dim3A_361, %select_n3A_358 : vector<16xi1>, vector<16xi32>
      %max3A_371 = arith.maximumf %max3A_359, %gather3A_363 : vector<16xf32>
      %broadcast_in_dim3A_372 = arith.constant 28 : i32
      %broadcast_in_dim3A_373 = vector.broadcast %broadcast_in_dim3A_372 : i32 to vector<16xi32>
      %add3A_374 = arith.addi %mul3A_37, %broadcast_in_dim3A_373 : vector<16xi32>
      %gather3A_375 = tpu.vector_load_idx %arg5[%add3A_374] : memref<32768xf32, #tpu.memory_space<vmem>>[vector<16xi32>], vector<16xf32>,
      %gt3A_376 = arith.cmpf ogt, %gather3A_375, %max3A_371 : vector<16xf32>
      %gt3A_377 = arith.cmpf ogt, %gather3A_375, %max3A_369 : vector<16xf32>
      %select_n3A_378 = arith.select %gt3A_377, %broadcast_in_dim3A_373, %select_n3A_367 : vector<16xi1>, vector<16xi32>
      %select_n3A_379 = arith.select %gt3A_376, %select_n3A_370, %select_n3A_378 : vector<16xi1>, vector<16xi32>
      %min3A_380 = arith.minimumf %max3A_371, %gather3A_375 : vector<16xf32>
      %max3A_381 = arith.maximumf %max3A_369, %min3A_380 : vector<16xf32>
      %select_n3A_382 = arith.select %gt3A_376, %broadcast_in_dim3A_373, %select_n3A_370 : vector<16xi1>, vector<16xi32>
      %max3A_383 = arith.maximumf %max3A_371, %gather3A_375 : vector<16xf32>
      %broadcast_in_dim3A_384 = arith.constant 29 : i32
      %broadcast_in_dim3A_385 = vector.broadcast %broadcast_in_dim3A_384 : i32 to vector<16xi32>
      %add3A_386 = arith.addi %mul3A_37, %broadcast_in_dim3A_385 : vector<16xi32>
      %gather3A_387 = tpu.vector_load_idx %arg5[%add3A_386] : memref<32768xf32, #tpu.memory_space<vmem>>[vector<16xi32>], vector<16xf32>,
      %gt3A_388 = arith.cmpf ogt, %gather3A_387, %max3A_383 : vector<16xf32>
      %gt3A_389 = arith.cmpf ogt, %gather3A_387, %max3A_381 : vector<16xf32>
      %select_n3A_390 = arith.select %gt3A_389, %broadcast_in_dim3A_385, %select_n3A_379 : vector<16xi1>, vector<16xi32>
      %select_n3A_391 = arith.select %gt3A_388, %select_n3A_382, %select_n3A_390 : vector<16xi1>, vector<16xi32>
      %min3A_392 = arith.minimumf %max3A_383, %gather3A_387 : vector<16xf32>
      %max3A_393 = arith.maximumf %max3A_381, %min3A_392 : vector<16xf32>
      %select_n3A_394 = arith.select %gt3A_388, %broadcast_in_dim3A_385, %select_n3A_382 : vector<16xi1>, vector<16xi32>
      %max3A_395 = arith.maximumf %max3A_383, %gather3A_387 : vector<16xf32>
      %broadcast_in_dim3A_396 = arith.constant 30 : i32
      %broadcast_in_dim3A_397 = vector.broadcast %broadcast_in_dim3A_396 : i32 to vector<16xi32>
      %add3A_398 = arith.addi %mul3A_37, %broadcast_in_dim3A_397 : vector<16xi32>
      %gather3A_399 = tpu.vector_load_idx %arg5[%add3A_398] : memref<32768xf32, #tpu.memory_space<vmem>>[vector<16xi32>], vector<16xf32>,
      %gt3A_400 = arith.cmpf ogt, %gather3A_399, %max3A_395 : vector<16xf32>
      %gt3A_401 = arith.cmpf ogt, %gather3A_399, %max3A_393 : vector<16xf32>
      %select_n3A_402 = arith.select %gt3A_401, %broadcast_in_dim3A_397, %select_n3A_391 : vector<16xi1>, vector<16xi32>
      %select_n3A_403 = arith.select %gt3A_400, %select_n3A_394, %select_n3A_402 : vector<16xi1>, vector<16xi32>
      %min3A_404 = arith.minimumf %max3A_395, %gather3A_399 : vector<16xf32>
      %max3A_405 = arith.maximumf %max3A_393, %min3A_404 : vector<16xf32>
      %select_n3A_406 = arith.select %gt3A_400, %broadcast_in_dim3A_397, %select_n3A_394 : vector<16xi1>, vector<16xi32>
      %max3A_407 = arith.maximumf %max3A_395, %gather3A_399 : vector<16xf32>
      %broadcast_in_dim3A_408 = arith.constant 31 : i32
      %broadcast_in_dim3A_409 = vector.broadcast %broadcast_in_dim3A_408 : i32 to vector<16xi32>
      %add3A_410 = arith.addi %mul3A_37, %broadcast_in_dim3A_409 : vector<16xi32>
      %gather3A_411 = tpu.vector_load_idx %arg5[%add3A_410] : memref<32768xf32, #tpu.memory_space<vmem>>[vector<16xi32>], vector<16xf32>,
      %gt3A_412 = arith.cmpf ogt, %gather3A_411, %max3A_407 : vector<16xf32>
      %gt3A_413 = arith.cmpf ogt, %gather3A_411, %max3A_405 : vector<16xf32>
      %select_n3A_414 = arith.select %gt3A_413, %broadcast_in_dim3A_409, %select_n3A_403 : vector<16xi1>, vector<16xi32>
      %select_n3A_415 = arith.select %gt3A_412, %select_n3A_406, %select_n3A_414 : vector<16xi1>, vector<16xi32>
      %min3A_416 = arith.minimumf %max3A_407, %gather3A_411 : vector<16xf32>
      %max3A_417 = arith.maximumf %max3A_405, %min3A_416 : vector<16xf32>
      %select_n3A_418 = arith.select %gt3A_412, %broadcast_in_dim3A_409, %select_n3A_406 : vector<16xi1>, vector<16xi32>
      %max3A_419 = arith.maximumf %max3A_407, %gather3A_411 : vector<16xf32>
      %broadcast_in_dim3A_420 = arith.constant 32 : i32
      %broadcast_in_dim3A_421 = vector.broadcast %broadcast_in_dim3A_420 : i32 to vector<16xi32>
      %add3A_422 = arith.addi %mul3A_37, %broadcast_in_dim3A_421 : vector<16xi32>
      %gather3A_423 = tpu.vector_load_idx %arg5[%add3A_422] : memref<32768xf32, #tpu.memory_space<vmem>>[vector<16xi32>], vector<16xf32>,
      %gt3A_424 = arith.cmpf ogt, %gather3A_423, %broadcast_in_dim3A_38 : vector<16xf32>
      %gt3A_425 = arith.cmpf ogt, %gather3A_423, %broadcast_in_dim3A_38 : vector<16xf32>
      %select_n3A_426 = arith.select %gt3A_425, %broadcast_in_dim3A_421, %broadcast_in_dim3A_40 : vector<16xi1>, vector<16xi32>
      %select_n3A_427 = arith.select %gt3A_424, %broadcast_in_dim3A_40, %select_n3A_426 : vector<16xi1>, vector<16xi32>
      %min3A_428 = arith.minimumf %broadcast_in_dim3A_38, %gather3A_423 : vector<16xf32>
      %max3A_429 = arith.maximumf %broadcast_in_dim3A_38, %min3A_428 : vector<16xf32>
      %select_n3A_430 = arith.select %gt3A_424, %broadcast_in_dim3A_421, %broadcast_in_dim3A_40 : vector<16xi1>, vector<16xi32>
      %max3A_431 = arith.maximumf %broadcast_in_dim3A_38, %gather3A_423 : vector<16xf32>
      %broadcast_in_dim3A_432 = arith.constant 33 : i32
      %broadcast_in_dim3A_433 = vector.broadcast %broadcast_in_dim3A_432 : i32 to vector<16xi32>
      %add3A_434 = arith.addi %mul3A_37, %broadcast_in_dim3A_433 : vector<16xi32>
      %gather3A_435 = tpu.vector_load_idx %arg5[%add3A_434] : memref<32768xf32, #tpu.memory_space<vmem>>[vector<16xi32>], vector<16xf32>,
      %gt3A_436 = arith.cmpf ogt, %gather3A_435, %max3A_431 : vector<16xf32>
      %gt3A_437 = arith.cmpf ogt, %gather3A_435, %max3A_429 : vector<16xf32>
      %select_n3A_438 = arith.select %gt3A_437, %broadcast_in_dim3A_433, %select_n3A_427 : vector<16xi1>, vector<16xi32>
      %select_n3A_439 = arith.select %gt3A_436, %select_n3A_430, %select_n3A_438 : vector<16xi1>, vector<16xi32>
      %min3A_440 = arith.minimumf %max3A_431, %gather3A_435 : vector<16xf32>
      %max3A_441 = arith.maximumf %max3A_429, %min3A_440 : vector<16xf32>
      %select_n3A_442 = arith.select %gt3A_436, %broadcast_in_dim3A_433, %select_n3A_430 : vector<16xi1>, vector<16xi32>
      %max3A_443 = arith.maximumf %max3A_431, %gather3A_435 : vector<16xf32>
      %broadcast_in_dim3A_444 = arith.constant 34 : i32
      %broadcast_in_dim3A_445 = vector.broadcast %broadcast_in_dim3A_444 : i32 to vector<16xi32>
      %add3A_446 = arith.addi %mul3A_37, %broadcast_in_dim3A_445 : vector<16xi32>
      %gather3A_447 = tpu.vector_load_idx %arg5[%add3A_446] : memref<32768xf32, #tpu.memory_space<vmem>>[vector<16xi32>], vector<16xf32>,
      %gt3A_448 = arith.cmpf ogt, %gather3A_447, %max3A_443 : vector<16xf32>
      %gt3A_449 = arith.cmpf ogt, %gather3A_447, %max3A_441 : vector<16xf32>
      %select_n3A_450 = arith.select %gt3A_449, %broadcast_in_dim3A_445, %select_n3A_439 : vector<16xi1>, vector<16xi32>
      %select_n3A_451 = arith.select %gt3A_448, %select_n3A_442, %select_n3A_450 : vector<16xi1>, vector<16xi32>
      %min3A_452 = arith.minimumf %max3A_443, %gather3A_447 : vector<16xf32>
      %max3A_453 = arith.maximumf %max3A_441, %min3A_452 : vector<16xf32>
      %select_n3A_454 = arith.select %gt3A_448, %broadcast_in_dim3A_445, %select_n3A_442 : vector<16xi1>, vector<16xi32>
      %max3A_455 = arith.maximumf %max3A_443, %gather3A_447 : vector<16xf32>
      %broadcast_in_dim3A_456 = arith.constant 35 : i32
      %broadcast_in_dim3A_457 = vector.broadcast %broadcast_in_dim3A_456 : i32 to vector<16xi32>
      %add3A_458 = arith.addi %mul3A_37, %broadcast_in_dim3A_457 : vector<16xi32>
      %gather3A_459 = tpu.vector_load_idx %arg5[%add3A_458] : memref<32768xf32, #tpu.memory_space<vmem>>[vector<16xi32>], vector<16xf32>,
      %gt3A_460 = arith.cmpf ogt, %gather3A_459, %max3A_455 : vector<16xf32>
      %gt3A_461 = arith.cmpf ogt, %gather3A_459, %max3A_453 : vector<16xf32>
      %select_n3A_462 = arith.select %gt3A_461, %broadcast_in_dim3A_457, %select_n3A_451 : vector<16xi1>, vector<16xi32>
      %select_n3A_463 = arith.select %gt3A_460, %select_n3A_454, %select_n3A_462 : vector<16xi1>, vector<16xi32>
      %min3A_464 = arith.minimumf %max3A_455, %gather3A_459 : vector<16xf32>
      %max3A_465 = arith.maximumf %max3A_453, %min3A_464 : vector<16xf32>
      %select_n3A_466 = arith.select %gt3A_460, %broadcast_in_dim3A_457, %select_n3A_454 : vector<16xi1>, vector<16xi32>
      %max3A_467 = arith.maximumf %max3A_455, %gather3A_459 : vector<16xf32>
      %broadcast_in_dim3A_468 = arith.constant 36 : i32
      %broadcast_in_dim3A_469 = vector.broadcast %broadcast_in_dim3A_468 : i32 to vector<16xi32>
      %add3A_470 = arith.addi %mul3A_37, %broadcast_in_dim3A_469 : vector<16xi32>
      %gather3A_471 = tpu.vector_load_idx %arg5[%add3A_470] : memref<32768xf32, #tpu.memory_space<vmem>>[vector<16xi32>], vector<16xf32>,
      %gt3A_472 = arith.cmpf ogt, %gather3A_471, %max3A_467 : vector<16xf32>
      %gt3A_473 = arith.cmpf ogt, %gather3A_471, %max3A_465 : vector<16xf32>
      %select_n3A_474 = arith.select %gt3A_473, %broadcast_in_dim3A_469, %select_n3A_463 : vector<16xi1>, vector<16xi32>
      %select_n3A_475 = arith.select %gt3A_472, %select_n3A_466, %select_n3A_474 : vector<16xi1>, vector<16xi32>
      %min3A_476 = arith.minimumf %max3A_467, %gather3A_471 : vector<16xf32>
      %max3A_477 = arith.maximumf %max3A_465, %min3A_476 : vector<16xf32>
      %select_n3A_478 = arith.select %gt3A_472, %broadcast_in_dim3A_469, %select_n3A_466 : vector<16xi1>, vector<16xi32>
      %max3A_479 = arith.maximumf %max3A_467, %gather3A_471 : vector<16xf32>
      %broadcast_in_dim3A_480 = arith.constant 37 : i32
      %broadcast_in_dim3A_481 = vector.broadcast %broadcast_in_dim3A_480 : i32 to vector<16xi32>
      %add3A_482 = arith.addi %mul3A_37, %broadcast_in_dim3A_481 : vector<16xi32>
      %gather3A_483 = tpu.vector_load_idx %arg5[%add3A_482] : memref<32768xf32, #tpu.memory_space<vmem>>[vector<16xi32>], vector<16xf32>,
      %gt3A_484 = arith.cmpf ogt, %gather3A_483, %max3A_479 : vector<16xf32>
      %gt3A_485 = arith.cmpf ogt, %gather3A_483, %max3A_477 : vector<16xf32>
      %select_n3A_486 = arith.select %gt3A_485, %broadcast_in_dim3A_481, %select_n3A_475 : vector<16xi1>, vector<16xi32>
      %select_n3A_487 = arith.select %gt3A_484, %select_n3A_478, %select_n3A_486 : vector<16xi1>, vector<16xi32>
      %min3A_488 = arith.minimumf %max3A_479, %gather3A_483 : vector<16xf32>
      %max3A_489 = arith.maximumf %max3A_477, %min3A_488 : vector<16xf32>
      %select_n3A_490 = arith.select %gt3A_484, %broadcast_in_dim3A_481, %select_n3A_478 : vector<16xi1>, vector<16xi32>
      %max3A_491 = arith.maximumf %max3A_479, %gather3A_483 : vector<16xf32>
      %broadcast_in_dim3A_492 = arith.constant 38 : i32
      %broadcast_in_dim3A_493 = vector.broadcast %broadcast_in_dim3A_492 : i32 to vector<16xi32>
      %add3A_494 = arith.addi %mul3A_37, %broadcast_in_dim3A_493 : vector<16xi32>
      %gather3A_495 = tpu.vector_load_idx %arg5[%add3A_494] : memref<32768xf32, #tpu.memory_space<vmem>>[vector<16xi32>], vector<16xf32>,
      %gt3A_496 = arith.cmpf ogt, %gather3A_495, %max3A_491 : vector<16xf32>
      %gt3A_497 = arith.cmpf ogt, %gather3A_495, %max3A_489 : vector<16xf32>
      %select_n3A_498 = arith.select %gt3A_497, %broadcast_in_dim3A_493, %select_n3A_487 : vector<16xi1>, vector<16xi32>
      %select_n3A_499 = arith.select %gt3A_496, %select_n3A_490, %select_n3A_498 : vector<16xi1>, vector<16xi32>
      %min3A_500 = arith.minimumf %max3A_491, %gather3A_495 : vector<16xf32>
      %max3A_501 = arith.maximumf %max3A_489, %min3A_500 : vector<16xf32>
      %select_n3A_502 = arith.select %gt3A_496, %broadcast_in_dim3A_493, %select_n3A_490 : vector<16xi1>, vector<16xi32>
      %max3A_503 = arith.maximumf %max3A_491, %gather3A_495 : vector<16xf32>
      %broadcast_in_dim3A_504 = arith.constant 39 : i32
      %broadcast_in_dim3A_505 = vector.broadcast %broadcast_in_dim3A_504 : i32 to vector<16xi32>
      %add3A_506 = arith.addi %mul3A_37, %broadcast_in_dim3A_505 : vector<16xi32>
      %gather3A_507 = tpu.vector_load_idx %arg5[%add3A_506] : memref<32768xf32, #tpu.memory_space<vmem>>[vector<16xi32>], vector<16xf32>,
      %gt3A_508 = arith.cmpf ogt, %gather3A_507, %max3A_503 : vector<16xf32>
      %gt3A_509 = arith.cmpf ogt, %gather3A_507, %max3A_501 : vector<16xf32>
      %select_n3A_510 = arith.select %gt3A_509, %broadcast_in_dim3A_505, %select_n3A_499 : vector<16xi1>, vector<16xi32>
      %select_n3A_511 = arith.select %gt3A_508, %select_n3A_502, %select_n3A_510 : vector<16xi1>, vector<16xi32>
      %min3A_512 = arith.minimumf %max3A_503, %gather3A_507 : vector<16xf32>
      %max3A_513 = arith.maximumf %max3A_501, %min3A_512 : vector<16xf32>
      %select_n3A_514 = arith.select %gt3A_508, %broadcast_in_dim3A_505, %select_n3A_502 : vector<16xi1>, vector<16xi32>
      %max3A_515 = arith.maximumf %max3A_503, %gather3A_507 : vector<16xf32>
      %broadcast_in_dim3A_516 = arith.constant 40 : i32
      %broadcast_in_dim3A_517 = vector.broadcast %broadcast_in_dim3A_516 : i32 to vector<16xi32>
      %add3A_518 = arith.addi %mul3A_37, %broadcast_in_dim3A_517 : vector<16xi32>
      %gather3A_519 = tpu.vector_load_idx %arg5[%add3A_518] : memref<32768xf32, #tpu.memory_space<vmem>>[vector<16xi32>], vector<16xf32>,
      %gt3A_520 = arith.cmpf ogt, %gather3A_519, %max3A_515 : vector<16xf32>
      %gt3A_521 = arith.cmpf ogt, %gather3A_519, %max3A_513 : vector<16xf32>
      %select_n3A_522 = arith.select %gt3A_521, %broadcast_in_dim3A_517, %select_n3A_511 : vector<16xi1>, vector<16xi32>
      %select_n3A_523 = arith.select %gt3A_520, %select_n3A_514, %select_n3A_522 : vector<16xi1>, vector<16xi32>
      %min3A_524 = arith.minimumf %max3A_515, %gather3A_519 : vector<16xf32>
      %max3A_525 = arith.maximumf %max3A_513, %min3A_524 : vector<16xf32>
      %select_n3A_526 = arith.select %gt3A_520, %broadcast_in_dim3A_517, %select_n3A_514 : vector<16xi1>, vector<16xi32>
      %max3A_527 = arith.maximumf %max3A_515, %gather3A_519 : vector<16xf32>
      %broadcast_in_dim3A_528 = arith.constant 41 : i32
      %broadcast_in_dim3A_529 = vector.broadcast %broadcast_in_dim3A_528 : i32 to vector<16xi32>
      %add3A_530 = arith.addi %mul3A_37, %broadcast_in_dim3A_529 : vector<16xi32>
      %gather3A_531 = tpu.vector_load_idx %arg5[%add3A_530] : memref<32768xf32, #tpu.memory_space<vmem>>[vector<16xi32>], vector<16xf32>,
      %gt3A_532 = arith.cmpf ogt, %gather3A_531, %max3A_527 : vector<16xf32>
      %gt3A_533 = arith.cmpf ogt, %gather3A_531, %max3A_525 : vector<16xf32>
      %select_n3A_534 = arith.select %gt3A_533, %broadcast_in_dim3A_529, %select_n3A_523 : vector<16xi1>, vector<16xi32>
      %select_n3A_535 = arith.select %gt3A_532, %select_n3A_526, %select_n3A_534 : vector<16xi1>, vector<16xi32>
      %min3A_536 = arith.minimumf %max3A_527, %gather3A_531 : vector<16xf32>
      %max3A_537 = arith.maximumf %max3A_525, %min3A_536 : vector<16xf32>
      %select_n3A_538 = arith.select %gt3A_532, %broadcast_in_dim3A_529, %select_n3A_526 : vector<16xi1>, vector<16xi32>
      %max3A_539 = arith.maximumf %max3A_527, %gather3A_531 : vector<16xf32>
      %broadcast_in_dim3A_540 = arith.constant 42 : i32
      %broadcast_in_dim3A_541 = vector.broadcast %broadcast_in_dim3A_540 : i32 to vector<16xi32>
      %add3A_542 = arith.addi %mul3A_37, %broadcast_in_dim3A_541 : vector<16xi32>
      %gather3A_543 = tpu.vector_load_idx %arg5[%add3A_542] : memref<32768xf32, #tpu.memory_space<vmem>>[vector<16xi32>], vector<16xf32>,
      %gt3A_544 = arith.cmpf ogt, %gather3A_543, %max3A_539 : vector<16xf32>
      %gt3A_545 = arith.cmpf ogt, %gather3A_543, %max3A_537 : vector<16xf32>
      %select_n3A_546 = arith.select %gt3A_545, %broadcast_in_dim3A_541, %select_n3A_535 : vector<16xi1>, vector<16xi32>
      %select_n3A_547 = arith.select %gt3A_544, %select_n3A_538, %select_n3A_546 : vector<16xi1>, vector<16xi32>
      %min3A_548 = arith.minimumf %max3A_539, %gather3A_543 : vector<16xf32>
      %max3A_549 = arith.maximumf %max3A_537, %min3A_548 : vector<16xf32>
      %select_n3A_550 = arith.select %gt3A_544, %broadcast_in_dim3A_541, %select_n3A_538 : vector<16xi1>, vector<16xi32>
      %max3A_551 = arith.maximumf %max3A_539, %gather3A_543 : vector<16xf32>
      %broadcast_in_dim3A_552 = arith.constant 43 : i32
      %broadcast_in_dim3A_553 = vector.broadcast %broadcast_in_dim3A_552 : i32 to vector<16xi32>
      %add3A_554 = arith.addi %mul3A_37, %broadcast_in_dim3A_553 : vector<16xi32>
      %gather3A_555 = tpu.vector_load_idx %arg5[%add3A_554] : memref<32768xf32, #tpu.memory_space<vmem>>[vector<16xi32>], vector<16xf32>,
      %gt3A_556 = arith.cmpf ogt, %gather3A_555, %max3A_551 : vector<16xf32>
      %gt3A_557 = arith.cmpf ogt, %gather3A_555, %max3A_549 : vector<16xf32>
      %select_n3A_558 = arith.select %gt3A_557, %broadcast_in_dim3A_553, %select_n3A_547 : vector<16xi1>, vector<16xi32>
      %select_n3A_559 = arith.select %gt3A_556, %select_n3A_550, %select_n3A_558 : vector<16xi1>, vector<16xi32>
      %min3A_560 = arith.minimumf %max3A_551, %gather3A_555 : vector<16xf32>
      %max3A_561 = arith.maximumf %max3A_549, %min3A_560 : vector<16xf32>
      %select_n3A_562 = arith.select %gt3A_556, %broadcast_in_dim3A_553, %select_n3A_550 : vector<16xi1>, vector<16xi32>
      %max3A_563 = arith.maximumf %max3A_551, %gather3A_555 : vector<16xf32>
      %broadcast_in_dim3A_564 = arith.constant 44 : i32
      %broadcast_in_dim3A_565 = vector.broadcast %broadcast_in_dim3A_564 : i32 to vector<16xi32>
      %add3A_566 = arith.addi %mul3A_37, %broadcast_in_dim3A_565 : vector<16xi32>
      %gather3A_567 = tpu.vector_load_idx %arg5[%add3A_566] : memref<32768xf32, #tpu.memory_space<vmem>>[vector<16xi32>], vector<16xf32>,
      %gt3A_568 = arith.cmpf ogt, %gather3A_567, %max3A_563 : vector<16xf32>
      %gt3A_569 = arith.cmpf ogt, %gather3A_567, %max3A_561 : vector<16xf32>
      %select_n3A_570 = arith.select %gt3A_569, %broadcast_in_dim3A_565, %select_n3A_559 : vector<16xi1>, vector<16xi32>
      %select_n3A_571 = arith.select %gt3A_568, %select_n3A_562, %select_n3A_570 : vector<16xi1>, vector<16xi32>
      %min3A_572 = arith.minimumf %max3A_563, %gather3A_567 : vector<16xf32>
      %max3A_573 = arith.maximumf %max3A_561, %min3A_572 : vector<16xf32>
      %select_n3A_574 = arith.select %gt3A_568, %broadcast_in_dim3A_565, %select_n3A_562 : vector<16xi1>, vector<16xi32>
      %max3A_575 = arith.maximumf %max3A_563, %gather3A_567 : vector<16xf32>
      %broadcast_in_dim3A_576 = arith.constant 45 : i32
      %broadcast_in_dim3A_577 = vector.broadcast %broadcast_in_dim3A_576 : i32 to vector<16xi32>
      %add3A_578 = arith.addi %mul3A_37, %broadcast_in_dim3A_577 : vector<16xi32>
      %gather3A_579 = tpu.vector_load_idx %arg5[%add3A_578] : memref<32768xf32, #tpu.memory_space<vmem>>[vector<16xi32>], vector<16xf32>,
      %gt3A_580 = arith.cmpf ogt, %gather3A_579, %max3A_575 : vector<16xf32>
      %gt3A_581 = arith.cmpf ogt, %gather3A_579, %max3A_573 : vector<16xf32>
      %select_n3A_582 = arith.select %gt3A_581, %broadcast_in_dim3A_577, %select_n3A_571 : vector<16xi1>, vector<16xi32>
      %select_n3A_583 = arith.select %gt3A_580, %select_n3A_574, %select_n3A_582 : vector<16xi1>, vector<16xi32>
      %min3A_584 = arith.minimumf %max3A_575, %gather3A_579 : vector<16xf32>
      %max3A_585 = arith.maximumf %max3A_573, %min3A_584 : vector<16xf32>
      %select_n3A_586 = arith.select %gt3A_580, %broadcast_in_dim3A_577, %select_n3A_574 : vector<16xi1>, vector<16xi32>
      %max3A_587 = arith.maximumf %max3A_575, %gather3A_579 : vector<16xf32>
      %broadcast_in_dim3A_588 = arith.constant 46 : i32
      %broadcast_in_dim3A_589 = vector.broadcast %broadcast_in_dim3A_588 : i32 to vector<16xi32>
      %add3A_590 = arith.addi %mul3A_37, %broadcast_in_dim3A_589 : vector<16xi32>
      %gather3A_591 = tpu.vector_load_idx %arg5[%add3A_590] : memref<32768xf32, #tpu.memory_space<vmem>>[vector<16xi32>], vector<16xf32>,
      %gt3A_592 = arith.cmpf ogt, %gather3A_591, %max3A_587 : vector<16xf32>
      %gt3A_593 = arith.cmpf ogt, %gather3A_591, %max3A_585 : vector<16xf32>
      %select_n3A_594 = arith.select %gt3A_593, %broadcast_in_dim3A_589, %select_n3A_583 : vector<16xi1>, vector<16xi32>
      %select_n3A_595 = arith.select %gt3A_592, %select_n3A_586, %select_n3A_594 : vector<16xi1>, vector<16xi32>
      %min3A_596 = arith.minimumf %max3A_587, %gather3A_591 : vector<16xf32>
      %max3A_597 = arith.maximumf %max3A_585, %min3A_596 : vector<16xf32>
      %select_n3A_598 = arith.select %gt3A_592, %broadcast_in_dim3A_589, %select_n3A_586 : vector<16xi1>, vector<16xi32>
      %max3A_599 = arith.maximumf %max3A_587, %gather3A_591 : vector<16xf32>
      %broadcast_in_dim3A_600 = arith.constant 47 : i32
      %broadcast_in_dim3A_601 = vector.broadcast %broadcast_in_dim3A_600 : i32 to vector<16xi32>
      %add3A_602 = arith.addi %mul3A_37, %broadcast_in_dim3A_601 : vector<16xi32>
      %gather3A_603 = tpu.vector_load_idx %arg5[%add3A_602] : memref<32768xf32, #tpu.memory_space<vmem>>[vector<16xi32>], vector<16xf32>,
      %gt3A_604 = arith.cmpf ogt, %gather3A_603, %max3A_599 : vector<16xf32>
      %gt3A_605 = arith.cmpf ogt, %gather3A_603, %max3A_597 : vector<16xf32>
      %select_n3A_606 = arith.select %gt3A_605, %broadcast_in_dim3A_601, %select_n3A_595 : vector<16xi1>, vector<16xi32>
      %select_n3A_607 = arith.select %gt3A_604, %select_n3A_598, %select_n3A_606 : vector<16xi1>, vector<16xi32>
      %min3A_608 = arith.minimumf %max3A_599, %gather3A_603 : vector<16xf32>
      %max3A_609 = arith.maximumf %max3A_597, %min3A_608 : vector<16xf32>
      %select_n3A_610 = arith.select %gt3A_604, %broadcast_in_dim3A_601, %select_n3A_598 : vector<16xi1>, vector<16xi32>
      %max3A_611 = arith.maximumf %max3A_599, %gather3A_603 : vector<16xf32>
      %broadcast_in_dim3A_612 = arith.constant 48 : i32
      %broadcast_in_dim3A_613 = vector.broadcast %broadcast_in_dim3A_612 : i32 to vector<16xi32>
      %add3A_614 = arith.addi %mul3A_37, %broadcast_in_dim3A_613 : vector<16xi32>
      %gather3A_615 = tpu.vector_load_idx %arg5[%add3A_614] : memref<32768xf32, #tpu.memory_space<vmem>>[vector<16xi32>], vector<16xf32>,
      %gt3A_616 = arith.cmpf ogt, %gather3A_615, %broadcast_in_dim3A_38 : vector<16xf32>
      %gt3A_617 = arith.cmpf ogt, %gather3A_615, %broadcast_in_dim3A_38 : vector<16xf32>
      %select_n3A_618 = arith.select %gt3A_617, %broadcast_in_dim3A_613, %broadcast_in_dim3A_40 : vector<16xi1>, vector<16xi32>
      %select_n3A_619 = arith.select %gt3A_616, %broadcast_in_dim3A_40, %select_n3A_618 : vector<16xi1>, vector<16xi32>
      %min3A_620 = arith.minimumf %broadcast_in_dim3A_38, %gather3A_615 : vector<16xf32>
      %max3A_621 = arith.maximumf %broadcast_in_dim3A_38, %min3A_620 : vector<16xf32>
      %select_n3A_622 = arith.select %gt3A_616, %broadcast_in_dim3A_613, %broadcast_in_dim3A_40 : vector<16xi1>, vector<16xi32>
      %max3A_623 = arith.maximumf %broadcast_in_dim3A_38, %gather3A_615 : vector<16xf32>
      %broadcast_in_dim3A_624 = arith.constant 49 : i32
      %broadcast_in_dim3A_625 = vector.broadcast %broadcast_in_dim3A_624 : i32 to vector<16xi32>
      %add3A_626 = arith.addi %mul3A_37, %broadcast_in_dim3A_625 : vector<16xi32>
      %gather3A_627 = tpu.vector_load_idx %arg5[%add3A_626] : memref<32768xf32, #tpu.memory_space<vmem>>[vector<16xi32>], vector<16xf32>,
      %gt3A_628 = arith.cmpf ogt, %gather3A_627, %max3A_623 : vector<16xf32>
      %gt3A_629 = arith.cmpf ogt, %gather3A_627, %max3A_621 : vector<16xf32>
      %select_n3A_630 = arith.select %gt3A_629, %broadcast_in_dim3A_625, %select_n3A_619 : vector<16xi1>, vector<16xi32>
      %select_n3A_631 = arith.select %gt3A_628, %select_n3A_622, %select_n3A_630 : vector<16xi1>, vector<16xi32>
      %min3A_632 = arith.minimumf %max3A_623, %gather3A_627 : vector<16xf32>
      %max3A_633 = arith.maximumf %max3A_621, %min3A_632 : vector<16xf32>
      %select_n3A_634 = arith.select %gt3A_628, %broadcast_in_dim3A_625, %select_n3A_622 : vector<16xi1>, vector<16xi32>
      %max3A_635 = arith.maximumf %max3A_623, %gather3A_627 : vector<16xf32>
      %broadcast_in_dim3A_636 = arith.constant 50 : i32
      %broadcast_in_dim3A_637 = vector.broadcast %broadcast_in_dim3A_636 : i32 to vector<16xi32>
      %add3A_638 = arith.addi %mul3A_37, %broadcast_in_dim3A_637 : vector<16xi32>
      %gather3A_639 = tpu.vector_load_idx %arg5[%add3A_638] : memref<32768xf32, #tpu.memory_space<vmem>>[vector<16xi32>], vector<16xf32>,
      %gt3A_640 = arith.cmpf ogt, %gather3A_639, %max3A_635 : vector<16xf32>
      %gt3A_641 = arith.cmpf ogt, %gather3A_639, %max3A_633 : vector<16xf32>
      %select_n3A_642 = arith.select %gt3A_641, %broadcast_in_dim3A_637, %select_n3A_631 : vector<16xi1>, vector<16xi32>
      %select_n3A_643 = arith.select %gt3A_640, %select_n3A_634, %select_n3A_642 : vector<16xi1>, vector<16xi32>
      %min3A_644 = arith.minimumf %max3A_635, %gather3A_639 : vector<16xf32>
      %max3A_645 = arith.maximumf %max3A_633, %min3A_644 : vector<16xf32>
      %select_n3A_646 = arith.select %gt3A_640, %broadcast_in_dim3A_637, %select_n3A_634 : vector<16xi1>, vector<16xi32>
      %max3A_647 = arith.maximumf %max3A_635, %gather3A_639 : vector<16xf32>
      %broadcast_in_dim3A_648 = arith.constant 51 : i32
      %broadcast_in_dim3A_649 = vector.broadcast %broadcast_in_dim3A_648 : i32 to vector<16xi32>
      %add3A_650 = arith.addi %mul3A_37, %broadcast_in_dim3A_649 : vector<16xi32>
      %gather3A_651 = tpu.vector_load_idx %arg5[%add3A_650] : memref<32768xf32, #tpu.memory_space<vmem>>[vector<16xi32>], vector<16xf32>,
      %gt3A_652 = arith.cmpf ogt, %gather3A_651, %max3A_647 : vector<16xf32>
      %gt3A_653 = arith.cmpf ogt, %gather3A_651, %max3A_645 : vector<16xf32>
      %select_n3A_654 = arith.select %gt3A_653, %broadcast_in_dim3A_649, %select_n3A_643 : vector<16xi1>, vector<16xi32>
      %select_n3A_655 = arith.select %gt3A_652, %select_n3A_646, %select_n3A_654 : vector<16xi1>, vector<16xi32>
      %min3A_656 = arith.minimumf %max3A_647, %gather3A_651 : vector<16xf32>
      %max3A_657 = arith.maximumf %max3A_645, %min3A_656 : vector<16xf32>
      %select_n3A_658 = arith.select %gt3A_652, %broadcast_in_dim3A_649, %select_n3A_646 : vector<16xi1>, vector<16xi32>
      %max3A_659 = arith.maximumf %max3A_647, %gather3A_651 : vector<16xf32>
      %broadcast_in_dim3A_660 = arith.constant 52 : i32
      %broadcast_in_dim3A_661 = vector.broadcast %broadcast_in_dim3A_660 : i32 to vector<16xi32>
      %add3A_662 = arith.addi %mul3A_37, %broadcast_in_dim3A_661 : vector<16xi32>
      %gather3A_663 = tpu.vector_load_idx %arg5[%add3A_662] : memref<32768xf32, #tpu.memory_space<vmem>>[vector<16xi32>], vector<16xf32>,
      %gt3A_664 = arith.cmpf ogt, %gather3A_663, %max3A_659 : vector<16xf32>
      %gt3A_665 = arith.cmpf ogt, %gather3A_663, %max3A_657 : vector<16xf32>
      %select_n3A_666 = arith.select %gt3A_665, %broadcast_in_dim3A_661, %select_n3A_655 : vector<16xi1>, vector<16xi32>
      %select_n3A_667 = arith.select %gt3A_664, %select_n3A_658, %select_n3A_666 : vector<16xi1>, vector<16xi32>
      %min3A_668 = arith.minimumf %max3A_659, %gather3A_663 : vector<16xf32>
      %max3A_669 = arith.maximumf %max3A_657, %min3A_668 : vector<16xf32>
      %select_n3A_670 = arith.select %gt3A_664, %broadcast_in_dim3A_661, %select_n3A_658 : vector<16xi1>, vector<16xi32>
      %max3A_671 = arith.maximumf %max3A_659, %gather3A_663 : vector<16xf32>
      %broadcast_in_dim3A_672 = arith.constant 53 : i32
      %broadcast_in_dim3A_673 = vector.broadcast %broadcast_in_dim3A_672 : i32 to vector<16xi32>
      %add3A_674 = arith.addi %mul3A_37, %broadcast_in_dim3A_673 : vector<16xi32>
      %gather3A_675 = tpu.vector_load_idx %arg5[%add3A_674] : memref<32768xf32, #tpu.memory_space<vmem>>[vector<16xi32>], vector<16xf32>,
      %gt3A_676 = arith.cmpf ogt, %gather3A_675, %max3A_671 : vector<16xf32>
      %gt3A_677 = arith.cmpf ogt, %gather3A_675, %max3A_669 : vector<16xf32>
      %select_n3A_678 = arith.select %gt3A_677, %broadcast_in_dim3A_673, %select_n3A_667 : vector<16xi1>, vector<16xi32>
      %select_n3A_679 = arith.select %gt3A_676, %select_n3A_670, %select_n3A_678 : vector<16xi1>, vector<16xi32>
      %min3A_680 = arith.minimumf %max3A_671, %gather3A_675 : vector<16xf32>
      %max3A_681 = arith.maximumf %max3A_669, %min3A_680 : vector<16xf32>
      %select_n3A_682 = arith.select %gt3A_676, %broadcast_in_dim3A_673, %select_n3A_670 : vector<16xi1>, vector<16xi32>
      %max3A_683 = arith.maximumf %max3A_671, %gather3A_675 : vector<16xf32>
      %broadcast_in_dim3A_684 = arith.constant 54 : i32
      %broadcast_in_dim3A_685 = vector.broadcast %broadcast_in_dim3A_684 : i32 to vector<16xi32>
      %add3A_686 = arith.addi %mul3A_37, %broadcast_in_dim3A_685 : vector<16xi32>
      %gather3A_687 = tpu.vector_load_idx %arg5[%add3A_686] : memref<32768xf32, #tpu.memory_space<vmem>>[vector<16xi32>], vector<16xf32>,
      %gt3A_688 = arith.cmpf ogt, %gather3A_687, %max3A_683 : vector<16xf32>
      %gt3A_689 = arith.cmpf ogt, %gather3A_687, %max3A_681 : vector<16xf32>
      %select_n3A_690 = arith.select %gt3A_689, %broadcast_in_dim3A_685, %select_n3A_679 : vector<16xi1>, vector<16xi32>
      %select_n3A_691 = arith.select %gt3A_688, %select_n3A_682, %select_n3A_690 : vector<16xi1>, vector<16xi32>
      %min3A_692 = arith.minimumf %max3A_683, %gather3A_687 : vector<16xf32>
      %max3A_693 = arith.maximumf %max3A_681, %min3A_692 : vector<16xf32>
      %select_n3A_694 = arith.select %gt3A_688, %broadcast_in_dim3A_685, %select_n3A_682 : vector<16xi1>, vector<16xi32>
      %max3A_695 = arith.maximumf %max3A_683, %gather3A_687 : vector<16xf32>
      %broadcast_in_dim3A_696 = arith.constant 55 : i32
      %broadcast_in_dim3A_697 = vector.broadcast %broadcast_in_dim3A_696 : i32 to vector<16xi32>
      %add3A_698 = arith.addi %mul3A_37, %broadcast_in_dim3A_697 : vector<16xi32>
      %gather3A_699 = tpu.vector_load_idx %arg5[%add3A_698] : memref<32768xf32, #tpu.memory_space<vmem>>[vector<16xi32>], vector<16xf32>,
      %gt3A_700 = arith.cmpf ogt, %gather3A_699, %max3A_695 : vector<16xf32>
      %gt3A_701 = arith.cmpf ogt, %gather3A_699, %max3A_693 : vector<16xf32>
      %select_n3A_702 = arith.select %gt3A_701, %broadcast_in_dim3A_697, %select_n3A_691 : vector<16xi1>, vector<16xi32>
      %select_n3A_703 = arith.select %gt3A_700, %select_n3A_694, %select_n3A_702 : vector<16xi1>, vector<16xi32>
      %min3A_704 = arith.minimumf %max3A_695, %gather3A_699 : vector<16xf32>
      %max3A_705 = arith.maximumf %max3A_693, %min3A_704 : vector<16xf32>
      %select_n3A_706 = arith.select %gt3A_700, %broadcast_in_dim3A_697, %select_n3A_694 : vector<16xi1>, vector<16xi32>
      %max3A_707 = arith.maximumf %max3A_695, %gather3A_699 : vector<16xf32>
      %broadcast_in_dim3A_708 = arith.constant 56 : i32
      %broadcast_in_dim3A_709 = vector.broadcast %broadcast_in_dim3A_708 : i32 to vector<16xi32>
      %add3A_710 = arith.addi %mul3A_37, %broadcast_in_dim3A_709 : vector<16xi32>
      %gather3A_711 = tpu.vector_load_idx %arg5[%add3A_710] : memref<32768xf32, #tpu.memory_space<vmem>>[vector<16xi32>], vector<16xf32>,
      %gt3A_712 = arith.cmpf ogt, %gather3A_711, %max3A_707 : vector<16xf32>
      %gt3A_713 = arith.cmpf ogt, %gather3A_711, %max3A_705 : vector<16xf32>
      %select_n3A_714 = arith.select %gt3A_713, %broadcast_in_dim3A_709, %select_n3A_703 : vector<16xi1>, vector<16xi32>
      %select_n3A_715 = arith.select %gt3A_712, %select_n3A_706, %select_n3A_714 : vector<16xi1>, vector<16xi32>
      %min3A_716 = arith.minimumf %max3A_707, %gather3A_711 : vector<16xf32>
      %max3A_717 = arith.maximumf %max3A_705, %min3A_716 : vector<16xf32>
      %select_n3A_718 = arith.select %gt3A_712, %broadcast_in_dim3A_709, %select_n3A_706 : vector<16xi1>, vector<16xi32>
      %max3A_719 = arith.maximumf %max3A_707, %gather3A_711 : vector<16xf32>
      %broadcast_in_dim3A_720 = arith.constant 57 : i32
      %broadcast_in_dim3A_721 = vector.broadcast %broadcast_in_dim3A_720 : i32 to vector<16xi32>
      %add3A_722 = arith.addi %mul3A_37, %broadcast_in_dim3A_721 : vector<16xi32>
      %gather3A_723 = tpu.vector_load_idx %arg5[%add3A_722] : memref<32768xf32, #tpu.memory_space<vmem>>[vector<16xi32>], vector<16xf32>,
      %gt3A_724 = arith.cmpf ogt, %gather3A_723, %max3A_719 : vector<16xf32>
      %gt3A_725 = arith.cmpf ogt, %gather3A_723, %max3A_717 : vector<16xf32>
      %select_n3A_726 = arith.select %gt3A_725, %broadcast_in_dim3A_721, %select_n3A_715 : vector<16xi1>, vector<16xi32>
      %select_n3A_727 = arith.select %gt3A_724, %select_n3A_718, %select_n3A_726 : vector<16xi1>, vector<16xi32>
      %min3A_728 = arith.minimumf %max3A_719, %gather3A_723 : vector<16xf32>
      %max3A_729 = arith.maximumf %max3A_717, %min3A_728 : vector<16xf32>
      %select_n3A_730 = arith.select %gt3A_724, %broadcast_in_dim3A_721, %select_n3A_718 : vector<16xi1>, vector<16xi32>
      %max3A_731 = arith.maximumf %max3A_719, %gather3A_723 : vector<16xf32>
      %broadcast_in_dim3A_732 = arith.constant 58 : i32
      %broadcast_in_dim3A_733 = vector.broadcast %broadcast_in_dim3A_732 : i32 to vector<16xi32>
      %add3A_734 = arith.addi %mul3A_37, %broadcast_in_dim3A_733 : vector<16xi32>
      %gather3A_735 = tpu.vector_load_idx %arg5[%add3A_734] : memref<32768xf32, #tpu.memory_space<vmem>>[vector<16xi32>], vector<16xf32>,
      %gt3A_736 = arith.cmpf ogt, %gather3A_735, %max3A_731 : vector<16xf32>
      %gt3A_737 = arith.cmpf ogt, %gather3A_735, %max3A_729 : vector<16xf32>
      %select_n3A_738 = arith.select %gt3A_737, %broadcast_in_dim3A_733, %select_n3A_727 : vector<16xi1>, vector<16xi32>
      %select_n3A_739 = arith.select %gt3A_736, %select_n3A_730, %select_n3A_738 : vector<16xi1>, vector<16xi32>
      %min3A_740 = arith.minimumf %max3A_731, %gather3A_735 : vector<16xf32>
      %max3A_741 = arith.maximumf %max3A_729, %min3A_740 : vector<16xf32>
      %select_n3A_742 = arith.select %gt3A_736, %broadcast_in_dim3A_733, %select_n3A_730 : vector<16xi1>, vector<16xi32>
      %max3A_743 = arith.maximumf %max3A_731, %gather3A_735 : vector<16xf32>
      %broadcast_in_dim3A_744 = arith.constant 59 : i32
      %broadcast_in_dim3A_745 = vector.broadcast %broadcast_in_dim3A_744 : i32 to vector<16xi32>
      %add3A_746 = arith.addi %mul3A_37, %broadcast_in_dim3A_745 : vector<16xi32>
      %gather3A_747 = tpu.vector_load_idx %arg5[%add3A_746] : memref<32768xf32, #tpu.memory_space<vmem>>[vector<16xi32>], vector<16xf32>,
      %gt3A_748 = arith.cmpf ogt, %gather3A_747, %max3A_743 : vector<16xf32>
      %gt3A_749 = arith.cmpf ogt, %gather3A_747, %max3A_741 : vector<16xf32>
      %select_n3A_750 = arith.select %gt3A_749, %broadcast_in_dim3A_745, %select_n3A_739 : vector<16xi1>, vector<16xi32>
      %select_n3A_751 = arith.select %gt3A_748, %select_n3A_742, %select_n3A_750 : vector<16xi1>, vector<16xi32>
      %min3A_752 = arith.minimumf %max3A_743, %gather3A_747 : vector<16xf32>
      %max3A_753 = arith.maximumf %max3A_741, %min3A_752 : vector<16xf32>
      %select_n3A_754 = arith.select %gt3A_748, %broadcast_in_dim3A_745, %select_n3A_742 : vector<16xi1>, vector<16xi32>
      %max3A_755 = arith.maximumf %max3A_743, %gather3A_747 : vector<16xf32>
      %broadcast_in_dim3A_756 = arith.constant 60 : i32
      %broadcast_in_dim3A_757 = vector.broadcast %broadcast_in_dim3A_756 : i32 to vector<16xi32>
      %add3A_758 = arith.addi %mul3A_37, %broadcast_in_dim3A_757 : vector<16xi32>
      %gather3A_759 = tpu.vector_load_idx %arg5[%add3A_758] : memref<32768xf32, #tpu.memory_space<vmem>>[vector<16xi32>], vector<16xf32>,
      %gt3A_760 = arith.cmpf ogt, %gather3A_759, %max3A_755 : vector<16xf32>
      %gt3A_761 = arith.cmpf ogt, %gather3A_759, %max3A_753 : vector<16xf32>
      %select_n3A_762 = arith.select %gt3A_761, %broadcast_in_dim3A_757, %select_n3A_751 : vector<16xi1>, vector<16xi32>
      %select_n3A_763 = arith.select %gt3A_760, %select_n3A_754, %select_n3A_762 : vector<16xi1>, vector<16xi32>
      %min3A_764 = arith.minimumf %max3A_755, %gather3A_759 : vector<16xf32>
      %max3A_765 = arith.maximumf %max3A_753, %min3A_764 : vector<16xf32>
      %select_n3A_766 = arith.select %gt3A_760, %broadcast_in_dim3A_757, %select_n3A_754 : vector<16xi1>, vector<16xi32>
      %max3A_767 = arith.maximumf %max3A_755, %gather3A_759 : vector<16xf32>
      %broadcast_in_dim3A_768 = arith.constant 61 : i32
      %broadcast_in_dim3A_769 = vector.broadcast %broadcast_in_dim3A_768 : i32 to vector<16xi32>
      %add3A_770 = arith.addi %mul3A_37, %broadcast_in_dim3A_769 : vector<16xi32>
      %gather3A_771 = tpu.vector_load_idx %arg5[%add3A_770] : memref<32768xf32, #tpu.memory_space<vmem>>[vector<16xi32>], vector<16xf32>,
      %gt3A_772 = arith.cmpf ogt, %gather3A_771, %max3A_767 : vector<16xf32>
      %gt3A_773 = arith.cmpf ogt, %gather3A_771, %max3A_765 : vector<16xf32>
      %select_n3A_774 = arith.select %gt3A_773, %broadcast_in_dim3A_769, %select_n3A_763 : vector<16xi1>, vector<16xi32>
      %select_n3A_775 = arith.select %gt3A_772, %select_n3A_766, %select_n3A_774 : vector<16xi1>, vector<16xi32>
      %min3A_776 = arith.minimumf %max3A_767, %gather3A_771 : vector<16xf32>
      %max3A_777 = arith.maximumf %max3A_765, %min3A_776 : vector<16xf32>
      %select_n3A_778 = arith.select %gt3A_772, %broadcast_in_dim3A_769, %select_n3A_766 : vector<16xi1>, vector<16xi32>
      %max3A_779 = arith.maximumf %max3A_767, %gather3A_771 : vector<16xf32>
      %broadcast_in_dim3A_780 = arith.constant 62 : i32
      %broadcast_in_dim3A_781 = vector.broadcast %broadcast_in_dim3A_780 : i32 to vector<16xi32>
      %add3A_782 = arith.addi %mul3A_37, %broadcast_in_dim3A_781 : vector<16xi32>
      %gather3A_783 = tpu.vector_load_idx %arg5[%add3A_782] : memref<32768xf32, #tpu.memory_space<vmem>>[vector<16xi32>], vector<16xf32>,
      %gt3A_784 = arith.cmpf ogt, %gather3A_783, %max3A_779 : vector<16xf32>
      %gt3A_785 = arith.cmpf ogt, %gather3A_783, %max3A_777 : vector<16xf32>
      %select_n3A_786 = arith.select %gt3A_785, %broadcast_in_dim3A_781, %select_n3A_775 : vector<16xi1>, vector<16xi32>
      %select_n3A_787 = arith.select %gt3A_784, %select_n3A_778, %select_n3A_786 : vector<16xi1>, vector<16xi32>
      %min3A_788 = arith.minimumf %max3A_779, %gather3A_783 : vector<16xf32>
      %max3A_789 = arith.maximumf %max3A_777, %min3A_788 : vector<16xf32>
      %select_n3A_790 = arith.select %gt3A_784, %broadcast_in_dim3A_781, %select_n3A_778 : vector<16xi1>, vector<16xi32>
      %max3A_791 = arith.maximumf %max3A_779, %gather3A_783 : vector<16xf32>
      %broadcast_in_dim3A_792 = arith.constant 63 : i32
      %broadcast_in_dim3A_793 = vector.broadcast %broadcast_in_dim3A_792 : i32 to vector<16xi32>
      %add3A_794 = arith.addi %mul3A_37, %broadcast_in_dim3A_793 : vector<16xi32>
      %gather3A_795 = tpu.vector_load_idx %arg5[%add3A_794] : memref<32768xf32, #tpu.memory_space<vmem>>[vector<16xi32>], vector<16xf32>,
      %gt3A_796 = arith.cmpf ogt, %gather3A_795, %max3A_791 : vector<16xf32>
      %gt3A_797 = arith.cmpf ogt, %gather3A_795, %max3A_789 : vector<16xf32>
      %select_n3A_798 = arith.select %gt3A_797, %broadcast_in_dim3A_793, %select_n3A_787 : vector<16xi1>, vector<16xi32>
      %select_n3A_799 = arith.select %gt3A_796, %select_n3A_790, %select_n3A_798 : vector<16xi1>, vector<16xi32>
      %min3A_800 = arith.minimumf %max3A_791, %gather3A_795 : vector<16xf32>
      %max3A_801 = arith.maximumf %max3A_789, %min3A_800 : vector<16xf32>
      %select_n3A_802 = arith.select %gt3A_796, %broadcast_in_dim3A_793, %select_n3A_790 : vector<16xi1>, vector<16xi32>
      %max3A_803 = arith.maximumf %max3A_791, %gather3A_795 : vector<16xf32>
      %gt3A_804 = arith.cmpf ogt, %max3A_419, %max3A_227 : vector<16xf32>
      %select_n3A_805 = arith.select %gt3A_804, %max3A_419, %max3A_227 : vector<16xi1>, vector<16xf32>
      %select_n3A_806 = arith.select %gt3A_804, %select_n3A_418, %select_n3A_226 : vector<16xi1>, vector<16xi32>
      %select_n3A_807 = arith.select %gt3A_804, %max3A_227, %max3A_419 : vector<16xi1>, vector<16xf32>
      %select_n3A_808 = arith.select %gt3A_804, %select_n3A_226, %select_n3A_418 : vector<16xi1>, vector<16xi32>
      %gt3A_809 = arith.cmpf ogt, %max3A_417, %max3A_225 : vector<16xf32>
      %select_n3A_810 = arith.select %gt3A_809, %max3A_417, %max3A_225 : vector<16xi1>, vector<16xf32>
      %select_n3A_811 = arith.select %gt3A_809, %select_n3A_415, %select_n3A_223 : vector<16xi1>, vector<16xi32>
      %gt3A_812 = arith.cmpf ogt, %select_n3A_810, %select_n3A_807 : vector<16xf32>
      %eq3A = arith.cmpf oeq, %select_n3A_810, %select_n3A_807 : vector<16xf32>
      %lt3A = arith.cmpi slt, %select_n3A_811, %select_n3A_808 : vector<16xi32>
      %and3A = arith.andi %eq3A, %lt3A : vector<16xi1>
      %or3A = arith.ori %gt3A_812, %and3A : vector<16xi1>
      %select_n3A_813 = arith.select %or3A, %select_n3A_810, %select_n3A_807 : vector<16xi1>, vector<16xf32>
      %select_n3A_814 = arith.select %or3A, %select_n3A_811, %select_n3A_808 : vector<16xi1>, vector<16xi32>
      %gt3A_815 = arith.cmpf ogt, %max3A_803, %max3A_611 : vector<16xf32>
      %select_n3A_816 = arith.select %gt3A_815, %max3A_803, %max3A_611 : vector<16xi1>, vector<16xf32>
      %select_n3A_817 = arith.select %gt3A_815, %select_n3A_802, %select_n3A_610 : vector<16xi1>, vector<16xi32>
      %select_n3A_818 = arith.select %gt3A_815, %max3A_611, %max3A_803 : vector<16xi1>, vector<16xf32>
      %select_n3A_819 = arith.select %gt3A_815, %select_n3A_610, %select_n3A_802 : vector<16xi1>, vector<16xi32>
      %gt3A_820 = arith.cmpf ogt, %max3A_801, %max3A_609 : vector<16xf32>
      %select_n3A_821 = arith.select %gt3A_820, %max3A_801, %max3A_609 : vector<16xi1>, vector<16xf32>
      %select_n3A_822 = arith.select %gt3A_820, %select_n3A_799, %select_n3A_607 : vector<16xi1>, vector<16xi32>
      %gt3A_823 = arith.cmpf ogt, %select_n3A_821, %select_n3A_818 : vector<16xf32>
      %eq3A_824 = arith.cmpf oeq, %select_n3A_821, %select_n3A_818 : vector<16xf32>
      %lt3A_825 = arith.cmpi slt, %select_n3A_822, %select_n3A_819 : vector<16xi32>
      %and3A_826 = arith.andi %eq3A_824, %lt3A_825 : vector<16xi1>
      %or3A_827 = arith.ori %gt3A_823, %and3A_826 : vector<16xi1>
      %select_n3A_828 = arith.select %or3A_827, %select_n3A_821, %select_n3A_818 : vector<16xi1>, vector<16xf32>
      %select_n3A_829 = arith.select %or3A_827, %select_n3A_822, %select_n3A_819 : vector<16xi1>, vector<16xi32>
      %gt3A_830 = arith.cmpf ogt, %select_n3A_816, %select_n3A_805 : vector<16xf32>
      %select_n3A_831 = arith.select %gt3A_830, %select_n3A_816, %select_n3A_805 : vector<16xi1>, vector<16xf32>
      %select_n3A_832 = arith.select %gt3A_830, %select_n3A_817, %select_n3A_806 : vector<16xi1>, vector<16xi32>
      %select_n3A_833 = arith.select %gt3A_830, %select_n3A_805, %select_n3A_816 : vector<16xi1>, vector<16xf32>
      %select_n3A_834 = arith.select %gt3A_830, %select_n3A_806, %select_n3A_817 : vector<16xi1>, vector<16xi32>
      %gt3A_835 = arith.cmpf ogt, %select_n3A_828, %select_n3A_813 : vector<16xf32>
      %select_n3A_836 = arith.select %gt3A_835, %select_n3A_828, %select_n3A_813 : vector<16xi1>, vector<16xf32>
      %select_n3A_837 = arith.select %gt3A_835, %select_n3A_829, %select_n3A_814 : vector<16xi1>, vector<16xi32>
      %gt3A_838 = arith.cmpf ogt, %select_n3A_836, %select_n3A_833 : vector<16xf32>
      %eq3A_839 = arith.cmpf oeq, %select_n3A_836, %select_n3A_833 : vector<16xf32>
      %lt3A_840 = arith.cmpi slt, %select_n3A_837, %select_n3A_834 : vector<16xi32>
      %and3A_841 = arith.andi %eq3A_839, %lt3A_840 : vector<16xi1>
      %or3A_842 = arith.ori %gt3A_838, %and3A_841 : vector<16xi1>
      %select_n3A_843 = arith.select %or3A_842, %select_n3A_836, %select_n3A_833 : vector<16xi1>, vector<16xf32>
      %select_n3A_844 = arith.select %or3A_842, %select_n3A_837, %select_n3A_834 : vector<16xi1>, vector<16xi32>
      %sub3A = arith.subf %select_n3A_843, %select_n3A_831 : vector<16xf32>
      %exp3A = math.exp %sub3A : vector<16xf32>
      %add3A_845 = arith.constant 1.000000e+00 : f32
      %add3A_846 = vector.broadcast %add3A_845 : f32 to vector<16xf32>
      %add3A_847 = arith.addf %add3A_846, %exp3A : vector<16xf32>
      %div3A = arith.constant 1.000000e+00 : f32
      %div3A_848 = vector.broadcast %div3A : f32 to vector<16xf32>
      %div3A_849 = arith.divf %div3A_848, %add3A_847 : vector<16xf32>
      %mul3A_850 = arith.constant 2 : i32
      %mul3A_851 = vector.broadcast %mul3A_850 : i32 to vector<16xi32>
      %mul3A_852 = arith.muli %mul3A_851, %add3A_34 : vector<16xi32>
      %add3A_853 = arith.constant 1 : i32
      %add3A_854 = vector.broadcast %add3A_853 : i32 to vector<16xi32>
      %add3A_855 = arith.addi %mul3A_852, %add3A_854 : vector<16xi32>
      tpu.vector_store_idx %arg6[%mul3A_852], %div3A_849 : memref<1024xf32, #tpu.memory_space<vmem>>[vector<16xi32>], vector<16xf32>,
      %sub3A_856 = arith.constant 1.000000e+00 : f32
      %sub3A_857 = vector.broadcast %sub3A_856 : f32 to vector<16xf32>
      %sub3A_858 = arith.subf %sub3A_857, %div3A_849 : vector<16xf32>
      tpu.vector_store_idx %arg6[%add3A_855], %sub3A_858 : memref<1024xf32, #tpu.memory_space<vmem>>[vector<16xi32>], vector<16xf32>,
      tpu.vector_store_idx %arg7[%mul3A_852], %select_n3A_832 : memref<1024xi32, #tpu.memory_space<vmem>>[vector<16xi32>], vector<16xi32>,
      tpu.vector_store_idx %arg7[%add3A_855], %select_n3A_844 : memref<1024xi32, #tpu.memory_space<vmem>>[vector<16xi32>], vector<16xi32>,
    }
    %scan3A_25 = arith.constant 32 : i32
    %mul3A_26 = arith.constant 2 : i32
    %mul3A_27 = arith.muli %mul3A_26, %add3A_17 : i32
    "tpu.region"() ({
      %run_scoped3A = tpu.sem_alloc : memref<!tpu.dma_semaphore, #tpu.memory_space<semaphore_mem>>
      %dma_start3A = tpu.memref_slice %arg3[%mul3A_27] : memref<65536xf32, #tpu.memory_space<hbm>> -> memref<1024xf32, #tpu.memory_space<hbm>>
      %dma_start3A_30 = tpu.memref_slice %arg3[%mul3A_27] : memref<65536xf32, #tpu.memory_space<hbm>> -> memref<1024xf32, #tpu.memory_space<hbm>>
      tpu.enqueue_dma source(%arg6 : memref<1024xf32, #tpu.memory_space<vmem>>) target(%dma_start3A_30 : memref<1024xf32, #tpu.memory_space<hbm>>) target_semaphore(%run_scoped3A : memref<!tpu.dma_semaphore, #tpu.memory_space<semaphore_mem>>)
      %dma_wait3A = tpu.memref_slice %arg3[%mul3A_27] : memref<65536xf32, #tpu.memory_space<hbm>> -> memref<1024xf32, #tpu.memory_space<hbm>>
      %dma_wait3A_31 = tpu.memref_slice %arg3[%mul3A_27] : memref<65536xf32, #tpu.memory_space<hbm>> -> memref<1024xf32, #tpu.memory_space<hbm>>
      tpu.wait_dma2 semaphore(%run_scoped3A : memref<!tpu.dma_semaphore, #tpu.memory_space<semaphore_mem>>) src(%arg6 : memref<1024xf32, #tpu.memory_space<vmem>>) dst(%dma_wait3A_31 : memref<1024xf32, #tpu.memory_space<hbm>>)
      tpu.yield
    }) : () -> ()
    %mul3A_28 = arith.constant 2 : i32
    %mul3A_29 = arith.muli %mul3A_28, %add3A_17 : i32
    "tpu.region"() ({
      %run_scoped3A = tpu.sem_alloc : memref<!tpu.dma_semaphore, #tpu.memory_space<semaphore_mem>>
      %dma_start3A = tpu.memref_slice %arg4[%mul3A_29] : memref<65536xi32, #tpu.memory_space<hbm>> -> memref<1024xi32, #tpu.memory_space<hbm>>
      %dma_start3A_30 = tpu.memref_slice %arg4[%mul3A_29] : memref<65536xi32, #tpu.memory_space<hbm>> -> memref<1024xi32, #tpu.memory_space<hbm>>
      tpu.enqueue_dma source(%arg7 : memref<1024xi32, #tpu.memory_space<vmem>>) target(%dma_start3A_30 : memref<1024xi32, #tpu.memory_space<hbm>>) target_semaphore(%run_scoped3A : memref<!tpu.dma_semaphore, #tpu.memory_space<semaphore_mem>>)
      %dma_wait3A = tpu.memref_slice %arg4[%mul3A_29] : memref<65536xi32, #tpu.memory_space<hbm>> -> memref<1024xi32, #tpu.memory_space<hbm>>
      %dma_wait3A_31 = tpu.memref_slice %arg4[%mul3A_29] : memref<65536xi32, #tpu.memory_space<hbm>> -> memref<1024xi32, #tpu.memory_space<hbm>>
      tpu.wait_dma2 semaphore(%run_scoped3A : memref<!tpu.dma_semaphore, #tpu.memory_space<semaphore_mem>>) src(%arg7 : memref<1024xi32, #tpu.memory_space<vmem>>) dst(%dma_wait3A_31 : memref<1024xi32, #tpu.memory_space<hbm>>)
      tpu.yield
    }) : () -> ()
    return
  }
}

module attributes {stable_mosaic.version = 14 : i64} {
  func.func @_logits_body(%arg0: i32, %arg1: memref<4096x768xf32, #tpu.memory_space<vmem>>, %arg2: memref<64x768xf32, #tpu.memory_space<vmem>>, %arg3: memref<1x64xf32, #tpu.memory_space<vmem>>, %arg4: memref<4096x64xf32, #tpu.memory_space<vmem>>) attributes {dimension_semantics = [#tpu.dimension_semantics<arbitrary>], iteration_bounds = array<i64: 8>, scalar_prefetch = 0 : i64, scratch_operands = 0 : i64, tpu.core_type = #tpu.core_type<tc>, window_params = [{transform_indices = @transform_0, window_bounds = array<i64: 4096, 768>}, {pipeline_mode = #tpu.pipeline_mode<synchronous>, transform_indices = @transform_1, window_bounds = array<i64: 64, 768>}, {pipeline_mode = #tpu.pipeline_mode<synchronous>, transform_indices = @transform_2, window_bounds = array<i64: 1, 64>}, {transform_indices = @transform_3, window_bounds = array<i64: 4096, 64>}]} {
    %get3A = arith.constant 0 : index
    %get3A_0 = arith.constant 0 : index
    %get3A_1 = vector.load %arg1[%get3A, %get3A_0] : memref<4096x768xf32, #tpu.memory_space<vmem>>, vector<4096x768xf32>
    %get3A_2 = arith.constant 0 : index
    %get3A_3 = arith.constant 0 : index
    %get3A_4 = vector.load %arg2[%get3A_2, %get3A_3] : memref<64x768xf32, #tpu.memory_space<vmem>>, vector<64x768xf32>
    %dot_general3A = arith.constant dense<0.000000e+00> : vector<4096x64xf32>
    %dot_general3A_5 = tpu.matmul %get3A_1, %get3A_4, %dot_general3A {dimension_numbers = #tpu.dot_dimension_numbers<[1], [1], [0], [0], [0, 0, 1, 0], [], []>, transpose_lhs_hint = false} : vector<4096x768xf32>, vector<64x768xf32>, vector<4096x64xf32> -> vector<4096x64xf32>
    %get3A_6 = arith.constant 0 : index
    %get3A_7 = arith.constant 0 : index
    %get3A_8 = vector.load %arg3[%get3A_6, %get3A_7] : memref<1x64xf32, #tpu.memory_space<vmem>>, vector<1x64xf32>
    %add3A = vector.broadcast %get3A_8 : vector<1x64xf32> to vector<4096x64xf32>
    %add3A_9 = arith.addf %dot_general3A_5, %add3A : vector<4096x64xf32>
    %mul3A = arith.constant 1.000000e+01 : f32
    %mul3A_10 = vector.broadcast %mul3A : f32 to vector<4096x64xf32>
    %mul3A_11 = arith.mulf %add3A_9, %mul3A_10 : vector<4096x64xf32>
    %swap3A = arith.constant 0 : index
    %swap3A_12 = arith.constant 0 : index
    %swap3A_13 = vector.load %arg4[%swap3A, %swap3A_12] : memref<4096x64xf32, #tpu.memory_space<vmem>>, vector<4096x64xf32>
    tpu.vector_store %arg4[%swap3A, %swap3A_12], %mul3A_11 {strides = array<i32>} : memref<4096x64xf32, #tpu.memory_space<vmem>>, vector<4096x64xf32>,
    return
  }
  func.func @transform_0(%arg0: i32) -> (i32, i32) {
    %c0_i32 = arith.constant 0 : i32
    %c0_i32_0 = arith.constant 0 : i32
    return %arg0, %c0_i32 : i32, i32
  }
  func.func @transform_1(%arg0: i32) -> (i32, i32) {
    %c0_i32 = arith.constant 0 : i32
    %c0_i32_0 = arith.constant 0 : i32
    %c0_i32_1 = arith.constant 0 : i32
    return %c0_i32, %c0_i32_0 : i32, i32
  }
  func.func @transform_2(%arg0: i32) -> (i32, i32) {
    %c0_i32 = arith.constant 0 : i32
    %c0_i32_0 = arith.constant 0 : i32
    %c0_i32_1 = arith.constant 0 : i32
    return %c0_i32, %c0_i32_0 : i32, i32
  }
  func.func @transform_3(%arg0: i32) -> (i32, i32) {
    %c0_i32 = arith.constant 0 : i32
    %c0_i32_0 = arith.constant 0 : i32
    return %arg0, %c0_i32 : i32, i32
  }
}

</mosaic_0001>

<sc_bundles>
// kernel: kernel.4.cloned.1.call-start
scs
__scs_entry_jumppad:
0x0: {  	(pc) =	sbr.rel $0x88, $3  }
0x1: {  	(tag) =	ssettag $0x0;
	lr =	simm.s32 $0x1  }
0x2: {  	[smem:$0x3F9E] =	sst lr;
	_ =	strace $0xD0000000  }
0x3: {  	_ = 	snop  }
0x4: {  	_ = 	snop  }
0x5: {  	_ = 	snop  }
0x6: {  	_ = 	snop  }
0x7: {  	_ = 	snop  }
__scs_overlays_trampoline_lowered:
0x8: {  	[smem:$0x3FAD] =	sst s0  }
0x9: {  	[smem:$0x3FAE] =	sst s1  }
0xa: {  	[smem:$0x3FAF] =	sst s2  }
0xb: {  	[smem:$0x3FB0] =	sst s3  }
0xc: {  	[smem:$0x3FB1] =	sst s4  }
0xd: {  	[smem:$0x3FB2] =	sst s5  }
0xe: {  	[smem:$0x3FB3] =	sst s6  }
0xf: {  	[smem:$0x3FB4] =	sst s7  }
0x10: {  	[smem:$0x3FB5] =	sst s8  }
0x11: {  	[smem:$0x3FB6] =	sst s9;
	s0 =	simm.s32 @!p0 $0x0  }
0x12: {  	s1 =	sld [smem:$0x3F9C];
	s0 =	simm.s32 @p0 $0x1  }
0x13: {  	[smem:$0x3FB7] =	sst s0;
	s0 =	simm.s32 @!p1 $0x0  }
0x14: {  	s2 =	sld [smem:$0x3F9B];
	s0 =	simm.s32 @p1 $0x1  }
0x15: {  	[smem:$0x3FB8] =	sst s0;
	s0 =	simm.s32 @!p2 $0x0  }
0x16: {  	s3 =	sld [smem:$0x3FDB];
	s0 =	simm.s32 @p2 $0x1  }
0x17: {  	s4 =	simm.s32 $0x1BF5;
	[smem:$0x3FBA] =	sst s0  }
0x18: {  	s0 =	sld [smem:$0x3F9D];
	_ =	swait.ge [sflag:s4], $0x0  }
0x19: {  	s7 =	sld [smem:$0x3F9E]  }
0x1a: {  	s8 =	sadd.s32 $0xFFFFE003, lr  }
0x1b: {  	s9 =	sadd.s32 $0xFFFFFEF7, lr;
	s5 =	simm.s32 $0xFFFFFFFF;
	p2 =	slt.u32 s8, $0xFFFFF086  }
0x1c: {  	p1 =	slt.u32 s9, $0xF7A;
	s5 =	simm.s32 @!p2 $0x0  }
0x1d: {  	s5 =	simm.s32 @p1 $0x1;
	p0 =	seq.s32 s7, s2  }
0x1e: {  	s7 =	smul.u32 @!p0 $0xF7A, s2;
	p2 =	seq.s32 @!p0 s5, $0x0  }
0x1f: {  	s9 =	smul.u32 $0xF7A, s1;
	s8 =	simm.s32 @!p0 $0x1BF5;
	p2 =	por !p2, p0  }
0x20: {  	[sflag:s8] =	ssyncset.s32 @!p0 $0xFFFFF086;
	s6 =	sadd.s32 @!p0 s3, s7;
	s7 =	simm.s32 @!p0 $0x108  }
0x21: {  	s3 =	sadd.s32 s3, s9;
	s6 =	sadd.s32 @!p0 $0x88, s6;
	s7 =	simm.s32 @p2 $0x1082  }
0x22: {  	[simem:s7], [sflag:s8] =	dma.local @!p0 [hbm:s6], $0xF7A  }
0x23: {  	s9 =	sor.u32 $0xD0000000, s2;
	s6 =	simm.s32 $0x108;
	_ =	swait.ge @!p0 [sflag:s8], $0x0  }
0x24: {  	s3 =	sadd.s32 $0x88, s3;
	s6 =	simm.s32 @!p1 $0x1082;
	[sflag:s4] =	ssyncset.s32 $0xFFFFF086  }
0x25: {  	[simem:s6], [sflag:s4] =	dma.local [hbm:s3], $0xF7A  }
0x26: {  	[smem:$0x3F9E] =	sst s1;
	(tag) =	ssettag s2;
	_ =	strace s9  }
0x27: {  	s1 =	sld [smem:$0x3FAE]  }
0x28: {  	s2 =	sld [smem:$0x3FAF]  }
0x29: {  	s4 =	sld [smem:$0x3FB1]  }
0x2a: {  	p0 =	seq.s32 s5, $0x0;
	s5 =	sld [smem:$0x3FB2]  }
0x2b: {  	s6 =	sld [smem:$0x3FB3]  }
0x2c: {  	s7 =	sld [smem:$0x3FB4]  }
0x2d: {  	s3 =	simm.s32 $0x108;
	s8 =	sld [smem:$0x3FB5]  }
0x2e: {  	s3 =	simm.s32 @!p0 $0x1082;
	s9 =	sld [smem:$0x3FB6]  }
0x2f: {  	lr =	sadd.s32 s0, s3;
	s0 =	sld [smem:$0x3FAD]  }
0x30: {  	s3 =	sld [smem:$0x3FB0]  }
0x31: {  	[smem:$0x3FB9] =	sst s10  }
0x32: {  	s10 =	sld [smem:$0x3FB7];
	_ =	sdelay $0x3  }
0x33: {  	p0 =	seq.s32 s10, $0x1;
	s10 =	sld [smem:$0x3FB9];
	_ =	sdelay $0x3  }
0x34: {  	[smem:$0x3FB9] =	sst s10  }
0x35: {  	s10 =	sld [smem:$0x3FB8];
	_ =	sdelay $0x3  }
0x36: {  	p1 =	seq.s32 s10, $0x1;
	s10 =	sld [smem:$0x3FB9];
	_ =	sdelay $0x3  }
0x37: {  	[smem:$0x3FB9] =	sst s10  }
0x38: {  	s10 =	sld [smem:$0x3FBA]  }
0x39: {  	_ = 	snop;
	(pc) =	sbr.ind lr, $3  }
0x3a: {  	_ = 	snop  }
0x3b: {  	_ = 	snop  }
0x3c: {  	p2 =	seq.s32 s10, $0x1;
	s10 =	sld [smem:$0x3FB9]  }
0x3d: {  	_ =	shalt  }
0x3e: {  	_ =	shalt  }
0x3f: {  	_ =	shalt  }
0x40: {  	_ =	shalt  }
0x41: {  	_ =	shalt  }
0x42: {  	_ =	shalt  }
0x43: {  	_ =	shalt  }
0x44: {  	_ =	shalt  }
0x45: {  	_ =	shalt  }
0x46: {  	_ =	shalt  }
0x47: {  	_ =	shalt  }
0x48: {  	_ =	shalt  }
0x49: {  	_ =	shalt  }
0x4a: {  	_ =	shalt  }
0x4b: {  	_ =	shalt  }
0x4c: {  	_ =	shalt  }
0x4d: {  	_ =	shalt  }
0x4e: {  	_ =	shalt  }
0x4f: {  	_ =	shalt  }
0x50: {  	_ =	shalt  }
0x51: {  	_ =	shalt  }
0x52: {  	_ =	shalt  }
0x53: {  	_ =	shalt  }
0x54: {  	_ =	shalt  }
0x55: {  	_ =	shalt  }
0x56: {  	_ =	shalt  }
0x57: {  	_ =	shalt  }
0x58: {  	_ =	shalt  }
0x59: {  	_ =	shalt  }
0x5a: {  	_ =	shalt  }
0x5b: {  	_ =	shalt  }
0x5c: {  	_ =	shalt  }
0x5d: {  	_ =	shalt  }
0x5e: {  	_ =	shalt  }
0x5f: {  	_ =	shalt  }
0x60: {  	_ =	shalt  }
0x61: {  	_ =	shalt  }
0x62: {  	_ =	shalt  }
0x63: {  	_ =	shalt  }
0x64: {  	_ =	shalt  }
0x65: {  	_ =	shalt  }
0x66: {  	_ =	shalt  }
0x67: {  	_ =	shalt  }
0x68: {  	_ =	shalt  }
0x69: {  	_ =	shalt  }
0x6a: {  	_ =	shalt  }
0x6b: {  	_ =	shalt  }
0x6c: {  	_ =	shalt  }
0x6d: {  	_ =	shalt  }
0x6e: {  	_ =	shalt  }
0x6f: {  	_ =	shalt  }
0x70: {  	_ =	shalt  }
0x71: {  	_ =	shalt  }
0x72: {  	_ =	shalt  }
0x73: {  	_ =	shalt  }
0x74: {  	_ =	shalt  }
0x75: {  	_ =	shalt  }
0x76: {  	_ =	shalt  }
0x77: {  	_ =	shalt  }
0x78: {  	_ =	shalt  }
0x79: {  	_ =	shalt  }
0x7a: {  	_ =	shalt  }
0x7b: {  	_ =	shalt  }
0x7c: {  	_ =	shalt  }
0x7d: {  	_ =	shalt  }
0x7e: {  	_ =	shalt  }
0x7f: {  	_ =	shalt  }
0x80: {  	_ =	shalt  }
0x81: {  	_ =	shalt  }
0x82: {  	_ =	shalt  }
0x83: {  	_ =	shalt  }
0x84: {  	_ =	shalt  }
0x85: {  	_ =	shalt  }
0x86: {  	_ =	shalt  }
0x87: {  	_ =	shalt  }
.Lfunc_end0:
.L_simem_size_0:
called_computation_lowered:
.L_overlay_start_0:
0x88: {  	s2 =	sld [smem:$0x3FD9]  }
0x89: {  	s3 =	sld [smem:$0x3FFE];
	_ =	sdelay $0x1  }
0x8a: {  	s1 =	srdreg.scid  }
0x8b: {  	s0 =	sand.u32 $0x1, s1  }
0x8c: {  	s14 =	sshll.u32 s0, $0xA;
	s2 =	sadd.s32 s3, s2  }
0x8d: {  	s2 =	sadd.s32 s2, s14  }
0x8e: {  	[smem:$0x3FC5] =	sst s2  }
0x8f: {  	_ = 	snop  }
0x90: {  	s2 =	sld [smem:$0x3FD0];
	_ =	sdelay $0x2  }
0x91: {  	s15 =	simm.s32 $0xA;
	s4 =	simm.s32 $0x10  }
0x92: {  	[smem:s4], [sflag:s15] =	dma.local [hbm:s2], $0x1  }
0x93: {  	_ =	swait.eq [sflag:s15], $0x1  }
0x94: {  	[sflag:s15] =	ssyncset.done $0x0  }
0x95: {  	[sflag:s15] =	ssyncadd.s32 $0xFFFFFFFF  }
0x96: {  	s16 =	sld [smem:$0x12];
	(tm) =	ssettm $0x1  }
0x97: {  	s17 =	sld [smem:$0x3FFB];
	_ =	sdelay $0x3  }
0x98: {  	_ =	strace s17  }
0x99: {  	s3 =	sld [smem:$0x3FFC];
	_ =	sdelay $0x3  }
0x9a: {  	_ =	strace s3  }
0x9b: {  	s3 =	sld [smem:$0x3FFD];
	_ =	sdelay $0x3  }
0x9c: {  	_ =	strace s3  }
0x9d: {  	_ =	strace $0x8FFFFFFF  }
0x9e: {  	s18 =	sld [smem:$0x3FDB];
	_ =	sdelay $0x1  }
0x9f: {  	s19 =	simm.s32 $_scs_section_size  }
0xa0: {  	s5 =	simm.s32 $_size__tile_overlayer_lowered;
	s6 =	simm.s32 $_tile_overlayer_lowered  }
0xa1: {  	s22 =	simm.s32 $0x1BFF;
	s21 =	sshll.u32 s6, $0x1;
	s3 =	sadd.s32 s19, s18  }
0xa2: {  	s7 =	simm.s32 $0x0;
	s20 =	sshll.u32 s5, $0x1;
	s5 =	sadd.s32 s21, s3  }
0xa3: {  	[timem:s7], [sflag:s22] =	dma.local [hbm:s5], s20  }
0xa4: {  	_ =	swait.ge [sflag:s22], s20  }
0xa5: {  	s4 =	ssub.s32 $0x0, s20;
	[sflag:s22] =	ssyncset.done $0x0  }
0xa6: {  	[sflag:s22] =	ssyncadd.s32 s4;
	_ =	sdelay $0x1  }
0xa7: {  	s23 =	simm.s32 $0x1B8B  }
0xa8: {  	_ =	swait.ge [sflag:s23], $0x1  }
0xa9: {  	[sflag:s23] =	ssyncset.done $0x0  }
0xaa: {  	s25 =	simm.s32 $0x1B8E;
	s24 =	sld [smem:$0x3FFE];
	[sflag:s23] =	ssyncadd.s32 $0xFFFFFFFF  }
0xab: {  	s26 =	simm.s32 $execute0_lowered;
	[smem:$0x3FD2] =	sst s25  }
0xac: {  	s5 =	sshll.u32 s26, $0x1;
	_ =	strace $0x80000046;
	[dreg:$0x1] =	wrdreg $0xFFFFFFFF  }
0xad: {  	s28 =	simm.s32 $_size_execute0_lowered;
	s3 =	sadd.s32 s3, s5;
	[dreg:$0x0] =	wrdreg $0x0  }
0xae: {  	s5 =	sshll.u32 s28, $0x1;
	[dreg:$0x2] =	wrdreg s3  }
0xaf: {  	[dreg:$0x3] =	wrdreg s5  }
0xb0: {  	[dreg:$0x4] =	wrdreg $0xC0  }
0xb1: {  	_ =	task [dreg:s7], $0x5FFFF  }
0xb2: {  	[dreg:$0x1] =	wrdreg $0xFFFFFFFF  }
0xb3: {  	[dreg:$0x0] =	wrdreg $0x60  }
0xb4: {  	[dreg:$0x2] =	wrdreg s24  }
0xb5: {  	[dreg:$0x3] =	wrdreg s16  }
0xb6: {  	[dreg:$0x4] =	wrdreg $0x9  }
0xb7: {  	_ =	task.clear_ibuf [dreg:s7], $0x5FFFF;
	_ =	strace $0x90000046  }
0xb8: {  	s29 =	simm.s32 $0x9;
	_ =	strace $0x80000048  }
0xb9: {  	_ =	swait.ge [sflag:s29], $0x1  }
0xba: {  	[sflag:s29] =	ssyncadd.s32 $0xFFFFFFFF  }
0xbb: {  	_ =	strace $0x90000048  }
0xbc: {  	_ =	sfence  }
0xbd: {  	s30 =	sld [smem:$0x0];
	_ =	sdelay $0x2  }
0xbe: {  	s31 =	sshll.u32 s1, $0xD;
	s1 =	sshrl.u32 s1, $0x2  }
0xbf: {  	s3 =	sand.u32 $0x4000, s31;
	s1 =	sadd.s32 s1, s30  }
0xc0: {  	s0 =	sor.u32 s3, s0;
	s1 =	sshll.u32 s1, $0x11  }
0xc1: {  	s0 =	sor.u32 s1, s0  }
0xc2: {  	s0 =	sadd.s32 $0x8F2B, s0  }
0xc3: {  	[sflag:s0] =	ssyncadd.remote.s32 $0x1  }
0xc4: {  	_ =	sfence.sel $0xFFFF  }
0xc5: {  	[dreg:$0x0] =	wrdreg $0xFFFFFFFF;
	(pc) =	sbr.abs _section_cstart, $3  }
0xc6: {  	[dreg:$0x1] =	wrdreg $0xFFFFFFFF  }
0xc7: {  	_ =	task.clear_ibuf [dreg:s7], $0x2FFFF;
	_ =	strace $0x9FFFFFFF  }
0xc8: {  	(tm) =	ssettm $0x7FFFFFFF  }
0xc9: {  	_ =	shalt  }
tec
execute0_lowered:
.L_overlay_start_1:
0x0: {  	(tag) =	ssettag $0x1  }
0x1: {  	s3 =	rddreg [dreg:$0x0]  }
0x2: {  	s7 =	rddreg [dreg:$0x1]  }
0x3: {  	s0 =	rddreg [dreg:$0x2]  }
0x4: {  	s2 =	simm.s32 $0x0;
	s4 =	srdreg.scid;
	s1 =	stileid.u32  }
0x5: {  	s13 =	simm.s32 $0x0;
	[smem:$0x7FF] =	sst s2;
	s4 =	sand.u32 $0x1, s4  }
0x6: {  	s6 =	sadd.s32 $0xE00, s3;
	s8 =	sshll.u32 s1, $0x1;
	s9 =	sadd.s32 $0x40E00, s3  }
0x7: {  	_ =	strace $0x80000047;
	s5 =	ssub.s32 $0x2, s4;
	s4 =	sor.u32 s4, s8  }
0x8: {  	s29 =	sshrl.u32 s5, $0x1;
	s30 =	sshll.u32 s4, $0xA;
	s31 =	sshll.u32 s4, $0xD  }
0x9: {  	s8 =	sshll.u32 s4, $0x8;
	s10 =	ssub.s32 s5, s29;
	s5 =	sor.u32 $0x200, s30  }
0xa: {  	s3 =	sadd.s32 s6, s31;
	s4 =	sadd.s32 s7, s8;
	s11 =	sshll.u32 s5, $0x3  }
0xb: {  	s12 =	sshrl.u32 s5, $0x2;
	s5 =	sadd.s32 s9, s8;
	s6 =	sadd.s32 s6, s11  }
0xc: {  	s7 =	sadd.s32 s7, s12;
	s8 =	sadd.s32 s9, s12;
	s9 =	smax.u32 s10, $0x1  }
0xd: {  	v0 =	vlaneseq.u32;
	v1 =	vimm.s32 $0x0;
	s10 =	simm.s32 $0x1;
	s11 =	simm.s32 $0x8000;
	s12 =	simm.s32 $0x8400  }
.LBB2_1:
0xe: {  	[tilespmem:s2], [sflag:$0x1] =	stream.linear.gather [hbm4b:s3+s2], $0x8000, $0x38;
	[tilespmem:$0x8800] =	vst v63  }
0xf: {  	_ =	swait.ge [sflag:s10], $0x8000  }
0x10: {  	[sflag:s10] =	ssyncset.done $0x0  }
0x11: {  	s14 =	simm.s32 $0x0;
	[sflag:s10] =	ssyncadd.s32 $0xFFFF8000  }
.LBB2_2:
0x12: {  	v2 =	vor.u32 s14, v0  }
0x13: {  	v3 =	vshll.u32 v2, $0x6  }
0x14: {  	v4 =	vor.u32 $0x1, v3;
	v6 =	vor.u32 $0x2, v3  }
0x15: {  	v7 =	vor.u32 $0x3, v3;
	v9 =	vor.u32 $0x4, v3;
	v39 =	vor.u32 $0x5, v3  }
0x16: {  	v42 =	vor.u32 $0x6, v3;
	v43 =	vor.u32 $0x7, v3;
	v13 =	vor.u32 $0x10, v3  }
0x17: {  	v44 =	vor.u32 $0x8, v3;
	v45 =	vor.u32 $0x9, v3;
	v55 =	vor.u32 $0xF, v3  }
0x18: {  	v46 =	vor.u32 $0xA, v3;
	v47 =	vor.u32 $0xB, v3;
	v60 =	vor.u32 $0x12, v3;
	v5 =	vld.idx.msk [tilespmem:v3+s2+$0x0], $0xffff  }
0x19: {  	v49 =	vor.u32 $0xC, v3;
	v51 =	vor.u32 $0xD, v3;
	v25 =	vor.u32 $0x14, v3;
	v4 =	vld.idx.msk [tilespmem:v4+s2+$0x0], $0xffff  }
0x1a: {  	v53 =	vor.u32 $0xE, v3;
	v57 =	vor.u32 $0x11, v3;
	v21 =	vor.u32 $0x13, v3;
	v6 =	vld.idx.msk [tilespmem:v6+s2+$0x0], $0xffff  }
0x1b: {  	v26 =	vor.u32 $0x15, v3;
	v29 =	vor.u32 $0x16, v3;
	v32 =	vor.u32 $0x17, v3;
	v59 =	vld.idx.msk [tilespmem:v13+s2+$0x0], $0xffff  }
0x1c: {  	v35 =	vor.u32 $0x18, v3;
	v36 =	vor.u32 $0x19, v3;
	v37 =	vor.u32 $0x1A, v3;
	v58 =	vld.idx.msk [tilespmem:v55+s2+$0x0], $0xffff  }
0x1d: {  	v38 =	vor.u32 $0x1B, v3;
	v23 =	vld.idx.msk [tilespmem:v60+s2+$0x0], $0xffff;
	v55 =	vor.u32 $0x22, v3;
	v60 =	vor.u32 $0x24, v3  }
0x1e: {  	v13 =	vld.idx.msk [tilespmem:v25+s2+$0x0], $0xffff;
	v25 =	vor.u32 $0x26, v3;
	v8 =	vmin.f32 v5, $-Inf;
	vm0 =	vgt.f32 v4, v5  }
0x1f: {  	v7 =	vld.idx.msk [tilespmem:v7+s2+$0x0], $0xffff;
	vm2 =	vgt.f32 v4, v8;
	v10 =	vmin.f32 v5, v4;
	v4 =	vmax.f32 v5, v4  }
0x20: {  	vm3 =	vgt.f32 v59, $-Inf;
	v24 =	vmin.f32 v59, $-Inf;
	vm1 =	vmneg vm0  }
0x21: {  	v9 =	vld.idx.msk [tilespmem:v9+s2+$0x0], $0xffff;
	v8 =	vmax.f32 v8, v10;
	v12 =	vsel vm0, $0x1, v1;
	vm7 =	vgt.f32 v6, v4  }
0x22: {  	v41 =	vmin.f32 v4, v6;
	v4 =	vmax.f32 v4, v6;
	v10 =	vld.idx.msk [tilespmem:v39+s2+$0x0], $0xffff;
	v39 =	vor.u32 $0x1C, v3  }
0x23: {  	vm1 =	vmand vm1, vm2;
	vm6 =	vgt.f32 v6, v8;
	v8 =	vmax.f32 v8, v41  }
0x24: {  	vm9 =	vgt.f32 v7, v4;
	v6 =	vmin.f32 v4, v7;
	v4 =	vmax.f32 v4, v7  }
0x25: {  	v41 =	vor.u32 $0x1D, v3;
	v11 =	vsel vm1, $0x1, v1;
	vm8 =	vgt.f32 v7, v8  }
0x26: {  	v6 =	vmax.f32 v8, v6;
	vm11 =	vgt.f32 v9, v4;
	v7 =	vmin.f32 v4, v9  }
0x27: {  	v4 =	vmax.f32 v4, v9;
	v40 =	vsel vm6, $0x2, v11;
	vm10 =	vgt.f32 v9, v6;
	v11 =	vld.idx.msk [tilespmem:v42+s2+$0x0], $0xffff  }
0x28: {  	v6 =	vmax.f32 v6, v7;
	v7 =	vld.idx.msk [tilespmem:v44+s2+$0x0], $0xffff;
	v44 =	vor.u32 $0x1E, v3;
	v5 =	vsel vm7, v12, v40  }
0x29: {  	v12 =	vsel vm7, $0x2, v12;
	v5 =	vsel vm8, $0x3, v5;
	vm12 =	vgt.f32 v10, v6  }
0x2a: {  	v8 =	vld.idx.msk [tilespmem:v43+s2+$0x0], $0xffff;
	vm13 =	vgt.f32 v10, v4;
	v9 =	vmin.f32 v4, v10;
	v5 =	vsel vm9, v12, v5  }
0x2b: {  	v4 =	vmax.f32 v4, v10;
	v12 =	vsel vm9, $0x3, v12;
	v5 =	vsel vm10, $0x4, v5  }
0x2c: {  	v6 =	vmax.f32 v6, v9;
	v5 =	vsel vm11, v12, v5;
	v12 =	vsel vm11, $0x4, v12  }
0x2d: {  	vm14 =	vgt.f32 v11, v6;
	vm15 =	vgt.f32 v11, v4;
	v10 =	vmin.f32 v4, v11  }
0x2e: {  	v9 =	vld.idx.msk [tilespmem:v45+s2+$0x0], $0xffff;
	v4 =	vmax.f32 v4, v11;
	v5 =	vsel vm12, $0x5, v5;
	v6 =	vmax.f32 v6, v10  }
0x2f: {  	vm5 =	vgt.f32 v8, v4;
	v11 =	vmin.f32 v4, v8;
	v4 =	vmax.f32 v4, v8  }
0x30: {  	v10 =	vld.idx.msk [tilespmem:v46+s2+$0x0], $0xffff;
	v46 =	vor.u32 $0x1F, v3;
	v5 =	vsel vm13, v12, v5;
	v12 =	vsel vm13, $0x5, v12  }
0x31: {  	vm4 =	vgt.f32 v8, v6;
	v6 =	vmax.f32 v6, v11;
	vm7 =	vgt.f32 v7, v4  }
0x32: {  	v8 =	vmin.f32 v4, v7;
	v4 =	vmax.f32 v4, v7;
	v5 =	vsel vm14, $0x6, v5  }
0x33: {  	vm6 =	vgt.f32 v7, v6;
	v6 =	vmax.f32 v6, v8;
	vm9 =	vgt.f32 v9, v4  }
0x34: {  	v11 =	vld.idx.msk [tilespmem:v47+s2+$0x0], $0xffff;
	v50 =	vmin.f32 v4, v9;
	v4 =	vmax.f32 v4, v9;
	v5 =	vsel vm15, v12, v5  }
0x35: {  	v7 =	vld.idx.msk [tilespmem:v49+s2+$0x0], $0xffff;
	v49 =	vor.u32 $0x20, v3;
	v12 =	vsel vm15, $0x6, v12;
	v5 =	vsel vm4, $0x7, v5  }
0x36: {  	vm8 =	vgt.f32 v9, v6;
	v6 =	vmax.f32 v6, v50;
	v5 =	vsel vm5, v12, v5  }
0x37: {  	v12 =	vsel vm5, $0x7, v12;
	vm10 =	vgt.f32 v10, v6;
	vm11 =	vgt.f32 v10, v4  }
0x38: {  	v52 =	vmin.f32 v4, v10;
	v4 =	vmax.f32 v4, v10;
	v5 =	vsel vm6, $0x8, v5  }
0x39: {  	v9 =	vld.idx.msk [tilespmem:v51+s2+$0x0], $0xffff;
	v48 =	vsel vm7, $0x8, v12;
	v6 =	vmax.f32 v6, v52;
	vm13 =	vgt.f32 v11, v4  }
0x3a: {  	v54 =	vmin.f32 v4, v11;
	v4 =	vmax.f32 v4, v11;
	v52 =	vor.u32 $0x21, v3  }
0x3b: {  	v5 =	vsel vm7, v12, v5;
	v8 =	vsel vm9, $0x9, v48;
	vm12 =	vgt.f32 v11, v6  }
0x3c: {  	v10 =	vld.idx.msk [tilespmem:v53+s2+$0x0], $0xffff;
	v6 =	vmax.f32 v6, v54;
	vm14 =	vgt.f32 v7, v4;
	v56 =	vmin.f32 v4, v7  }
0x3d: {  	v4 =	vmax.f32 v4, v7;
	v5 =	vsel vm8, $0x9, v5;
	vm15 =	vgt.f32 v7, v6  }
0x3e: {  	v6 =	vmax.f32 v6, v56;
	vm5 =	vgt.f32 v9, v4;
	v7 =	vmin.f32 v4, v9  }
0x3f: {  	v4 =	vmax.f32 v4, v9;
	v56 =	vor.u32 $0x23, v3;
	v5 =	vsel vm9, v48, v5  }
0x40: {  	v12 =	vld.idx.msk [tilespmem:v57+s2+$0x0], $0xffff;
	vm4 =	vgt.f32 v9, v6;
	v6 =	vmax.f32 v6, v7;
	vm9 =	vlt.f32 v59, $-Inf  }
0x41: {  	v5 =	vsel vm10, $0xA, v5;
	vm6 =	vgt.f32 v10, v6;
	vm7 =	vgt.f32 v10, v4  }
0x42: {  	v62 =	vmin.f32 v4, v10;
	v63 =	vmax.f32 v4, v10;
	vm2 =	vmor vm3, vm9  }
0x43: {  	v5 =	vsel vm11, v8, v5;
	v8 =	vsel vm11, $0xA, v8;
	vm0 =	vgt.f32 v58, v63  }
0x44: {  	v15 =	vsel vm2, $0x10, v1;
	v47 =	vmin.f32 v63, v58;
	v5 =	vsel vm12, $0xB, v5  }
0x45: {  	vm10 =	vgt.f32 v12, v24;
	vm11 =	vgt.f32 v12, v59;
	v17 =	vmin.f32 v59, v12  }
0x46: {  	v9 =	vmax.f32 v59, v12;
	v5 =	vsel vm13, v8, v5;
	v8 =	vsel vm13, $0xB, v8  }
0x47: {  	v4 =	vld.idx.msk [tilespmem:v21+s2+$0x0], $0xffff;
	v16 =	vsel vm10, $0x11, v1;
	v11 =	vmax.f32 v24, v17;
	vm13 =	vgt.f32 v23, v9  }
0x48: {  	v28 =	vmin.f32 v9, v23;
	v9 =	vmax.f32 v9, v23;
	v17 =	vld.idx.msk [tilespmem:v26+s2+$0x0], $0xffff;
	v26 =	vor.u32 $0x27, v3  }
0x49: {  	v5 =	vsel vm15, $0xC, v5;
	v16 =	vsel vm11, v15, v16;
	v15 =	vsel vm11, $0x11, v15  }
0x4a: {  	vm12 =	vgt.f32 v23, v11;
	v11 =	vmax.f32 v11, v28;
	v28 =	vor.u32 $0x29, v3  }
0x4b: {  	v5 =	vsel vm14, v8, v5;
	v8 =	vsel vm14, $0xC, v8;
	v27 =	vsel vm12, $0x12, v16  }
0x4c: {  	vm14 =	vgt.f32 v4, v11;
	vm15 =	vgt.f32 v4, v9;
	v31 =	vmin.f32 v9, v4  }
0x4d: {  	v4 =	vmax.f32 v9, v4;
	v16 =	vld.idx.msk [tilespmem:v29+s2+$0x0], $0xffff;
	v29 =	vor.u32 $0x2A, v3;
	v5 =	vsel vm4, $0xD, v5  }
0x4e: {  	v61 =	vsel vm5, $0xD, v8;
	v12 =	vsel vm13, v15, v27;
	v15 =	vsel vm13, $0x12, v15  }
0x4f: {  	v11 =	vmax.f32 v11, v31;
	v34 =	vmin.f32 v4, v13;
	v27 =	vor.u32 $0x28, v3  }
0x50: {  	v31 =	vor.u32 $0x2C, v3;
	v5 =	vsel vm5, v8, v5;
	v22 =	vsel vm7, $0xE, v61  }
0x51: {  	v30 =	vsel vm14, $0x13, v12;
	vm4 =	vgt.f32 v13, v11;
	vm5 =	vgt.f32 v13, v4  }
0x52: {  	v4 =	vmax.f32 v4, v13;
	v8 =	vmax.f32 v63, v58;
	v5 =	vsel vm6, $0xE, v5  }
0x53: {  	v10 =	vsel vm15, v15, v30;
	v15 =	vsel vm15, $0x13, v15;
	v13 =	vmin.f32 v4, v17  }
0x54: {  	v30 =	vor.u32 $0x2B, v3;
	v14 =	vsel vm7, v61, v5;
	v5 =	vmax.f32 v6, v62  }
0x55: {  	v33 =	vsel vm4, $0x14, v10;
	v10 =	vmax.f32 v11, v34;
	vm7 =	vgt.f32 v17, v4  }
0x56: {  	v4 =	vmax.f32 v4, v17;
	v6 =	vsel vm0, $0xF, v22;
	v62 =	vor.u32 $0x25, v3  }
0x57: {  	v12 =	vld.idx.msk [tilespmem:v32+s2+$0x0], $0xffff;
	v34 =	vor.u32 $0x2D, v3;
	vm8 =	vgt.f32 v58, v5;
	v9 =	vsel vm5, v15, v33  }
0x58: {  	v15 =	vsel vm5, $0x14, v15;
	vm6 =	vgt.f32 v17, v10;
	v10 =	vmax.f32 v10, v13  }
0x59: {  	v11 =	vld.idx.msk [tilespmem:v35+s2+$0x0], $0xffff;
	vm9 =	vgt.f32 v16, v4;
	v17 =	vmin.f32 v4, v16;
	v4 =	vmax.f32 v4, v16  }
0x5a: {  	v5 =	vmax.f32 v5, v47;
	v58 =	vld.idx.msk [tilespmem:v55+s2+$0x0], $0xffff;
	v55 =	vor.u32 $0x34, v3;
	v14 =	vsel vm8, $0xF, v14  }
0x5b: {  	v9 =	vsel vm6, $0x15, v9;
	vm8 =	vgt.f32 v16, v10;
	v10 =	vmax.f32 v10, v17  }
0x5c: {  	v13 =	vld.idx.msk [tilespmem:v36+s2+$0x0], $0xffff;
	v9 =	vsel vm7, v15, v9;
	v15 =	vsel vm7, $0x15, v15;
	vm10 =	vgt.f32 v12, v10  }
0x5d: {  	vm11 =	vgt.f32 v12, v4;
	v16 =	vmin.f32 v4, v12;
	v4 =	vmax.f32 v4, v12  }
0x5e: {  	v9 =	vsel vm8, $0x16, v9;
	v10 =	vmax.f32 v10, v16;
	v16 =	vld.idx.msk [tilespmem:v38+s2+$0x0], $0xffff;
	v38 =	vor.u32 $0x2E, v3  }
0x5f: {  	v17 =	vld.idx.msk [tilespmem:v37+s2+$0x0], $0xffff;
	v9 =	vsel vm9, v15, v9;
	v15 =	vsel vm9, $0x16, v15;
	vm12 =	vgt.f32 v11, v10  }
0x60: {  	vm13 =	vgt.f32 v11, v4;
	v12 =	vmin.f32 v4, v11;
	v4 =	vmax.f32 v4, v11  }
0x61: {  	v9 =	vsel vm10, $0x17, v9;
	v10 =	vmax.f32 v10, v12;
	vm15 =	vgt.f32 v13, v4  }
0x62: {  	v11 =	vmin.f32 v4, v13;
	v4 =	vmax.f32 v4, v13;
	v9 =	vsel vm11, v15, v9  }
0x63: {  	v15 =	vsel vm11, $0x17, v15;
	vm14 =	vgt.f32 v13, v10;
	v10 =	vmax.f32 v10, v11  }
0x64: {  	vm5 =	vgt.f32 v17, v4;
	v42 =	vmin.f32 v4, v17;
	v43 =	vmax.f32 v4, v17;
	v13 =	vld.idx.msk [tilespmem:v41+s2+$0x0], $0xffff  }
0x65: {  	v4 =	vsel vm0, v22, v14;
	v14 =	vld.idx.msk [tilespmem:v49+s2+$0x0], $0xffff;
	v41 =	vor.u32 $0x30, v3;
	v49 =	vor.u32 $0x33, v3  }
0x66: {  	v12 =	vld.idx.msk [tilespmem:v39+s2+$0x0], $0xffff;
	v9 =	vsel vm12, $0x18, v9;
	vm4 =	vgt.f32 v17, v10;
	v10 =	vmax.f32 v10, v42  }
0x67: {  	v42 =	vor.u32 $0x31, v3;
	v9 =	vsel vm13, v15, v9;
	v15 =	vsel vm13, $0x18, v15  }
0x68: {  	vm6 =	vgt.f32 v16, v10;
	vm7 =	vgt.f32 v16, v43;
	v18 =	vmin.f32 v43, v16  }
0x69: {  	v45 =	vmax.f32 v43, v16;
	v16 =	vld.idx.msk [tilespmem:v56+s2+$0x0], $0xffff;
	v56 =	vor.u32 $0x2F, v3;
	v9 =	vsel vm14, $0x19, v9  }
0x6a: {  	v40 =	vsel vm15, $0x19, v15;
	v10 =	vmax.f32 v10, v18;
	v9 =	vsel vm15, v15, v9  }
0x6b: {  	v17 =	vld.idx.msk [tilespmem:v44+s2+$0x0], $0xffff;
	v11 =	vsel vm5, $0x1A, v40;
	vm8 =	vgt.f32 v12, v10;
	vm9 =	vgt.f32 v12, v45  }
0x6c: {  	v48 =	vmin.f32 v45, v12;
	v12 =	vmax.f32 v45, v12;
	v45 =	vor.u32 $0x32, v3  }
0x6d: {  	v9 =	vsel vm4, $0x1A, v9;
	v10 =	vmax.f32 v10, v48;
	vm10 =	vgt.f32 v13, v12  }
0x6e: {  	v51 =	vld.idx.msk [tilespmem:v46+s2+$0x0], $0xffff;
	v19 =	vmin.f32 v12, v13;
	v12 =	vmax.f32 v12, v13;
	vm15 =	vlt.f32 v14, $-Inf  }
0x6f: {  	vm4 =	vgt.f32 v14, $-Inf;
	v59 =	vmin.f32 v14, $-Inf;
	v9 =	vsel vm5, v40, v9  }
0x70: {  	vm11 =	vgt.f32 v13, v10;
	v10 =	vmax.f32 v10, v19;
	vm12 =	vgt.f32 v17, v12  }
0x71: {  	v15 =	vld.idx.msk [tilespmem:v52+s2+$0x0], $0xffff;
	v54 =	vmin.f32 v12, v17;
	v12 =	vmax.f32 v12, v17;
	vm0 =	vmor vm4, vm15  }
0x72: {  	v19 =	vld.idx.msk [tilespmem:v60+s2+$0x0], $0xffff;
	v60 =	vor.u32 $0x36, v3;
	v9 =	vsel vm6, $0x1B, v9;
	vm13 =	vgt.f32 v17, v10  }
0x73: {  	v10 =	vmax.f32 v10, v54;
	vm1 =	vgt.f32 v51, v12;
	v57 =	vmin.f32 v12, v51  }
0x74: {  	v61 =	vsel vm0, $0x20, v1;
	v9 =	vsel vm7, v11, v9;
	v11 =	vsel vm7, $0x1B, v11  }
0x75: {  	vm14 =	vgt.f32 v51, v10;
	v9 =	vsel vm8, $0x1C, v9;
	v50 =	vsel vm9, $0x1C, v11  }
0x76: {  	vm5 =	vgt.f32 v15, v59;
	vm6 =	vgt.f32 v15, v14;
	v21 =	vmin.f32 v14, v15  }
0x77: {  	v14 =	vmax.f32 v14, v15;
	v9 =	vsel vm9, v11, v9;
	v53 =	vsel vm10, $0x1D, v50  }
0x78: {  	v20 =	vsel vm5, $0x21, v1;
	v18 =	vmax.f32 v59, v21;
	vm8 =	vgt.f32 v58, v14  }
0x79: {  	v24 =	vmin.f32 v14, v58;
	v14 =	vmax.f32 v14, v58;
	v11 =	vmax.f32 v12, v51  }
0x7a: {  	v9 =	vsel vm11, $0x1D, v9;
	v13 =	vsel vm12, $0x1E, v53;
	v20 =	vsel vm6, v61, v20  }
0x7b: {  	v21 =	vld.idx.msk [tilespmem:v62+s2+$0x0], $0xffff;
	vm7 =	vgt.f32 v58, v18;
	v18 =	vmax.f32 v18, v24;
	v17 =	vmin.f32 v14, v16  }
0x7c: {  	v9 =	vsel vm10, v50, v9;
	v63 =	vsel vm7, $0x22, v20;
	vm9 =	vgt.f32 v16, v18  }
0x7d: {  	vm10 =	vgt.f32 v16, v14;
	v17 =	vmax.f32 v18, v17;
	v14 =	vmax.f32 v14, v16  }
0x7e: {  	v9 =	vsel vm13, $0x1E, v9;
	vm11 =	vgt.f32 v19, v17;
	v16 =	vmin.f32 v14, v19  }
0x7f: {  	v20 =	vld.idx.msk [tilespmem:v25+s2+$0x0], $0xffff;
	v9 =	vsel vm12, v53, v9;
	vm12 =	vgt.f32 v19, v14;
	v16 =	vmax.f32 v17, v16  }
0x80: {  	v14 =	vmax.f32 v14, v19;
	v9 =	vsel vm14, $0x1F, v9;
	vm13 =	vgt.f32 v21, v16  }
0x81: {  	v18 =	vld.idx.msk [tilespmem:v26+s2+$0x0], $0xffff;
	vm14 =	vgt.f32 v21, v14;
	v19 =	vmin.f32 v14, v21;
	v14 =	vmax.f32 v14, v21  }
0x82: {  	v7 =	vsel vm1, v13, v9;
	v9 =	vmax.f32 v10, v57;
	v10 =	vsel vm6, $0x21, v61  }
0x83: {  	v16 =	vmax.f32 v16, v19;
	v19 =	vld.idx.msk [tilespmem:v28+s2+$0x0], $0xffff;
	v57 =	vor.u32 $0x35, v3;
	v28 =	vor.u32 $0x37, v3  }
0x84: {  	v17 =	vld.idx.msk [tilespmem:v27+s2+$0x0], $0xffff;
	v15 =	vsel vm8, v10, v63;
	v10 =	vsel vm8, $0x22, v10;
	vm15 =	vgt.f32 v20, v16  }
0x85: {  	vm4 =	vgt.f32 v20, v14;
	v21 =	vmin.f32 v14, v20;
	v14 =	vmax.f32 v14, v20  }
0x86: {  	v15 =	vsel vm9, $0x23, v15;
	v16 =	vmax.f32 v16, v21;
	vm6 =	vgt.f32 v18, v14  }
0x87: {  	v20 =	vmin.f32 v14, v18;
	v14 =	vmax.f32 v14, v18;
	v15 =	vsel vm10, v10, v15  }
0x88: {  	v10 =	vsel vm10, $0x23, v10;
	vm5 =	vgt.f32 v18, v16;
	v16 =	vmax.f32 v16, v20  }
0x89: {  	v21 =	vld.idx.msk [tilespmem:v29+s2+$0x0], $0xffff;
	vm8 =	vgt.f32 v17, v14;
	v18 =	vmin.f32 v14, v17;
	v14 =	vmax.f32 v14, v17  }
0x8a: {  	v20 =	vld.idx.msk [tilespmem:v30+s2+$0x0], $0xffff;
	v30 =	vor.u32 $0x38, v3;
	v15 =	vsel vm11, $0x24, v15;
	vm7 =	vgt.f32 v17, v16  }
0x8b: {  	v16 =	vmax.f32 v16, v18;
	v15 =	vsel vm12, v10, v15;
	v10 =	vsel vm12, $0x24, v10  }
0x8c: {  	vm9 =	vgt.f32 v19, v16;
	vm10 =	vgt.f32 v19, v14;
	v32 =	vmin.f32 v14, v19  }
0x8d: {  	v14 =	vmax.f32 v14, v19;
	v19 =	vld.idx.msk [tilespmem:v34+s2+$0x0], $0xffff;
	v34 =	vor.u32 $0x3A, v3;
	v15 =	vsel vm13, $0x25, v15  }
0x8e: {  	v37 =	vld.idx.msk [tilespmem:v31+s2+$0x0], $0xffff;
	v16 =	vmax.f32 v16, v32;
	v15 =	vsel vm14, v10, v15;
	v10 =	vsel vm14, $0x25, v10  }
0x8f: {  	vm12 =	vgt.f32 v21, v14;
	v22 =	vmin.f32 v14, v21;
	v14 =	vmax.f32 v14, v21  }
0x90: {  	v15 =	vsel vm15, $0x26, v15;
	v36 =	vmax.f32 v16, v22;
	vm14 =	vgt.f32 v20, v14  }
0x91: {  	v40 =	vmin.f32 v14, v20;
	v14 =	vmax.f32 v14, v20;
	v15 =	vsel vm4, v10, v15  }
0x92: {  	v17 =	vld.idx.msk [tilespmem:v38+s2+$0x0], $0xffff;
	v10 =	vsel vm4, $0x26, v10;
	vm13 =	vgt.f32 v20, v36;
	v15 =	vsel vm5, $0x27, v15  }
0x93: {  	vm15 =	vgt.f32 v37, v14;
	v20 =	vmin.f32 v14, v37;
	v15 =	vsel vm6, v10, v15  }
0x94: {  	v14 =	vmax.f32 v14, v37;
	v10 =	vsel vm6, $0x27, v10;
	v15 =	vsel vm7, $0x28, v15  }
0x95: {  	vm11 =	vgt.f32 v21, v16;
	vm5 =	vgt.f32 v19, v14;
	v15 =	vsel vm8, v10, v15  }
0x96: {  	v46 =	vmax.f32 v14, v19;
	v10 =	vsel vm8, $0x28, v10;
	v15 =	vsel vm9, $0x29, v15  }
0x97: {  	v44 =	vmin.f32 v14, v19;
	v48 =	vmin.f32 v46, v17;
	v15 =	vsel vm10, v10, v15  }
0x98: {  	v52 =	vmax.f32 v46, v17;
	v33 =	vsel vm10, $0x29, v10;
	v15 =	vsel vm11, $0x2A, v15  }
0x99: {  	vm7 =	vgt.f32 v17, v46;
	v10 =	vsel vm1, $0x1F, v13;
	v35 =	vsel vm12, v33, v15  }
0x9a: {  	v18 =	vsel vm12, $0x2A, v33;
	v33 =	vor.u32 $0x39, v3;
	v13 =	vsel vm13, $0x2B, v35  }
0x9b: {  	v15 =	vld.idx.msk [tilespmem:v41+s2+$0x0], $0xffff;
	v39 =	vsel vm14, v18, v13;
	v13 =	vmax.f32 v36, v40;
	v18 =	vsel vm14, $0x2B, v18  }
0x9c: {  	v47 =	vld.idx.msk [tilespmem:v42+s2+$0x0], $0xffff;
	v36 =	vor.u32 $0x3B, v3;
	v40 =	vor.u32 $0x3C, v3;
	vm4 =	vgt.f32 v37, v13  }
0x9d: {  	v13 =	vmax.f32 v13, v20;
	v43 =	vsel vm15, $0x2C, v18;
	v12 =	vsel vm4, $0x2C, v39  }
0x9e: {  	vm6 =	vgt.f32 v19, v13;
	v13 =	vmax.f32 v13, v44;
	v16 =	vsel vm5, $0x2D, v43  }
0x9f: {  	v53 =	vld.idx.msk [tilespmem:v45+s2+$0x0], $0xffff;
	v44 =	vor.u32 $0x3E, v3;
	v12 =	vsel vm15, v18, v12;
	vm8 =	vgt.f32 v17, v13  }
0xa0: {  	v21 =	vmax.f32 v13, v48;
	v51 =	vsel vm7, $0x2E, v16;
	vm9 =	vlt.f32 v15, $-Inf  }
0xa1: {  	v22 =	vld.idx.msk [tilespmem:v49+s2+$0x0], $0xffff;
	vm10 =	vgt.f32 v15, $-Inf;
	v54 =	vmin.f32 v15, $-Inf;
	vm12 =	vgt.f32 v47, v15  }
0xa2: {  	v25 =	vmin.f32 v15, v47;
	v15 =	vmax.f32 v15, v47;
	v12 =	vsel vm6, $0x2D, v12  }
0xa3: {  	vm0 =	vmor vm10, vm9;
	vm11 =	vgt.f32 v47, v54;
	v17 =	vmax.f32 v54, v25  }
0xa4: {  	vm14 =	vgt.f32 v53, v15;
	v59 =	vmin.f32 v15, v53;
	v15 =	vmax.f32 v15, v53  }
0xa5: {  	v20 =	vld.idx.msk [tilespmem:v56+s2+$0x0], $0xffff;
	v12 =	vsel vm5, v43, v12;
	v23 =	vsel vm0, $0x30, v1;
	v24 =	vsel vm11, $0x31, v1  }
0xa6: {  	vm13 =	vgt.f32 v53, v17;
	v17 =	vmax.f32 v17, v59;
	vm4 =	vgt.f32 v22, v15  }
0xa7: {  	v18 =	vld.idx.msk [tilespmem:v55+s2+$0x0], $0xffff;
	v62 =	vmin.f32 v15, v22;
	v15 =	vmax.f32 v15, v22;
	v43 =	vor.u32 $0x3D, v3  }
0xa8: {  	v3 =	vor.u32 $0x3F, v3;
	v12 =	vsel vm8, $0x2E, v12;
	v24 =	vsel vm12, v23, v24  }
0xa9: {  	v25 =	vld.idx.msk [tilespmem:v57+s2+$0x0], $0xffff;
	v23 =	vsel vm12, $0x31, v23;
	vm15 =	vgt.f32 v22, v17;
	v17 =	vmax.f32 v17, v62  }
0xaa: {  	v26 =	vmin.f32 v52, v20;
	v50 =	vsel vm7, v16, v12;
	v58 =	vsel vm13, $0x32, v24  }
0xab: {  	v37 =	vmax.f32 v21, v26;
	v12 =	vmax.f32 v52, v20;
	v19 =	vsel vm14, v23, v58  }
0xac: {  	v23 =	vsel vm14, $0x32, v23;
	vm5 =	vgt.f32 v18, v17;
	vm6 =	vgt.f32 v18, v15  }
0xad: {  	v24 =	vld.idx.msk [tilespmem:v60+s2+$0x0], $0xffff;
	v29 =	vmin.f32 v15, v18;
	v15 =	vmax.f32 v15, v18;
	v61 =	vsel vm15, $0x33, v19  }
0xae: {  	v63 =	vsel vm4, $0x33, v23;
	v17 =	vmax.f32 v17, v29;
	vm8 =	vgt.f32 v25, v15  }
0xaf: {  	v18 =	vmin.f32 v15, v25;
	v15 =	vmax.f32 v15, v25;
	vm15 =	vgt.f32 v20, v21  }
0xb0: {  	v32 =	vld.idx.msk [tilespmem:v28+s2+$0x0], $0xffff;
	v16 =	vsel vm4, v23, v61;
	v19 =	vsel vm6, $0x34, v63;
	vm7 =	vgt.f32 v25, v17  }
0xb1: {  	v17 =	vmax.f32 v17, v18;
	v14 =	vsel vm15, $0x2F, v50;
	v16 =	vsel vm5, $0x34, v16  }
0xb2: {  	v23 =	vld.idx.msk [tilespmem:v30+s2+$0x0], $0xffff;
	v31 =	vsel vm8, $0x35, v19;
	v16 =	vsel vm6, v63, v16;
	vm9 =	vgt.f32 v24, v17  }
0xb3: {  	vm10 =	vgt.f32 v24, v15;
	v25 =	vmin.f32 v15, v24;
	v15 =	vmax.f32 v15, v24  }
0xb4: {  	v22 =	vld.idx.msk [tilespmem:v33+s2+$0x0], $0xffff;
	v16 =	vsel vm7, $0x35, v16;
	v17 =	vmax.f32 v17, v25;
	v18 =	vsel vm10, $0x36, v31  }
0xb5: {  	vm11 =	vgt.f32 v32, v15;
	v35 =	vmin.f32 v15, v32;
	v15 =	vmax.f32 v15, v32  }
0xb6: {  	v38 =	vld.idx.msk [tilespmem:v34+s2+$0x0], $0xffff;
	v16 =	vsel vm8, v19, v16;
	vm12 =	vgt.f32 v32, v17;
	v17 =	vmax.f32 v17, v35  }
0xb7: {  	v16 =	vsel vm9, $0x36, v16;
	vm13 =	vgt.f32 v23, v17;
	vm14 =	vgt.f32 v23, v15  }
0xb8: {  	v41 =	vld.idx.msk [tilespmem:v36+s2+$0x0], $0xffff;
	v39 =	vmin.f32 v15, v23;
	v15 =	vmax.f32 v15, v23;
	v16 =	vsel vm10, v31, v16  }
0xb9: {  	v17 =	vmax.f32 v17, v39;
	vm6 =	vgt.f32 v22, v15;
	v42 =	vmin.f32 v15, v22  }
0xba: {  	v46 =	vld.idx.msk [tilespmem:v40+s2+$0x0], $0xffff;
	v15 =	vmax.f32 v15, v22;
	v16 =	vsel vm12, $0x37, v16;
	vm7 =	vgt.f32 v22, v17  }
0xbb: {  	v17 =	vmax.f32 v17, v42;
	vm8 =	vgt.f32 v38, v15;
	v45 =	vmin.f32 v15, v38  }
0xbc: {  	v15 =	vmax.f32 v15, v38;
	v16 =	vsel vm11, v18, v16;
	v18 =	vsel vm11, $0x37, v18  }
0xbd: {  	v48 =	vld.idx.msk [tilespmem:v43+s2+$0x0], $0xffff;
	vm9 =	vgt.f32 v38, v17;
	v17 =	vmax.f32 v17, v45;
	v47 =	vmin.f32 v15, v41  }
0xbe: {  	vm11 =	vgt.f32 v41, v15;
	v15 =	vmax.f32 v15, v41;
	v16 =	vsel vm13, $0x38, v16  }
0xbf: {  	vm10 =	vgt.f32 v41, v17;
	v17 =	vmax.f32 v17, v47;
	vm12 =	vgt.f32 v46, v15  }
0xc0: {  	v22 =	vld.idx.msk [tilespmem:v44+s2+$0x0], $0xffff;
	v24 =	vmin.f32 v15, v46;
	v15 =	vmax.f32 v15, v46;
	v16 =	vsel vm14, v18, v16  }
0xc1: {  	v18 =	vsel vm14, $0x38, v18;
	vm13 =	vgt.f32 v46, v17;
	v17 =	vmax.f32 v17, v24  }
0xc2: {  	vm14 =	vgt.f32 v48, v15;
	v21 =	vmin.f32 v15, v48;
	v15 =	vmax.f32 v15, v48  }
0xc3: {  	v3 =	vld.idx.msk [tilespmem:v3+s2+$0x0], $0xffff;
	v16 =	vsel vm7, $0x39, v16;
	vm15 =	vgt.f32 v48, v17;
	v17 =	vmax.f32 v17, v21  }
0xc4: {  	vm7 =	vgt.f32 v20, v52;
	v16 =	vsel vm6, v18, v16;
	v18 =	vsel vm6, $0x39, v18  }
0xc5: {  	v49 =	vmin.f32 v15, v22;
	vm6 =	vgt.f32 v22, v17;
	v14 =	vsel vm7, v51, v14  }
0xc6: {  	v13 =	vsel vm7, $0x2F, v51;
	v16 =	vsel vm9, $0x3A, v16;
	v17 =	vmax.f32 v17, v49  }
0xc7: {  	v16 =	vsel vm8, v18, v16;
	v18 =	vsel vm8, $0x3A, v18;
	vm8 =	vgt.f32 v22, v15  }
0xc8: {  	v15 =	vmax.f32 v15, v22;
	vm9 =	vgt.f32 v3, v17;
	v16 =	vsel vm10, $0x3B, v16  }
0xc9: {  	vm10 =	vgt.f32 v3, v15;
	v50 =	vmin.f32 v15, v3;
	v3 =	vmax.f32 v15, v3  }
0xca: {  	v16 =	vsel vm11, v18, v16;
	v18 =	vsel vm11, $0x3B, v18;
	vm11 =	vgt.f32 v11, v8  }
0xcb: {  	v17 =	vmax.f32 v17, v50;
	v16 =	vsel vm13, $0x3C, v16;
	v51 =	vsel vm11, v11, v8  }
0xcc: {  	v52 =	vsel vm11, v10, v6;
	v8 =	vsel vm11, v8, v11;
	v6 =	vsel vm11, v6, v10  }
0xcd: {  	vm7 =	vgt.f32 v17, v37;
	v16 =	vsel vm12, v18, v16;
	v18 =	vsel vm12, $0x3C, v18  }
0xce: {  	vm12 =	vgt.f32 v9, v5;
	v55 =	vsel vm7, v17, v37;
	v16 =	vsel vm15, $0x3D, v16  }
0xcf: {  	v5 =	vsel vm12, v9, v5;
	v4 =	vsel vm12, v7, v4;
	v16 =	vsel vm14, v18, v16  }
0xd0: {  	v18 =	vsel vm14, $0x3D, v18;
	vm13 =	vgt.f32 v5, v8;
	v16 =	vsel vm6, $0x3E, v16  }
0xd1: {  	vm14 =	veq.f32 v5, v8;
	vm15 =	vlt.u32 v4, v6;
	v16 =	vsel vm8, v18, v16  }
0xd2: {  	vm6 =	vgt.f32 v3, v12;
	v18 =	vsel vm8, $0x3E, v18;
	v16 =	vsel vm9, $0x3F, v16  }
0xd3: {  	vm1 =	vmand vm14, vm15;
	v16 =	vsel vm10, v18, v16;
	v18 =	vsel vm10, $0x3F, v18  }
0xd4: {  	v53 =	vsel vm6, v12, v3;
	v54 =	vsel vm6, v13, v18;
	v56 =	vsel vm7, v16, v14  }
0xd5: {  	vm0 =	vmor vm13, vm1;
	vm8 =	veq.f32 v55, v53;
	vm2 =	vlt.u32 v56, v54  }
0xd6: {  	v3 =	vsel vm6, v3, v12;
	vm9 =	vgt.f32 v55, v53;
	vm1 =	vmand vm8, vm2  }
0xd7: {  	v5 =	vsel vm0, v5, v8;
	vm11 =	vgt.f32 v3, v51;
	vm10 =	vmor vm9, vm1  }
0xd8: {  	v4 =	vsel vm0, v4, v6;
	v59 =	vsel vm11, v51, v3;
	v7 =	vsel vm10, v55, v53  }
0xd9: {  	v57 =	vsel vm6, v18, v13;
	v58 =	vsel vm10, v56, v54;
	vm12 =	vgt.f32 v7, v5  }
0xda: {  	v60 =	vsel vm11, v52, v57;
	v5 =	vsel vm12, v7, v5;
	v4 =	vsel vm12, v58, v4  }
0xdb: {  	vm13 =	veq.f32 v5, v59;
	vm14 =	vlt.u32 v4, v60  }
0xdc: {  	vm15 =	vgt.f32 v5, v59;
	vm0 =	vmand vm13, vm14  }
0xdd: {  	vm0 =	vmor vm15, vm0  }
0xde: {  	v3 =	vsel vm11, v3, v51;
	v5 =	vsel vm0, v5, v59  }
0xdf: {  	v3 =	vsub.f32 v5, v3;
	_ =	sdelay $0x1  }
0xe0: {  	v3 =	vmul.f32 $1.442695020e+00, v3;
	_ =	sdelay $0x1  }
0xe1: {  	(erf) = vpow2.f32 v3;
	_ =	sdelay $0x8  }
0xe2: {  	v3 =	vpop (erf)  }
0xe3: {  	v3 =	vadd.f32 $1.000000000e+00, v3;
	_ =	sdelay $0x1  }
0xe4: {  	(erf) = vrcp.f32 v3;
	_ =	sdelay $0x5  }
0xe5: {  	v2 =	vshll.u32 v2, $0x1  }
0xe6: {  	v3 =	vor.u32 $0x1, v2;
	_ =	sdelay $0x1  }
0xe7: {  	p0 =	sne.s32 s14, $0x1F0;
	v61 =	vpop (erf)  }
.Ltmp0:
0xe8: {  	v62 =	vsub.f32 $1.000000000e+00, v61;
	(pc) =	sbr.rel @p0 .LBB2_2-.Ltmp0, $4  }
0xe9: {  	[tilespmem:v2+s11+$0x0] =	vst.idx.msk $0xffff, v61  }
0xea: {  	v63 =	vsel vm11, v57, v52;
	[tilespmem:v3+s11+$0x0] =	vst.idx.msk $0xffff, v62  }
0xeb: {  	v4 =	vsel vm0, v4, v60;
	[tilespmem:v2+s12+$0x0] =	vst.idx.msk $0xffff, v63  }
0xec: {  	s14 =	sadd.s32 $0x10, s14;
	[tilespmem:v3+s12+$0x0] =	vst.idx.msk $0xffff, v4  }
0xed: {  	s14 =	simm.s32 $0x0  }
0xee: {  	[hbm4b:s4+s14] =	stream.linear.scatter [tilespmem:s11], [sflag:$0x1], $0x400, $0x38;
	[tilespmem:$0x8800] =	vst v63  }
0xef: {  	_ =	swait.ge [sflag:s10], $0x400  }
0xf0: {  	[sflag:s10] =	ssyncset.done $0x0  }
0xf1: {  	[sflag:s10] =	ssyncadd.s32 $0xFFFFFC00  }
0xf2: {  	[hbm4b:s5+s14] =	stream.linear.scatter [tilespmem:s12], [sflag:$0x1], $0x400, $0x38;
	[tilespmem:$0x8800] =	vst v63  }
0xf3: {  	_ =	swait.ge [sflag:s10], $0x400  }
0xf4: {  	[sflag:s10] =	ssyncset.done $0x0  }
0xf5: {  	[sflag:s10] =	ssyncadd.s32 $0xFFFFFC00  }
0xf6: {  	[tilespmem:s14], [sflag:$0x1] =	stream.linear.gather [hbm4b:s6+s14], $0x8000, $0x38;
	[tilespmem:$0x8800] =	vst v63  }
0xf7: {  	_ =	swait.ge [sflag:s10], $0x8000  }
0xf8: {  	[sflag:s10] =	ssyncset.done $0x0  }
0xf9: {  	[sflag:s10] =	ssyncadd.s32 $0xFFFF8000  }
.LBB2_4:
0xfa: {  	v2 =	vor.u32 s14, v0  }
0xfb: {  	v3 =	vshll.u32 v2, $0x6  }
0xfc: {  	v4 =	vor.u32 $0x1, v3;
	v6 =	vor.u32 $0x2, v3  }
0xfd: {  	v7 =	vor.u32 $0x3, v3;
	v9 =	vor.u32 $0x4, v3;
	v39 =	vor.u32 $0x5, v3  }
0xfe: {  	v42 =	vor.u32 $0x6, v3;
	v43 =	vor.u32 $0x7, v3;
	v13 =	vor.u32 $0x10, v3  }
0xff: {  	v44 =	vor.u32 $0x8, v3;
	v45 =	vor.u32 $0x9, v3;
	v55 =	vor.u32 $0xF, v3  }
0x100: {  	v46 =	vor.u32 $0xA, v3;
	v47 =	vor.u32 $0xB, v3;
	v60 =	vor.u32 $0x12, v3;
	v5 =	vld.idx.msk [tilespmem:v3+s2+$0x0], $0xffff  }
0x101: {  	v49 =	vor.u32 $0xC, v3;
	v51 =	vor.u32 $0xD, v3;
	v25 =	vor.u32 $0x14, v3;
	v4 =	vld.idx.msk [tilespmem:v4+s2+$0x0], $0xffff  }
0x102: {  	v53 =	vor.u32 $0xE, v3;
	v57 =	vor.u32 $0x11, v3;
	v21 =	vor.u32 $0x13, v3;
	v6 =	vld.idx.msk [tilespmem:v6+s2+$0x0], $0xffff  }
0x103: {  	v26 =	vor.u32 $0x15, v3;
	v29 =	vor.u32 $0x16, v3;
	v32 =	vor.u32 $0x17, v3;
	v59 =	vld.idx.msk [tilespmem:v13+s2+$0x0], $0xffff  }
0x104: {  	v35 =	vor.u32 $0x18, v3;
	v36 =	vor.u32 $0x19, v3;
	v37 =	vor.u32 $0x1A, v3;
	v58 =	vld.idx.msk [tilespmem:v55+s2+$0x0], $0xffff  }
0x105: {  	v38 =	vor.u32 $0x1B, v3;
	v23 =	vld.idx.msk [tilespmem:v60+s2+$0x0], $0xffff;
	v55 =	vor.u32 $0x22, v3;
	v60 =	vor.u32 $0x24, v3  }
0x106: {  	v13 =	vld.idx.msk [tilespmem:v25+s2+$0x0], $0xffff;
	v25 =	vor.u32 $0x26, v3;
	v8 =	vmin.f32 v5, $-Inf;
	vm0 =	vgt.f32 v4, v5  }
0x107: {  	v7 =	vld.idx.msk [tilespmem:v7+s2+$0x0], $0xffff;
	vm2 =	vgt.f32 v4, v8;
	v10 =	vmin.f32 v5, v4;
	v4 =	vmax.f32 v5, v4  }
0x108: {  	vm3 =	vgt.f32 v59, $-Inf;
	v24 =	vmin.f32 v59, $-Inf;
	vm1 =	vmneg vm0  }
0x109: {  	v9 =	vld.idx.msk [tilespmem:v9+s2+$0x0], $0xffff;
	v8 =	vmax.f32 v8, v10;
	v12 =	vsel vm0, $0x1, v1;
	vm7 =	vgt.f32 v6, v4  }
0x10a: {  	v41 =	vmin.f32 v4, v6;
	v4 =	vmax.f32 v4, v6;
	v10 =	vld.idx.msk [tilespmem:v39+s2+$0x0], $0xffff;
	v39 =	vor.u32 $0x1C, v3  }
0x10b: {  	vm1 =	vmand vm1, vm2;
	vm6 =	vgt.f32 v6, v8;
	v8 =	vmax.f32 v8, v41  }
0x10c: {  	vm9 =	vgt.f32 v7, v4;
	v6 =	vmin.f32 v4, v7;
	v4 =	vmax.f32 v4, v7  }
0x10d: {  	v41 =	vor.u32 $0x1D, v3;
	v11 =	vsel vm1, $0x1, v1;
	vm8 =	vgt.f32 v7, v8  }
0x10e: {  	v6 =	vmax.f32 v8, v6;
	vm11 =	vgt.f32 v9, v4;
	v7 =	vmin.f32 v4, v9  }
0x10f: {  	v4 =	vmax.f32 v4, v9;
	v40 =	vsel vm6, $0x2, v11;
	vm10 =	vgt.f32 v9, v6;
	v11 =	vld.idx.msk [tilespmem:v42+s2+$0x0], $0xffff  }
0x110: {  	v6 =	vmax.f32 v6, v7;
	v7 =	vld.idx.msk [tilespmem:v44+s2+$0x0], $0xffff;
	v44 =	vor.u32 $0x1E, v3;
	v5 =	vsel vm7, v12, v40  }
0x111: {  	v12 =	vsel vm7, $0x2, v12;
	v5 =	vsel vm8, $0x3, v5;
	vm12 =	vgt.f32 v10, v6  }
0x112: {  	v8 =	vld.idx.msk [tilespmem:v43+s2+$0x0], $0xffff;
	vm13 =	vgt.f32 v10, v4;
	v9 =	vmin.f32 v4, v10;
	v5 =	vsel vm9, v12, v5  }
0x113: {  	v4 =	vmax.f32 v4, v10;
	v12 =	vsel vm9, $0x3, v12;
	v5 =	vsel vm10, $0x4, v5  }
0x114: {  	v6 =	vmax.f32 v6, v9;
	v5 =	vsel vm11, v12, v5;
	v12 =	vsel vm11, $0x4, v12  }
0x115: {  	vm14 =	vgt.f32 v11, v6;
	vm15 =	vgt.f32 v11, v4;
	v10 =	vmin.f32 v4, v11  }
0x116: {  	v9 =	vld.idx.msk [tilespmem:v45+s2+$0x0], $0xffff;
	v4 =	vmax.f32 v4, v11;
	v5 =	vsel vm12, $0x5, v5;
	v6 =	vmax.f32 v6, v10  }
0x117: {  	vm5 =	vgt.f32 v8, v4;
	v11 =	vmin.f32 v4, v8;
	v4 =	vmax.f32 v4, v8  }
0x118: {  	v10 =	vld.idx.msk [tilespmem:v46+s2+$0x0], $0xffff;
	v46 =	vor.u32 $0x1F, v3;
	v5 =	vsel vm13, v12, v5;
	v12 =	vsel vm13, $0x5, v12  }
0x119: {  	vm4 =	vgt.f32 v8, v6;
	v6 =	vmax.f32 v6, v11;
	vm7 =	vgt.f32 v7, v4  }
0x11a: {  	v8 =	vmin.f32 v4, v7;
	v4 =	vmax.f32 v4, v7;
	v5 =	vsel vm14, $0x6, v5  }
0x11b: {  	vm6 =	vgt.f32 v7, v6;
	v6 =	vmax.f32 v6, v8;
	vm9 =	vgt.f32 v9, v4  }
0x11c: {  	v11 =	vld.idx.msk [tilespmem:v47+s2+$0x0], $0xffff;
	v50 =	vmin.f32 v4, v9;
	v4 =	vmax.f32 v4, v9;
	v5 =	vsel vm15, v12, v5  }
0x11d: {  	v7 =	vld.idx.msk [tilespmem:v49+s2+$0x0], $0xffff;
	v49 =	vor.u32 $0x20, v3;
	v12 =	vsel vm15, $0x6, v12;
	v5 =	vsel vm4, $0x7, v5  }
0x11e: {  	vm8 =	vgt.f32 v9, v6;
	v6 =	vmax.f32 v6, v50;
	v5 =	vsel vm5, v12, v5  }
0x11f: {  	v12 =	vsel vm5, $0x7, v12;
	vm10 =	vgt.f32 v10, v6;
	vm11 =	vgt.f32 v10, v4  }
0x120: {  	v52 =	vmin.f32 v4, v10;
	v4 =	vmax.f32 v4, v10;
	v5 =	vsel vm6, $0x8, v5  }
0x121: {  	v9 =	vld.idx.msk [tilespmem:v51+s2+$0x0], $0xffff;
	v48 =	vsel vm7, $0x8, v12;
	v6 =	vmax.f32 v6, v52;
	vm13 =	vgt.f32 v11, v4  }
0x122: {  	v54 =	vmin.f32 v4, v11;
	v4 =	vmax.f32 v4, v11;
	v52 =	vor.u32 $0x21, v3  }
0x123: {  	v5 =	vsel vm7, v12, v5;
	v8 =	vsel vm9, $0x9, v48;
	vm12 =	vgt.f32 v11, v6  }
0x124: {  	v10 =	vld.idx.msk [tilespmem:v53+s2+$0x0], $0xffff;
	v6 =	vmax.f32 v6, v54;
	vm14 =	vgt.f32 v7, v4;
	v56 =	vmin.f32 v4, v7  }
0x125: {  	v4 =	vmax.f32 v4, v7;
	v5 =	vsel vm8, $0x9, v5;
	vm15 =	vgt.f32 v7, v6  }
0x126: {  	v6 =	vmax.f32 v6, v56;
	vm5 =	vgt.f32 v9, v4;
	v7 =	vmin.f32 v4, v9  }
0x127: {  	v4 =	vmax.f32 v4, v9;
	v56 =	vor.u32 $0x23, v3;
	v5 =	vsel vm9, v48, v5  }
0x128: {  	v12 =	vld.idx.msk [tilespmem:v57+s2+$0x0], $0xffff;
	vm4 =	vgt.f32 v9, v6;
	v6 =	vmax.f32 v6, v7;
	vm9 =	vlt.f32 v59, $-Inf  }
0x129: {  	v5 =	vsel vm10, $0xA, v5;
	vm6 =	vgt.f32 v10, v6;
	vm7 =	vgt.f32 v10, v4  }
0x12a: {  	v62 =	vmin.f32 v4, v10;
	v63 =	vmax.f32 v4, v10;
	vm2 =	vmor vm3, vm9  }
0x12b: {  	v5 =	vsel vm11, v8, v5;
	v8 =	vsel vm11, $0xA, v8;
	vm0 =	vgt.f32 v58, v63  }
0x12c: {  	v15 =	vsel vm2, $0x10, v1;
	v47 =	vmin.f32 v63, v58;
	v5 =	vsel vm12, $0xB, v5  }
0x12d: {  	vm10 =	vgt.f32 v12, v24;
	vm11 =	vgt.f32 v12, v59;
	v17 =	vmin.f32 v59, v12  }
0x12e: {  	v9 =	vmax.f32 v59, v12;
	v5 =	vsel vm13, v8, v5;
	v8 =	vsel vm13, $0xB, v8  }
0x12f: {  	v4 =	vld.idx.msk [tilespmem:v21+s2+$0x0], $0xffff;
	v16 =	vsel vm10, $0x11, v1;
	v11 =	vmax.f32 v24, v17;
	vm13 =	vgt.f32 v23, v9  }
0x130: {  	v28 =	vmin.f32 v9, v23;
	v9 =	vmax.f32 v9, v23;
	v17 =	vld.idx.msk [tilespmem:v26+s2+$0x0], $0xffff;
	v26 =	vor.u32 $0x27, v3  }
0x131: {  	v5 =	vsel vm15, $0xC, v5;
	v16 =	vsel vm11, v15, v16;
	v15 =	vsel vm11, $0x11, v15  }
0x132: {  	vm12 =	vgt.f32 v23, v11;
	v11 =	vmax.f32 v11, v28;
	v28 =	vor.u32 $0x29, v3  }
0x133: {  	v5 =	vsel vm14, v8, v5;
	v8 =	vsel vm14, $0xC, v8;
	v27 =	vsel vm12, $0x12, v16  }
0x134: {  	vm14 =	vgt.f32 v4, v11;
	vm15 =	vgt.f32 v4, v9;
	v31 =	vmin.f32 v9, v4  }
0x135: {  	v4 =	vmax.f32 v9, v4;
	v16 =	vld.idx.msk [tilespmem:v29+s2+$0x0], $0xffff;
	v29 =	vor.u32 $0x2A, v3;
	v5 =	vsel vm4, $0xD, v5  }
0x136: {  	v61 =	vsel vm5, $0xD, v8;
	v12 =	vsel vm13, v15, v27;
	v15 =	vsel vm13, $0x12, v15  }
0x137: {  	v11 =	vmax.f32 v11, v31;
	v34 =	vmin.f32 v4, v13;
	v27 =	vor.u32 $0x28, v3  }
0x138: {  	v31 =	vor.u32 $0x2C, v3;
	v5 =	vsel vm5, v8, v5;
	v22 =	vsel vm7, $0xE, v61  }
0x139: {  	v30 =	vsel vm14, $0x13, v12;
	vm4 =	vgt.f32 v13, v11;
	vm5 =	vgt.f32 v13, v4  }
0x13a: {  	v4 =	vmax.f32 v4, v13;
	v8 =	vmax.f32 v63, v58;
	v5 =	vsel vm6, $0xE, v5  }
0x13b: {  	v10 =	vsel vm15, v15, v30;
	v15 =	vsel vm15, $0x13, v15;
	v13 =	vmin.f32 v4, v17  }
0x13c: {  	v30 =	vor.u32 $0x2B, v3;
	v14 =	vsel vm7, v61, v5;
	v5 =	vmax.f32 v6, v62  }
0x13d: {  	v33 =	vsel vm4, $0x14, v10;
	v10 =	vmax.f32 v11, v34;
	vm7 =	vgt.f32 v17, v4  }
0x13e: {  	v4 =	vmax.f32 v4, v17;
	v6 =	vsel vm0, $0xF, v22;
	v62 =	vor.u32 $0x25, v3  }
0x13f: {  	v12 =	vld.idx.msk [tilespmem:v32+s2+$0x0], $0xffff;
	v34 =	vor.u32 $0x2D, v3;
	vm8 =	vgt.f32 v58, v5;
	v9 =	vsel vm5, v15, v33  }
0x140: {  	v15 =	vsel vm5, $0x14, v15;
	vm6 =	vgt.f32 v17, v10;
	v10 =	vmax.f32 v10, v13  }
0x141: {  	v11 =	vld.idx.msk [tilespmem:v35+s2+$0x0], $0xffff;
	vm9 =	vgt.f32 v16, v4;
	v17 =	vmin.f32 v4, v16;
	v4 =	vmax.f32 v4, v16  }
0x142: {  	v5 =	vmax.f32 v5, v47;
	v58 =	vld.idx.msk [tilespmem:v55+s2+$0x0], $0xffff;
	v55 =	vor.u32 $0x34, v3;
	v14 =	vsel vm8, $0xF, v14  }
0x143: {  	v9 =	vsel vm6, $0x15, v9;
	vm8 =	vgt.f32 v16, v10;
	v10 =	vmax.f32 v10, v17  }
0x144: {  	v13 =	vld.idx.msk [tilespmem:v36+s2+$0x0], $0xffff;
	v9 =	vsel vm7, v15, v9;
	v15 =	vsel vm7, $0x15, v15;
	vm10 =	vgt.f32 v12, v10  }
0x145: {  	vm11 =	vgt.f32 v12, v4;
	v16 =	vmin.f32 v4, v12;
	v4 =	vmax.f32 v4, v12  }
0x146: {  	v9 =	vsel vm8, $0x16, v9;
	v10 =	vmax.f32 v10, v16;
	v16 =	vld.idx.msk [tilespmem:v38+s2+$0x0], $0xffff;
	v38 =	vor.u32 $0x2E, v3  }
0x147: {  	v17 =	vld.idx.msk [tilespmem:v37+s2+$0x0], $0xffff;
	v9 =	vsel vm9, v15, v9;
	v15 =	vsel vm9, $0x16, v15;
	vm12 =	vgt.f32 v11, v10  }
0x148: {  	vm13 =	vgt.f32 v11, v4;
	v12 =	vmin.f32 v4, v11;
	v4 =	vmax.f32 v4, v11  }
0x149: {  	v9 =	vsel vm10, $0x17, v9;
	v10 =	vmax.f32 v10, v12;
	vm15 =	vgt.f32 v13, v4  }
0x14a: {  	v11 =	vmin.f32 v4, v13;
	v4 =	vmax.f32 v4, v13;
	v9 =	vsel vm11, v15, v9  }
0x14b: {  	v15 =	vsel vm11, $0x17, v15;
	vm14 =	vgt.f32 v13, v10;
	v10 =	vmax.f32 v10, v11  }
0x14c: {  	vm5 =	vgt.f32 v17, v4;
	v42 =	vmin.f32 v4, v17;
	v43 =	vmax.f32 v4, v17;
	v13 =	vld.idx.msk [tilespmem:v41+s2+$0x0], $0xffff  }
0x14d: {  	v4 =	vsel vm0, v22, v14;
	v14 =	vld.idx.msk [tilespmem:v49+s2+$0x0], $0xffff;
	v41 =	vor.u32 $0x30, v3;
	v49 =	vor.u32 $0x33, v3  }
0x14e: {  	v12 =	vld.idx.msk [tilespmem:v39+s2+$0x0], $0xffff;
	v9 =	vsel vm12, $0x18, v9;
	vm4 =	vgt.f32 v17, v10;
	v10 =	vmax.f32 v10, v42  }
0x14f: {  	v42 =	vor.u32 $0x31, v3;
	v9 =	vsel vm13, v15, v9;
	v15 =	vsel vm13, $0x18, v15  }
0x150: {  	vm6 =	vgt.f32 v16, v10;
	vm7 =	vgt.f32 v16, v43;
	v18 =	vmin.f32 v43, v16  }
0x151: {  	v45 =	vmax.f32 v43, v16;
	v16 =	vld.idx.msk [tilespmem:v56+s2+$0x0], $0xffff;
	v56 =	vor.u32 $0x2F, v3;
	v9 =	vsel vm14, $0x19, v9  }
0x152: {  	v40 =	vsel vm15, $0x19, v15;
	v10 =	vmax.f32 v10, v18;
	v9 =	vsel vm15, v15, v9  }
0x153: {  	v17 =	vld.idx.msk [tilespmem:v44+s2+$0x0], $0xffff;
	v11 =	vsel vm5, $0x1A, v40;
	vm8 =	vgt.f32 v12, v10;
	vm9 =	vgt.f32 v12, v45  }
0x154: {  	v48 =	vmin.f32 v45, v12;
	v12 =	vmax.f32 v45, v12;
	v45 =	vor.u32 $0x32, v3  }
0x155: {  	v9 =	vsel vm4, $0x1A, v9;
	v10 =	vmax.f32 v10, v48;
	vm10 =	vgt.f32 v13, v12  }
0x156: {  	v51 =	vld.idx.msk [tilespmem:v46+s2+$0x0], $0xffff;
	v19 =	vmin.f32 v12, v13;
	v12 =	vmax.f32 v12, v13;
	vm15 =	vlt.f32 v14, $-Inf  }
0x157: {  	vm4 =	vgt.f32 v14, $-Inf;
	v59 =	vmin.f32 v14, $-Inf;
	v9 =	vsel vm5, v40, v9  }
0x158: {  	vm11 =	vgt.f32 v13, v10;
	v10 =	vmax.f32 v10, v19;
	vm12 =	vgt.f32 v17, v12  }
0x159: {  	v15 =	vld.idx.msk [tilespmem:v52+s2+$0x0], $0xffff;
	v54 =	vmin.f32 v12, v17;
	v12 =	vmax.f32 v12, v17;
	vm0 =	vmor vm4, vm15  }
0x15a: {  	v19 =	vld.idx.msk [tilespmem:v60+s2+$0x0], $0xffff;
	v60 =	vor.u32 $0x36, v3;
	v9 =	vsel vm6, $0x1B, v9;
	vm13 =	vgt.f32 v17, v10  }
0x15b: {  	v10 =	vmax.f32 v10, v54;
	vm1 =	vgt.f32 v51, v12;
	v57 =	vmin.f32 v12, v51  }
0x15c: {  	v61 =	vsel vm0, $0x20, v1;
	v9 =	vsel vm7, v11, v9;
	v11 =	vsel vm7, $0x1B, v11  }
0x15d: {  	vm14 =	vgt.f32 v51, v10;
	v9 =	vsel vm8, $0x1C, v9;
	v50 =	vsel vm9, $0x1C, v11  }
0x15e: {  	vm5 =	vgt.f32 v15, v59;
	vm6 =	vgt.f32 v15, v14;
	v21 =	vmin.f32 v14, v15  }
0x15f: {  	v14 =	vmax.f32 v14, v15;
	v9 =	vsel vm9, v11, v9;
	v53 =	vsel vm10, $0x1D, v50  }
0x160: {  	v20 =	vsel vm5, $0x21, v1;
	v18 =	vmax.f32 v59, v21;
	vm8 =	vgt.f32 v58, v14  }
0x161: {  	v24 =	vmin.f32 v14, v58;
	v14 =	vmax.f32 v14, v58;
	v11 =	vmax.f32 v12, v51  }
0x162: {  	v9 =	vsel vm11, $0x1D, v9;
	v13 =	vsel vm12, $0x1E, v53;
	v20 =	vsel vm6, v61, v20  }
0x163: {  	v21 =	vld.idx.msk [tilespmem:v62+s2+$0x0], $0xffff;
	vm7 =	vgt.f32 v58, v18;
	v18 =	vmax.f32 v18, v24;
	v17 =	vmin.f32 v14, v16  }
0x164: {  	v9 =	vsel vm10, v50, v9;
	v63 =	vsel vm7, $0x22, v20;
	vm9 =	vgt.f32 v16, v18  }
0x165: {  	vm10 =	vgt.f32 v16, v14;
	v17 =	vmax.f32 v18, v17;
	v14 =	vmax.f32 v14, v16  }
0x166: {  	v9 =	vsel vm13, $0x1E, v9;
	vm11 =	vgt.f32 v19, v17;
	v16 =	vmin.f32 v14, v19  }
0x167: {  	v20 =	vld.idx.msk [tilespmem:v25+s2+$0x0], $0xffff;
	v9 =	vsel vm12, v53, v9;
	vm12 =	vgt.f32 v19, v14;
	v16 =	vmax.f32 v17, v16  }
0x168: {  	v14 =	vmax.f32 v14, v19;
	v9 =	vsel vm14, $0x1F, v9;
	vm13 =	vgt.f32 v21, v16  }
0x169: {  	v18 =	vld.idx.msk [tilespmem:v26+s2+$0x0], $0xffff;
	vm14 =	vgt.f32 v21, v14;
	v19 =	vmin.f32 v14, v21;
	v14 =	vmax.f32 v14, v21  }
0x16a: {  	v7 =	vsel vm1, v13, v9;
	v9 =	vmax.f32 v10, v57;
	v10 =	vsel vm6, $0x21, v61  }
0x16b: {  	v16 =	vmax.f32 v16, v19;
	v19 =	vld.idx.msk [tilespmem:v28+s2+$0x0], $0xffff;
	v57 =	vor.u32 $0x35, v3;
	v28 =	vor.u32 $0x37, v3  }
0x16c: {  	v17 =	vld.idx.msk [tilespmem:v27+s2+$0x0], $0xffff;
	v15 =	vsel vm8, v10, v63;
	v10 =	vsel vm8, $0x22, v10;
	vm15 =	vgt.f32 v20, v16  }
0x16d: {  	vm4 =	vgt.f32 v20, v14;
	v21 =	vmin.f32 v14, v20;
	v14 =	vmax.f32 v14, v20  }
0x16e: {  	v15 =	vsel vm9, $0x23, v15;
	v16 =	vmax.f32 v16, v21;
	vm6 =	vgt.f32 v18, v14  }
0x16f: {  	v20 =	vmin.f32 v14, v18;
	v14 =	vmax.f32 v14, v18;
	v15 =	vsel vm10, v10, v15  }
0x170: {  	v10 =	vsel vm10, $0x23, v10;
	vm5 =	vgt.f32 v18, v16;
	v16 =	vmax.f32 v16, v20  }
0x171: {  	v21 =	vld.idx.msk [tilespmem:v29+s2+$0x0], $0xffff;
	vm8 =	vgt.f32 v17, v14;
	v18 =	vmin.f32 v14, v17;
	v14 =	vmax.f32 v14, v17  }
0x172: {  	v20 =	vld.idx.msk [tilespmem:v30+s2+$0x0], $0xffff;
	v30 =	vor.u32 $0x38, v3;
	v15 =	vsel vm11, $0x24, v15;
	vm7 =	vgt.f32 v17, v16  }
0x173: {  	v16 =	vmax.f32 v16, v18;
	v15 =	vsel vm12, v10, v15;
	v10 =	vsel vm12, $0x24, v10  }
0x174: {  	vm9 =	vgt.f32 v19, v16;
	vm10 =	vgt.f32 v19, v14;
	v32 =	vmin.f32 v14, v19  }
0x175: {  	v14 =	vmax.f32 v14, v19;
	v19 =	vld.idx.msk [tilespmem:v34+s2+$0x0], $0xffff;
	v34 =	vor.u32 $0x3A, v3;
	v15 =	vsel vm13, $0x25, v15  }
0x176: {  	v37 =	vld.idx.msk [tilespmem:v31+s2+$0x0], $0xffff;
	v16 =	vmax.f32 v16, v32;
	v15 =	vsel vm14, v10, v15;
	v10 =	vsel vm14, $0x25, v10  }
0x177: {  	vm12 =	vgt.f32 v21, v14;
	v22 =	vmin.f32 v14, v21;
	v14 =	vmax.f32 v14, v21  }
0x178: {  	v15 =	vsel vm15, $0x26, v15;
	v36 =	vmax.f32 v16, v22;
	vm14 =	vgt.f32 v20, v14  }
0x179: {  	v40 =	vmin.f32 v14, v20;
	v14 =	vmax.f32 v14, v20;
	v15 =	vsel vm4, v10, v15  }
0x17a: {  	v17 =	vld.idx.msk [tilespmem:v38+s2+$0x0], $0xffff;
	v10 =	vsel vm4, $0x26, v10;
	vm13 =	vgt.f32 v20, v36;
	v15 =	vsel vm5, $0x27, v15  }
0x17b: {  	vm15 =	vgt.f32 v37, v14;
	v20 =	vmin.f32 v14, v37;
	v15 =	vsel vm6, v10, v15  }
0x17c: {  	v14 =	vmax.f32 v14, v37;
	v10 =	vsel vm6, $0x27, v10;
	v15 =	vsel vm7, $0x28, v15  }
0x17d: {  	vm11 =	vgt.f32 v21, v16;
	vm5 =	vgt.f32 v19, v14;
	v15 =	vsel vm8, v10, v15  }
0x17e: {  	v46 =	vmax.f32 v14, v19;
	v10 =	vsel vm8, $0x28, v10;
	v15 =	vsel vm9, $0x29, v15  }
0x17f: {  	v44 =	vmin.f32 v14, v19;
	v48 =	vmin.f32 v46, v17;
	v15 =	vsel vm10, v10, v15  }
0x180: {  	v52 =	vmax.f32 v46, v17;
	v33 =	vsel vm10, $0x29, v10;
	v15 =	vsel vm11, $0x2A, v15  }
0x181: {  	vm7 =	vgt.f32 v17, v46;
	v10 =	vsel vm1, $0x1F, v13;
	v35 =	vsel vm12, v33, v15  }
0x182: {  	v18 =	vsel vm12, $0x2A, v33;
	v33 =	vor.u32 $0x39, v3;
	v13 =	vsel vm13, $0x2B, v35  }
0x183: {  	v15 =	vld.idx.msk [tilespmem:v41+s2+$0x0], $0xffff;
	v39 =	vsel vm14, v18, v13;
	v13 =	vmax.f32 v36, v40;
	v18 =	vsel vm14, $0x2B, v18  }
0x184: {  	v47 =	vld.idx.msk [tilespmem:v42+s2+$0x0], $0xffff;
	v36 =	vor.u32 $0x3B, v3;
	v40 =	vor.u32 $0x3C, v3;
	vm4 =	vgt.f32 v37, v13  }
0x185: {  	v13 =	vmax.f32 v13, v20;
	v43 =	vsel vm15, $0x2C, v18;
	v12 =	vsel vm4, $0x2C, v39  }
0x186: {  	vm6 =	vgt.f32 v19, v13;
	v13 =	vmax.f32 v13, v44;
	v16 =	vsel vm5, $0x2D, v43  }
0x187: {  	v53 =	vld.idx.msk [tilespmem:v45+s2+$0x0], $0xffff;
	v44 =	vor.u32 $0x3E, v3;
	v12 =	vsel vm15, v18, v12;
	vm8 =	vgt.f32 v17, v13  }
0x188: {  	v21 =	vmax.f32 v13, v48;
	v51 =	vsel vm7, $0x2E, v16;
	vm9 =	vlt.f32 v15, $-Inf  }
0x189: {  	v22 =	vld.idx.msk [tilespmem:v49+s2+$0x0], $0xffff;
	vm10 =	vgt.f32 v15, $-Inf;
	v54 =	vmin.f32 v15, $-Inf;
	vm12 =	vgt.f32 v47, v15  }
0x18a: {  	v25 =	vmin.f32 v15, v47;
	v15 =	vmax.f32 v15, v47;
	v12 =	vsel vm6, $0x2D, v12  }
0x18b: {  	vm0 =	vmor vm10, vm9;
	vm11 =	vgt.f32 v47, v54;
	v17 =	vmax.f32 v54, v25  }
0x18c: {  	vm14 =	vgt.f32 v53, v15;
	v59 =	vmin.f32 v15, v53;
	v15 =	vmax.f32 v15, v53  }
0x18d: {  	v20 =	vld.idx.msk [tilespmem:v56+s2+$0x0], $0xffff;
	v12 =	vsel vm5, v43, v12;
	v23 =	vsel vm0, $0x30, v1;
	v24 =	vsel vm11, $0x31, v1  }
0x18e: {  	vm13 =	vgt.f32 v53, v17;
	v17 =	vmax.f32 v17, v59;
	vm4 =	vgt.f32 v22, v15  }
0x18f: {  	v18 =	vld.idx.msk [tilespmem:v55+s2+$0x0], $0xffff;
	v62 =	vmin.f32 v15, v22;
	v15 =	vmax.f32 v15, v22;
	v43 =	vor.u32 $0x3D, v3  }
0x190: {  	v3 =	vor.u32 $0x3F, v3;
	v12 =	vsel vm8, $0x2E, v12;
	v24 =	vsel vm12, v23, v24  }
0x191: {  	v25 =	vld.idx.msk [tilespmem:v57+s2+$0x0], $0xffff;
	v23 =	vsel vm12, $0x31, v23;
	vm15 =	vgt.f32 v22, v17;
	v17 =	vmax.f32 v17, v62  }
0x192: {  	v26 =	vmin.f32 v52, v20;
	v50 =	vsel vm7, v16, v12;
	v58 =	vsel vm13, $0x32, v24  }
0x193: {  	v37 =	vmax.f32 v21, v26;
	v12 =	vmax.f32 v52, v20;
	v19 =	vsel vm14, v23, v58  }
0x194: {  	v23 =	vsel vm14, $0x32, v23;
	vm5 =	vgt.f32 v18, v17;
	vm6 =	vgt.f32 v18, v15  }
0x195: {  	v24 =	vld.idx.msk [tilespmem:v60+s2+$0x0], $0xffff;
	v29 =	vmin.f32 v15, v18;
	v15 =	vmax.f32 v15, v18;
	v61 =	vsel vm15, $0x33, v19  }
0x196: {  	v63 =	vsel vm4, $0x33, v23;
	v17 =	vmax.f32 v17, v29;
	vm8 =	vgt.f32 v25, v15  }
0x197: {  	v18 =	vmin.f32 v15, v25;
	v15 =	vmax.f32 v15, v25;
	vm15 =	vgt.f32 v20, v21  }
0x198: {  	v32 =	vld.idx.msk [tilespmem:v28+s2+$0x0], $0xffff;
	v16 =	vsel vm4, v23, v61;
	v19 =	vsel vm6, $0x34, v63;
	vm7 =	vgt.f32 v25, v17  }
0x199: {  	v17 =	vmax.f32 v17, v18;
	v14 =	vsel vm15, $0x2F, v50;
	v16 =	vsel vm5, $0x34, v16  }
0x19a: {  	v23 =	vld.idx.msk [tilespmem:v30+s2+$0x0], $0xffff;
	v31 =	vsel vm8, $0x35, v19;
	v16 =	vsel vm6, v63, v16;
	vm9 =	vgt.f32 v24, v17  }
0x19b: {  	vm10 =	vgt.f32 v24, v15;
	v25 =	vmin.f32 v15, v24;
	v15 =	vmax.f32 v15, v24  }
0x19c: {  	v22 =	vld.idx.msk [tilespmem:v33+s2+$0x0], $0xffff;
	v16 =	vsel vm7, $0x35, v16;
	v17 =	vmax.f32 v17, v25;
	v18 =	vsel vm10, $0x36, v31  }
0x19d: {  	vm11 =	vgt.f32 v32, v15;
	v35 =	vmin.f32 v15, v32;
	v15 =	vmax.f32 v15, v32  }
0x19e: {  	v38 =	vld.idx.msk [tilespmem:v34+s2+$0x0], $0xffff;
	v16 =	vsel vm8, v19, v16;
	vm12 =	vgt.f32 v32, v17;
	v17 =	vmax.f32 v17, v35  }
0x19f: {  	v16 =	vsel vm9, $0x36, v16;
	vm13 =	vgt.f32 v23, v17;
	vm14 =	vgt.f32 v23, v15  }
0x1a0: {  	v41 =	vld.idx.msk [tilespmem:v36+s2+$0x0], $0xffff;
	v39 =	vmin.f32 v15, v23;
	v15 =	vmax.f32 v15, v23;
	v16 =	vsel vm10, v31, v16  }
0x1a1: {  	v17 =	vmax.f32 v17, v39;
	vm6 =	vgt.f32 v22, v15;
	v42 =	vmin.f32 v15, v22  }
0x1a2: {  	v46 =	vld.idx.msk [tilespmem:v40+s2+$0x0], $0xffff;
	v15 =	vmax.f32 v15, v22;
	v16 =	vsel vm12, $0x37, v16;
	vm7 =	vgt.f32 v22, v17  }
0x1a3: {  	v17 =	vmax.f32 v17, v42;
	vm8 =	vgt.f32 v38, v15;
	v45 =	vmin.f32 v15, v38  }
0x1a4: {  	v15 =	vmax.f32 v15, v38;
	v16 =	vsel vm11, v18, v16;
	v18 =	vsel vm11, $0x37, v18  }
0x1a5: {  	v48 =	vld.idx.msk [tilespmem:v43+s2+$0x0], $0xffff;
	vm9 =	vgt.f32 v38, v17;
	v17 =	vmax.f32 v17, v45;
	v47 =	vmin.f32 v15, v41  }
0x1a6: {  	vm11 =	vgt.f32 v41, v15;
	v15 =	vmax.f32 v15, v41;
	v16 =	vsel vm13, $0x38, v16  }
0x1a7: {  	vm10 =	vgt.f32 v41, v17;
	v17 =	vmax.f32 v17, v47;
	vm12 =	vgt.f32 v46, v15  }
0x1a8: {  	v22 =	vld.idx.msk [tilespmem:v44+s2+$0x0], $0xffff;
	v24 =	vmin.f32 v15, v46;
	v15 =	vmax.f32 v15, v46;
	v16 =	vsel vm14, v18, v16  }
0x1a9: {  	v18 =	vsel vm14, $0x38, v18;
	vm13 =	vgt.f32 v46, v17;
	v17 =	vmax.f32 v17, v24  }
0x1aa: {  	vm14 =	vgt.f32 v48, v15;
	v21 =	vmin.f32 v15, v48;
	v15 =	vmax.f32 v15, v48  }
0x1ab: {  	v3 =	vld.idx.msk [tilespmem:v3+s2+$0x0], $0xffff;
	v16 =	vsel vm7, $0x39, v16;
	vm15 =	vgt.f32 v48, v17;
	v17 =	vmax.f32 v17, v21  }
0x1ac: {  	vm7 =	vgt.f32 v20, v52;
	v16 =	vsel vm6, v18, v16;
	v18 =	vsel vm6, $0x39, v18  }
0x1ad: {  	v49 =	vmin.f32 v15, v22;
	vm6 =	vgt.f32 v22, v17;
	v14 =	vsel vm7, v51, v14  }
0x1ae: {  	v13 =	vsel vm7, $0x2F, v51;
	v16 =	vsel vm9, $0x3A, v16;
	v17 =	vmax.f32 v17, v49  }
0x1af: {  	v16 =	vsel vm8, v18, v16;
	v18 =	vsel vm8, $0x3A, v18;
	vm8 =	vgt.f32 v22, v15  }
0x1b0: {  	v15 =	vmax.f32 v15, v22;
	vm9 =	vgt.f32 v3, v17;
	v16 =	vsel vm10, $0x3B, v16  }
0x1b1: {  	vm10 =	vgt.f32 v3, v15;
	v50 =	vmin.f32 v15, v3;
	v3 =	vmax.f32 v15, v3  }
0x1b2: {  	v16 =	vsel vm11, v18, v16;
	v18 =	vsel vm11, $0x3B, v18;
	vm11 =	vgt.f32 v11, v8  }
0x1b3: {  	v17 =	vmax.f32 v17, v50;
	v16 =	vsel vm13, $0x3C, v16;
	v51 =	vsel vm11, v11, v8  }
0x1b4: {  	v52 =	vsel vm11, v10, v6;
	v8 =	vsel vm11, v8, v11;
	v6 =	vsel vm11, v6, v10  }
0x1b5: {  	vm7 =	vgt.f32 v17, v37;
	v16 =	vsel vm12, v18, v16;
	v18 =	vsel vm12, $0x3C, v18  }
0x1b6: {  	vm12 =	vgt.f32 v9, v5;
	v55 =	vsel vm7, v17, v37;
	v16 =	vsel vm15, $0x3D, v16  }
0x1b7: {  	v5 =	vsel vm12, v9, v5;
	v4 =	vsel vm12, v7, v4;
	v16 =	vsel vm14, v18, v16  }
0x1b8: {  	v18 =	vsel vm14, $0x3D, v18;
	vm13 =	vgt.f32 v5, v8;
	v16 =	vsel vm6, $0x3E, v16  }
0x1b9: {  	vm14 =	veq.f32 v5, v8;
	vm15 =	vlt.u32 v4, v6;
	v16 =	vsel vm8, v18, v16  }
0x1ba: {  	vm6 =	vgt.f32 v3, v12;
	v18 =	vsel vm8, $0x3E, v18;
	v16 =	vsel vm9, $0x3F, v16  }
0x1bb: {  	vm1 =	vmand vm14, vm15;
	v16 =	vsel vm10, v18, v16;
	v18 =	vsel vm10, $0x3F, v18  }
0x1bc: {  	v53 =	vsel vm6, v12, v3;
	v54 =	vsel vm6, v13, v18;
	v56 =	vsel vm7, v16, v14  }
0x1bd: {  	vm0 =	vmor vm13, vm1;
	vm8 =	veq.f32 v55, v53;
	vm2 =	vlt.u32 v56, v54  }
0x1be: {  	v3 =	vsel vm6, v3, v12;
	vm9 =	vgt.f32 v55, v53;
	vm1 =	vmand vm8, vm2  }
0x1bf: {  	v5 =	vsel vm0, v5, v8;
	vm11 =	vgt.f32 v3, v51;
	vm10 =	vmor vm9, vm1  }
0x1c0: {  	v4 =	vsel vm0, v4, v6;
	v59 =	vsel vm11, v51, v3;
	v7 =	vsel vm10, v55, v53  }
0x1c1: {  	v57 =	vsel vm6, v18, v13;
	v58 =	vsel vm10, v56, v54;
	vm12 =	vgt.f32 v7, v5  }
0x1c2: {  	v60 =	vsel vm11, v52, v57;
	v5 =	vsel vm12, v7, v5;
	v4 =	vsel vm12, v58, v4  }
0x1c3: {  	vm13 =	veq.f32 v5, v59;
	vm14 =	vlt.u32 v4, v60  }
0x1c4: {  	vm15 =	vgt.f32 v5, v59;
	vm0 =	vmand vm13, vm14  }
0x1c5: {  	vm0 =	vmor vm15, vm0  }
0x1c6: {  	v3 =	vsel vm11, v3, v51;
	v5 =	vsel vm0, v5, v59  }
0x1c7: {  	v3 =	vsub.f32 v5, v3;
	_ =	sdelay $0x1  }
0x1c8: {  	v3 =	vmul.f32 $1.442695020e+00, v3;
	_ =	sdelay $0x1  }
0x1c9: {  	(erf) = vpow2.f32 v3;
	_ =	sdelay $0x8  }
0x1ca: {  	v3 =	vpop (erf)  }
0x1cb: {  	v3 =	vadd.f32 $1.000000000e+00, v3;
	_ =	sdelay $0x1  }
0x1cc: {  	(erf) = vrcp.f32 v3;
	_ =	sdelay $0x5  }
0x1cd: {  	v2 =	vshll.u32 v2, $0x1  }
0x1ce: {  	v3 =	vor.u32 $0x1, v2;
	_ =	sdelay $0x1  }
0x1cf: {  	p0 =	sne.s32 s14, $0x1F0;
	v61 =	vpop (erf)  }
.Ltmp1:
0x1d0: {  	v62 =	vsub.f32 $1.000000000e+00, v61;
	(pc) =	sbr.rel @p0 .LBB2_4-.Ltmp1, $4  }
0x1d1: {  	[tilespmem:v2+s11+$0x0] =	vst.idx.msk $0xffff, v61  }
0x1d2: {  	v63 =	vsel vm11, v57, v52;
	[tilespmem:v3+s11+$0x0] =	vst.idx.msk $0xffff, v62  }
0x1d3: {  	v4 =	vsel vm0, v4, v60;
	[tilespmem:v2+s12+$0x0] =	vst.idx.msk $0xffff, v63  }
0x1d4: {  	s14 =	sadd.s32 $0x10, s14;
	[tilespmem:v3+s12+$0x0] =	vst.idx.msk $0xffff, v4  }
0x1d5: {  	[hbm4b:s7+s2] =	stream.linear.scatter [tilespmem:s11], [sflag:$0x1], $0x400, $0x38;
	[tilespmem:$0x8800] =	vst v63  }
0x1d6: {  	s13 =	sadd.s32 $0x1, s13;
	_ =	swait.ge [sflag:s10], $0x400  }
0x1d7: {  	p0 =	sne.s32 s13, s9;
	[sflag:s10] =	ssyncset.done $0x0  }
.Ltmp2:
0x1d8: {  	[sflag:s10] =	ssyncadd.s32 $0xFFFFFC00;
	(pc) =	sbr.rel @p0 .LBB2_1-.Ltmp2, $4  }
0x1d9: {  	[hbm4b:s8+s2] =	stream.linear.scatter [tilespmem:s12], [sflag:$0x1], $0x400, $0x38;
	[tilespmem:$0x8800] =	vst v63  }
0x1da: {  	_ =	swait.ge [sflag:s10], $0x400  }
0x1db: {  	[sflag:s10] =	ssyncset.done $0x0  }
0x1dc: {  	[sflag:s10] =	ssyncadd.s32 $0xFFFFFC00  }
0x1dd: {  	_ =	sfence.sel $0x180000  }
0x1de: {  	[bflag:$0x0] =	sbarrier.arrive $0xFFFF  }
0x1df: {  	p0 =	sne.s32 s1, $0x0;
	_ =	strace $0x90000047  }
0x1e0: {  	s0 =	sadd.s32 @!p0 $0x100000, s0;
	[bflag:$0x2] =	sbarrier.arrive $0xFFFF  }
0x1e1: {  	[sflag:s0] =	ssyncadd.tile.s32 @!p0 $0x1;
	_ =	shalt  }
.Lfunc_end2:
_tile_overlayer_lowered:
.L_overlay_start_2:
0x1e2: {  	(tag) =	ssettag $0x2  }
0x1e3: {  	s0 =	rddreg [dreg:$0x0];
	s2 =	stileid.u32  }
0x1e4: {  	s1 =	rddreg [dreg:$0x1];
	p0 =	sne.s32 s2, $0x0  }
0x1e5: {  	s3 =	rddreg [dreg:$0x2];
	[bflag:$0x3] =	sbarrier.arrive $0xFFFF;
	s2 =	simm.s32 @!p0 $0x1C01  }
0x1e6: {  	[timem:s3], [sflag:s2] =	dma.local @!p0 [hbm:s0], s1  }
0x1e7: {  	s0 =	simm.s32 @!p0 $0x1  }
0x1e8: {  	_ =	swait.ge @!p0 [sflag:s0], s1  }
0x1e9: {  	s1 =	ssub.s32 @!p0 $0x0, s1;
	[sflag:s0] =	ssyncset.done @!p0 $0x0  }
0x1ea: {  	[sflag:s0] =	ssyncadd.s32 @!p0 s1  }
0x1eb: {  	[bflag:$0x3] =	sbarrier.arrive $0xFFFF  }
0x1ec: {  	_ =	shalt  }

</sc_bundles>
